<compile_context>
chip_gen: v7x
topology: tpu7x:2x2x1
jax: 0.10.2.dev20260603
libtpu: 0.0.44.dev20260713+nightly
codegen_flags: <defaults>
</compile_context>

<pallas_src>
import functools

import jax
import jax.numpy as jnp
from jax import lax
from jax.experimental import pallas as pl
from jax.experimental.pallas import tpu as pltpu
from jax.experimental.pallas import tpu_sc as plsc

NC = 2
NS = 16
NW = NC * NS
CHUNK = 128
NBUF = 2
ISN = 6
DDEPTH = 3
BLK = 2000

_mesh = functools.partial(
    plsc.VectorSubcoreMesh, core_axis_name="c", subcore_axis_name="s",
    num_cores=NC, num_subcores=NS)


def _chunk_range(w, ncht):
  c0 = (w * ncht) // NW
  c1 = ((w + 1) * ncht) // NW
  return c0, c1


def _sc_degree1(ef, zeros1, n_acc, ncht, which):
  slab_n = n_acc // NS
  base = which * ncht * CHUNK

  @functools.partial(
      pl.kernel,
      out_type=jax.ShapeDtypeStruct((NC, 1, n_acc), jnp.float32),
      mesh=_mesh(),
      scratch_types=[
          pltpu.VMEM((ISN, CHUNK), jnp.int32),
          pltpu.VMEM((CHUNK,), jnp.float32),
          pltpu.VMEM_SHARED((n_acc,), jnp.float32),
          pltpu.SemaphoreType.DMA((ISN,)),
          pltpu.SemaphoreType.DMA((DDEPTH + 1,)),
      ],
      name=f"degrees{which}",
  )
  def k(ef_hbm, z_hbm, deg_hbm, idx_v, ones_v, deg_sh, xsem, osem):
    cid = lax.axis_index("c")
    sid = lax.axis_index("s")
    w = cid * NS + sid
    c0, c1 = _chunk_range(w, ncht)
    nloc = c1 - c0
    for t in range(CHUNK // 16):
      ones_v[pl.ds(t * 16, 16)] = jnp.ones((16,), jnp.float32)
    slab = pl.ds(sid * slab_n, slab_n)
    pltpu.sync_copy(z_hbm.at[slab], deg_sh.at[slab])
    plsc.subcore_barrier()

    def fire_idx(i, ib):
      off = pl.multiple_of(base + (c0 + i) * CHUNK, CHUNK)
      pltpu.async_copy(ef_hbm.at[pl.ds(off, CHUNK)], idx_v.at[ib],
                       xsem.at[ib])

    def wait_idx(i, ib):
      off = pl.multiple_of(base + (c0 + i) * CHUNK, CHUNK)
      pltpu.make_async_copy(
          ef_hbm.at[pl.ds(off, CHUNK)], idx_v.at[ib], xsem.at[ib]).wait()

    def fire_sc(i):
      pltpu.async_copy(ones_v, deg_sh.at[idx_v.at[lax.rem(i, ISN)]],
                       osem.at[lax.rem(i, DDEPTH + 1)], add=True)

    def drain_sc(i):
      pltpu.make_async_copy(
          ones_v, deg_sh.at[idx_v.at[lax.rem(i, ISN)]],
          osem.at[lax.rem(i, DDEPTH + 1)]).wait()

    for r in range(DDEPTH):
      fire_idx(r, r)

    def body(i, carry):
      @pl.when(i + DDEPTH < nloc)
      def _():
        fire_idx(i + DDEPTH, lax.rem(i + DDEPTH, ISN))

      wait_idx(i, lax.rem(i, ISN))
      fire_sc(i)

      @pl.when(i >= 2)
      def _():
        drain_sc(i - 2)

      return carry

    lax.fori_loop(0, nloc, body, 0)
    drain_sc(nloc - 2)
    drain_sc(nloc - 1)
    plsc.subcore_barrier()
    pltpu.sync_copy(deg_sh.at[slab], deg_hbm.at[cid, 0, slab])

  return k(ef, zeros1)


def _sc_aggregate(ef, h_scaled, zeros2, n_acc, ncht, d):
  slab_n = n_acc // NS

  @functools.partial(
      pl.kernel,
      out_type=jax.ShapeDtypeStruct((NC, n_acc, d), jnp.float32),
      mesh=_mesh(),
      scratch_types=[
          pltpu.VMEM((ISN, CHUNK), jnp.int32),
          pltpu.VMEM((ISN, CHUNK), jnp.int32),
          pltpu.VMEM((NBUF, CHUNK, d), jnp.float32),
          pltpu.VMEM_SHARED((n_acc, d), jnp.float32),
          pltpu.SemaphoreType.DMA((ISN,)),
          pltpu.SemaphoreType.DMA((ISN,)),
          pltpu.SemaphoreType.DMA((NBUF,)),
          pltpu.SemaphoreType.DMA((NBUF,)),
      ],
  )
  def k(ef_hbm, h_hbm, z_hbm, agg_hbm,
        sidx_v, didx_v, rows_v, agg_sh, xsem, ysem, gsem, ssem):
    cid = lax.axis_index("c")
    sid = lax.axis_index("s")
    w = cid * NS + sid
    c0, c1 = _chunk_range(w, ncht)
    nloc = c1 - c0
    slab = pl.ds(sid * slab_n, slab_n)
    pltpu.sync_copy(z_hbm.at[slab], agg_sh.at[slab])
    plsc.subcore_barrier()

    def fire_idx(i, ib):
      off = pl.multiple_of((c0 + i) * CHUNK, CHUNK)
      pltpu.async_copy(ef_hbm.at[pl.ds(off, CHUNK)], sidx_v.at[ib],
                       xsem.at[ib])
      pltpu.async_copy(ef_hbm.at[pl.ds(ncht * CHUNK + off, CHUNK)],
                       didx_v.at[ib], ysem.at[ib])

    def wait_idx(i, ib):
      off = pl.multiple_of((c0 + i) * CHUNK, CHUNK)
      pltpu.make_async_copy(
          ef_hbm.at[pl.ds(off, CHUNK)], sidx_v.at[ib], xsem.at[ib]).wait()
      pltpu.make_async_copy(
          ef_hbm.at[pl.ds(ncht * CHUNK + off, CHUNK)], didx_v.at[ib],
          ysem.at[ib]).wait()

    def fire_gather(i, bb):
      ib = lax.rem(i, ISN)
      wait_idx(i, ib)
      pltpu.async_copy(h_hbm.at[sidx_v.at[ib]], rows_v.at[bb], gsem.at[bb])

    for r in range(DDEPTH):
      fire_idx(r, r)
    for bi in range(NBUF):
      fire_gather(bi, bi)

    def body(i, carry):
      ib = lax.rem(i, ISN)
      jb = lax.rem(i, NBUF)

      @pl.when(i + DDEPTH < nloc)
      def _():
        fire_idx(i + DDEPTH, lax.rem(i + DDEPTH, ISN))

      pltpu.make_async_copy(
          h_hbm.at[sidx_v.at[ib]], rows_v.at[jb], gsem.at[jb]).wait()
      pltpu.async_copy(
          rows_v.at[jb], agg_sh.at[didx_v.at[ib]], ssem.at[jb], add=True)

      @pl.when(i >= 1)
      def _():
        ip = i - 1
        pb = lax.rem(ip, NBUF)
        pltpu.make_async_copy(
            rows_v.at[pb], agg_sh.at[didx_v.at[lax.rem(ip, ISN)]],
            ssem.at[pb]).wait()

        @pl.when(ip + NBUF < nloc)
        def _():
          fire_gather(ip + NBUF, pb)

      return carry

    lax.fori_loop(0, nloc, body, 0)
    pltpu.make_async_copy(
        rows_v.at[lax.rem(nloc - 1, NBUF)],
        agg_sh.at[didx_v.at[lax.rem(nloc - 1, ISN)]],
        ssem.at[lax.rem(nloc - 1, NBUF)]).wait()
    plsc.subcore_barrier()
    pltpu.sync_copy(agg_sh.at[slab], agg_hbm.at[cid, slab])

  return k(ef, h_scaled, zeros2)


def _tc_matmul_scale(x, w, degp4, n, d):
  grid = n // BLK

  def body(x_ref, w_ref, deg_ref, o_ref):
    deg = deg_ref[0] + deg_ref[1]
    norm = lax.rsqrt(jnp.maximum(deg, 1.0))
    h = jnp.dot(x_ref[...], w_ref[...], preferred_element_type=jnp.float32)
    o_ref[...] = h * norm

  return pl.pallas_call(
      body,
      grid=(grid,),
      in_specs=[
          pl.BlockSpec((BLK, d), lambda i: (i, 0)),
          pl.BlockSpec((d, d), lambda i: (0, 0)),
          pl.BlockSpec((NC, BLK, 1), lambda i: (0, i, 0)),
      ],
      out_specs=pl.BlockSpec((BLK, d), lambda i: (i, 0)),
      out_shape=jax.ShapeDtypeStruct((n, d), jnp.float32),
  )(x, w, degp4)


def _tc_finalize(aggp, degp4, b2, n, d):
  grid = n // BLK

  def body(agg_ref, deg_ref, b_ref, act_ref, clone_ref):
    agg = agg_ref[0] + agg_ref[1]
    deg = deg_ref[0] + deg_ref[1]
    norm = lax.rsqrt(jnp.maximum(deg, 1.0))
    out = agg * norm + b_ref[...]
    act = jnp.maximum(out, 0.0)
    act_ref[...] = act
    clone_ref[...] = jnp.where(act >= 0.5, 1.0, 0.0).astype(jnp.float32)

  return pl.pallas_call(
      body,
      grid=(grid,),
      in_specs=[
          pl.BlockSpec((NC, BLK, d), lambda i: (0, i, 0)),
          pl.BlockSpec((NC, BLK, 1), lambda i: (0, i, 0)),
          pl.BlockSpec((1, d), lambda i: (0, 0)),
      ],
      out_specs=[
          pl.BlockSpec((BLK, d), lambda i: (i, 0)),
          pl.BlockSpec((BLK, d), lambda i: (i, 0)),
      ],
      out_shape=[
          jax.ShapeDtypeStruct((n, d), jnp.float32),
          jax.ShapeDtypeStruct((n, d), jnp.float32),
      ],
  )(aggp, degp4, b2)


def kernel(in_feat, edge_index, W, b):
  n, d = in_feat.shape
  e = edge_index.shape[1]
  assert e % CHUNK == 0 and n % BLK == 0
  ncht = e // CHUNK
  assert ncht // NW >= max(NBUF, DDEPTH) + 2
  n_acc = (NS * 128) * (-(-n // (NS * 128)))

  ef = edge_index.astype(jnp.int32).reshape(2 * e)
  zeros1 = jnp.zeros((n_acc,), jnp.float32)
  zeros2 = jnp.zeros((n_acc, d), jnp.float32)

  dego = _sc_degree1(ef, zeros1, n_acc, ncht, 0)
  degi = _sc_degree1(ef, zeros1, n_acc, ncht, 1)
  dego4 = dego.reshape(NC, n_acc, 1)[:, :n]
  degi4 = degi.reshape(NC, n_acc, 1)[:, :n]
  h_scaled = _tc_matmul_scale(in_feat, W, dego4, n, d)
  aggp = _sc_aggregate(ef, h_scaled, zeros2, n_acc, ncht, d)
  h_act, h_clone = _tc_finalize(aggp, degi4, b.reshape(1, d), n, d)
  return (h_act, h_clone)

# --- scband reference (transcript-rebuilt; emitter-appended) ---
"""Pipeline reference for scband-gcn-76201309766159 (READ-ONLY COPY).

The authoritative reference and input builder live on the scoring server;
editing this copy changes nothing except your own understanding.
"""

import jax, jax.numpy as jnp
import numpy as np

N = 10000
E = 320000
D = 128

def setup_inputs(seed: int = 0) -> dict:
    key = jax.random.key(seed)
    k1, k2, k3 = jax.random.split(key, 3)
    in_feat = jax.random.normal(k1, (N, D), dtype=jnp.float32)
    edge_index = jax.random.randint(k2, (2, E), 0, N)
    W = jax.random.normal(k3, (D, D), dtype=jnp.float32) * (1.0 / np.sqrt(D))
    b = jnp.zeros((D,), dtype=jnp.float32)
    return {"in_feat": in_feat, "edge_index": edge_index, "W": W, "b": b}

def reference(in_feat, edge_index, W, b):
    # DGL-style GraphConv with norm='both':
    # out = D_dst^{-1/2} * A * D_src^{-1/2} * (X W) + b
    src = edge_index[0]
    dst = edge_index[1]
    ones = jnp.ones((E,), dtype=jnp.float32)
    deg_out = jax.ops.segment_sum(ones, src, num_segments=N)
    deg_in = jax.ops.segment_sum(ones, dst, num_segments=N)
    norm_src = jax.lax.rsqrt(jnp.maximum(deg_out, 1.0))
    norm_dst = jax.lax.rsqrt(jnp.maximum(deg_in, 1.0))
    h = in_feat @ W
    msg = h[src] * norm_src[src][:, None]
    agg = jax.ops.segment_sum(msg, dst, num_segments=N)
    out = agg * norm_dst[:, None] + b
    h_act = jax.nn.relu(out)
    # vectorized form of the elementwise >= 0.5 thresholding loop
    h_clone = jnp.where(h_act >= 0.5, 1.0, 0.0).astype(jnp.float32)
    return (h_act, h_clone)

if __name__ == "__main__":
    import jax
    _d = setup_inputs()
    print(jax.jit(kernel)(*tuple(_d.values())))

</pallas_src>

<mosaic_0001>
#map = affine_map<(d0, d1) -> (0)>
#map1 = affine_map<(d0, d1) -> (0, 0, 0)>
module attributes {stable_mosaic.version = 14 : i64} {
  func.func @degrees1(%arg0: i32, %arg1: i32, %arg2: memref<640000xi32, #tpu.memory_space<hbm>>, %arg3: memref<10240xf32, #tpu.memory_space<hbm>>, %arg4: memref<2x1x10240xf32, #tpu.memory_space<hbm>>, %arg5: memref<6x128xi32, #tpu.memory_space<vmem>>, %arg6: memref<128xf32, #tpu.memory_space<vmem>>, %arg7: memref<10240xf32, #tpu.memory_space<vmem_shared>>, %arg8: memref<6x!tpu.dma_semaphore, #tpu.memory_space<semaphore_mem>>, %arg9: memref<4x!tpu.dma_semaphore, #tpu.memory_space<semaphore_mem>>) attributes {dimension_semantics = [#tpu.dimension_semantics<core_parallel>, #tpu.dimension_semantics<subcore_parallel>], iteration_bounds = array<i64: 2, 16>, scalar_prefetch = 0 : i64, scratch_operands = 5 : i64, tpu.core_type = #tpu.core_type<sc_vector_subcore>, window_params = [{transform_indices = #map}, {transform_indices = #map}, {transform_indices = #map1}]} {
    %mul3A = arith.constant 16 : i32
    %mul3A_0 = arith.muli %arg0, %mul3A : i32
    %add3A = arith.addi %mul3A_0, %arg1 : i32
    %mul3A_1 = arith.constant 2500 : i32
    %mul3A_2 = arith.muli %add3A, %mul3A_1 : i32
    %jit3A = arith.constant 32 : i32
    %div3A = arith.divsi %mul3A_2, %jit3A : i32
    %sign3A = arith.constant 0 : i32
    %sign3A_3 = arith.cmpi sgt, %mul3A_2, %sign3A : i32
    %sign3A_4 = arith.extui %sign3A_3 : i1 to i32
    %sign3A_5 = arith.constant 0 : i32
    %sign3A_6 = arith.cmpi slt, %mul3A_2, %sign3A_5 : i32
    %sign3A_7 = arith.extui %sign3A_6 : i1 to i32
    %sign3A_8 = arith.subi %sign3A_4, %sign3A_7 : i32
    %sign3A_9 = arith.constant 0 : i32
    %sign3A_10 = arith.cmpi sgt, %jit3A, %sign3A_9 : i32
    %sign3A_11 = arith.extui %sign3A_10 : i1 to i32
    %sign3A_12 = arith.constant 0 : i32
    %sign3A_13 = arith.cmpi slt, %jit3A, %sign3A_12 : i32
    %sign3A_14 = arith.extui %sign3A_13 : i1 to i32
    %sign3A_15 = arith.subi %sign3A_11, %sign3A_14 : i32
    %ne3A = arith.cmpi ne, %sign3A_8, %sign3A_15 : i32
    %rem3A = arith.remsi %mul3A_2, %jit3A : i32
    %ne3A_16 = arith.constant 0 : i32
    %ne3A_17 = arith.cmpi ne, %rem3A, %ne3A_16 : i32
    %and3A = arith.andi %ne3A, %ne3A_17 : i1
    %sub3A = arith.constant 1 : i32
    %sub3A_18 = arith.subi %div3A, %sub3A : i32
    %select_n3A = arith.select %and3A, %sub3A_18, %div3A : i32
    %add3A_19 = arith.constant 1 : i32
    %add3A_20 = arith.addi %add3A, %add3A_19 : i32
    %mul3A_21 = arith.constant 2500 : i32
    %mul3A_22 = arith.muli %add3A_20, %mul3A_21 : i32
    %jit3A_23 = arith.constant 32 : i32
    %div3A_24 = arith.divsi %mul3A_22, %jit3A_23 : i32
    %sign3A_25 = arith.constant 0 : i32
    %sign3A_26 = arith.cmpi sgt, %mul3A_22, %sign3A_25 : i32
    %sign3A_27 = arith.extui %sign3A_26 : i1 to i32
    %sign3A_28 = arith.constant 0 : i32
    %sign3A_29 = arith.cmpi slt, %mul3A_22, %sign3A_28 : i32
    %sign3A_30 = arith.extui %sign3A_29 : i1 to i32
    %sign3A_31 = arith.subi %sign3A_27, %sign3A_30 : i32
    %sign3A_32 = arith.constant 0 : i32
    %sign3A_33 = arith.cmpi sgt, %jit3A_23, %sign3A_32 : i32
    %sign3A_34 = arith.extui %sign3A_33 : i1 to i32
    %sign3A_35 = arith.constant 0 : i32
    %sign3A_36 = arith.cmpi slt, %jit3A_23, %sign3A_35 : i32
    %sign3A_37 = arith.extui %sign3A_36 : i1 to i32
    %sign3A_38 = arith.subi %sign3A_34, %sign3A_37 : i32
    %ne3A_39 = arith.cmpi ne, %sign3A_31, %sign3A_38 : i32
    %rem3A_40 = arith.remsi %mul3A_22, %jit3A_23 : i32
    %ne3A_41 = arith.constant 0 : i32
    %ne3A_42 = arith.cmpi ne, %rem3A_40, %ne3A_41 : i32
    %and3A_43 = arith.andi %ne3A_39, %ne3A_42 : i1
    %sub3A_44 = arith.constant 1 : i32
    %sub3A_45 = arith.subi %div3A_24, %sub3A_44 : i32
    %select_n3A_46 = arith.select %and3A_43, %sub3A_45, %div3A_24 : i32
    %sub3A_47 = arith.subi %select_n3A_46, %select_n3A : i32
    %broadcast_in_dim3A = arith.constant 1.000000e+00 : f32
    %broadcast_in_dim3A_48 = vector.broadcast %broadcast_in_dim3A : f32 to vector<16xf32>
    %swap3A = arith.constant 0 : index
    %swap3A_49 = tpu.vector_load %arg6[%swap3A] {strides = array<i32>} : memref<128xf32, #tpu.memory_space<vmem>>, vector<16xf32>,
    %swap3A_50 = vector.shape_cast %swap3A_49 : vector<16xf32> to vector<16xf32>
    %swap3A_51 = vector.shape_cast %broadcast_in_dim3A_48 : vector<16xf32> to vector<16xf32>
    tpu.vector_store %arg6[%swap3A], %swap3A_51 {strides = array<i32>} : memref<128xf32, #tpu.memory_space<vmem>>, vector<16xf32>,
    %broadcast_in_dim3A_52 = arith.constant 1.000000e+00 : f32
    %broadcast_in_dim3A_53 = vector.broadcast %broadcast_in_dim3A_52 : f32 to vector<16xf32>
    %swap3A_54 = arith.constant 16 : index
    %swap3A_55 = tpu.vector_load %arg6[%swap3A_54] {strides = array<i32>} : memref<128xf32, #tpu.memory_space<vmem>>, vector<16xf32>,
    %swap3A_56 = vector.shape_cast %swap3A_55 : vector<16xf32> to vector<16xf32>
    %swap3A_57 = vector.shape_cast %broadcast_in_dim3A_53 : vector<16xf32> to vector<16xf32>
    tpu.vector_store %arg6[%swap3A_54], %swap3A_57 {strides = array<i32>} : memref<128xf32, #tpu.memory_space<vmem>>, vector<16xf32>,
    %broadcast_in_dim3A_58 = arith.constant 1.000000e+00 : f32
    %broadcast_in_dim3A_59 = vector.broadcast %broadcast_in_dim3A_58 : f32 to vector<16xf32>
    %swap3A_60 = arith.constant 32 : index
    %swap3A_61 = tpu.vector_load %arg6[%swap3A_60] {strides = array<i32>} : memref<128xf32, #tpu.memory_space<vmem>>, vector<16xf32>,
    %swap3A_62 = vector.shape_cast %swap3A_61 : vector<16xf32> to vector<16xf32>
    %swap3A_63 = vector.shape_cast %broadcast_in_dim3A_59 : vector<16xf32> to vector<16xf32>
    tpu.vector_store %arg6[%swap3A_60], %swap3A_63 {strides = array<i32>} : memref<128xf32, #tpu.memory_space<vmem>>, vector<16xf32>,
    %broadcast_in_dim3A_64 = arith.constant 1.000000e+00 : f32
    %broadcast_in_dim3A_65 = vector.broadcast %broadcast_in_dim3A_64 : f32 to vector<16xf32>
    %swap3A_66 = arith.constant 48 : index
    %swap3A_67 = tpu.vector_load %arg6[%swap3A_66] {strides = array<i32>} : memref<128xf32, #tpu.memory_space<vmem>>, vector<16xf32>,
    %swap3A_68 = vector.shape_cast %swap3A_67 : vector<16xf32> to vector<16xf32>
    %swap3A_69 = vector.shape_cast %broadcast_in_dim3A_65 : vector<16xf32> to vector<16xf32>
    tpu.vector_store %arg6[%swap3A_66], %swap3A_69 {strides = array<i32>} : memref<128xf32, #tpu.memory_space<vmem>>, vector<16xf32>,
    %broadcast_in_dim3A_70 = arith.constant 1.000000e+00 : f32
    %broadcast_in_dim3A_71 = vector.broadcast %broadcast_in_dim3A_70 : f32 to vector<16xf32>
    %swap3A_72 = arith.constant 64 : index
    %swap3A_73 = tpu.vector_load %arg6[%swap3A_72] {strides = array<i32>} : memref<128xf32, #tpu.memory_space<vmem>>, vector<16xf32>,
    %swap3A_74 = vector.shape_cast %swap3A_73 : vector<16xf32> to vector<16xf32>
    %swap3A_75 = vector.shape_cast %broadcast_in_dim3A_71 : vector<16xf32> to vector<16xf32>
    tpu.vector_store %arg6[%swap3A_72], %swap3A_75 {strides = array<i32>} : memref<128xf32, #tpu.memory_space<vmem>>, vector<16xf32>,
    %broadcast_in_dim3A_76 = arith.constant 1.000000e+00 : f32
    %broadcast_in_dim3A_77 = vector.broadcast %broadcast_in_dim3A_76 : f32 to vector<16xf32>
    %swap3A_78 = arith.constant 80 : index
    %swap3A_79 = tpu.vector_load %arg6[%swap3A_78] {strides = array<i32>} : memref<128xf32, #tpu.memory_space<vmem>>, vector<16xf32>,
    %swap3A_80 = vector.shape_cast %swap3A_79 : vector<16xf32> to vector<16xf32>
    %swap3A_81 = vector.shape_cast %broadcast_in_dim3A_77 : vector<16xf32> to vector<16xf32>
    tpu.vector_store %arg6[%swap3A_78], %swap3A_81 {strides = array<i32>} : memref<128xf32, #tpu.memory_space<vmem>>, vector<16xf32>,
    %broadcast_in_dim3A_82 = arith.constant 1.000000e+00 : f32
    %broadcast_in_dim3A_83 = vector.broadcast %broadcast_in_dim3A_82 : f32 to vector<16xf32>
    %swap3A_84 = arith.constant 96 : index
    %swap3A_85 = tpu.vector_load %arg6[%swap3A_84] {strides = array<i32>} : memref<128xf32, #tpu.memory_space<vmem>>, vector<16xf32>,
    %swap3A_86 = vector.shape_cast %swap3A_85 : vector<16xf32> to vector<16xf32>
    %swap3A_87 = vector.shape_cast %broadcast_in_dim3A_83 : vector<16xf32> to vector<16xf32>
    tpu.vector_store %arg6[%swap3A_84], %swap3A_87 {strides = array<i32>} : memref<128xf32, #tpu.memory_space<vmem>>, vector<16xf32>,
    %broadcast_in_dim3A_88 = arith.constant 1.000000e+00 : f32
    %broadcast_in_dim3A_89 = vector.broadcast %broadcast_in_dim3A_88 : f32 to vector<16xf32>
    %swap3A_90 = arith.constant 112 : index
    %swap3A_91 = tpu.vector_load %arg6[%swap3A_90] {strides = array<i32>} : memref<128xf32, #tpu.memory_space<vmem>>, vector<16xf32>,
    %swap3A_92 = vector.shape_cast %swap3A_91 : vector<16xf32> to vector<16xf32>
    %swap3A_93 = vector.shape_cast %broadcast_in_dim3A_89 : vector<16xf32> to vector<16xf32>
    tpu.vector_store %arg6[%swap3A_90], %swap3A_93 {strides = array<i32>} : memref<128xf32, #tpu.memory_space<vmem>>, vector<16xf32>,
    %mul3A_94 = arith.constant 640 : i32
    %mul3A_95 = arith.muli %arg1, %mul3A_94 : i32
    "tpu.region"() ({
      %run_scoped3A_186 = tpu.sem_alloc : memref<!tpu.dma_semaphore, #tpu.memory_space<semaphore_mem>>
      %dma_start3A_187 = tpu.memref_slice %arg7[%mul3A_95] : memref<10240xf32, #tpu.memory_space<vmem_shared>> -> memref<640xf32, #tpu.memory_space<vmem_shared>>
      %dma_start3A_188 = tpu.memref_slice %arg3[%mul3A_95] : memref<10240xf32, #tpu.memory_space<hbm>> -> memref<640xf32, #tpu.memory_space<hbm>>
      tpu.enqueue_dma source(%dma_start3A_188 : memref<640xf32, #tpu.memory_space<hbm>>) target(%dma_start3A_187 : memref<640xf32, #tpu.memory_space<vmem_shared>>) target_semaphore(%run_scoped3A_186 : memref<!tpu.dma_semaphore, #tpu.memory_space<semaphore_mem>>)
      %dma_wait3A_189 = tpu.memref_slice %arg7[%mul3A_95] : memref<10240xf32, #tpu.memory_space<vmem_shared>> -> memref<640xf32, #tpu.memory_space<vmem_shared>>
      %dma_wait3A_190 = tpu.memref_slice %arg3[%mul3A_95] : memref<10240xf32, #tpu.memory_space<hbm>> -> memref<640xf32, #tpu.memory_space<hbm>>
      tpu.wait_dma2 semaphore(%run_scoped3A_186 : memref<!tpu.dma_semaphore, #tpu.memory_space<semaphore_mem>>) src(%dma_wait3A_190 : memref<640xf32, #tpu.memory_space<hbm>>) dst(%dma_wait3A_189 : memref<640xf32, #tpu.memory_space<vmem_shared>>)
      tpu.yield
    }) : () -> ()
    %barrier3A = arith.constant 0 : index
    tpu.barrier barrier_id(%barrier3A)
    %add3A_96 = arith.constant 0 : i32
    %add3A_97 = arith.addi %select_n3A, %add3A_96 : i32
    %mul3A_98 = arith.constant 128 : i32
    %mul3A_99 = arith.muli %add3A_97, %mul3A_98 : i32
    %add3A_100 = arith.constant 320000 : i32
    %add3A_101 = arith.addi %add3A_100, %mul3A_99 : i32
    %multiple_of3A = tpu.assume_multiple %add3A_101, 128 : i32
    %dma_start3A = arith.constant 0 : i32
    %dma_start3A_102 = arith.constant 0 : i32
    %dma_start3A_103 = arith.constant 0 : i32
    %dma_start3A_104 = tpu.memref_slice %arg5[%dma_start3A, %dma_start3A_103] : memref<6x128xi32, #tpu.memory_space<vmem>> -> memref<1x128xi32, #tpu.memory_space<vmem>>
    %dma_start3A_105 = tpu.memref_squeeze %dma_start3A_104 : memref<1x128xi32, #tpu.memory_space<vmem>> -> memref<128xi32, #tpu.memory_space<vmem>>
    %dma_start3A_106 = tpu.memref_slice %arg2[%multiple_of3A] : memref<640000xi32, #tpu.memory_space<hbm>> -> memref<128xi32, #tpu.memory_space<hbm>>
    %dma_start3A_107 = tpu.memref_slice %arg8[%dma_start3A_102] : memref<6x!tpu.dma_semaphore, #tpu.memory_space<semaphore_mem>> -> memref<1x!tpu.dma_semaphore, #tpu.memory_space<semaphore_mem>>
    %dma_start3A_108 = tpu.memref_squeeze %dma_start3A_107 : memref<1x!tpu.dma_semaphore, #tpu.memory_space<semaphore_mem>> -> memref<!tpu.dma_semaphore, #tpu.memory_space<semaphore_mem>>
    %dma_start3A_109 = arith.constant 0 : i32
    %dma_start3A_110 = tpu.memref_slice %arg5[%dma_start3A, %dma_start3A_109] : memref<6x128xi32, #tpu.memory_space<vmem>> -> memref<1x128xi32, #tpu.memory_space<vmem>>
    %dma_start3A_111 = tpu.memref_squeeze %dma_start3A_110 : memref<1x128xi32, #tpu.memory_space<vmem>> -> memref<128xi32, #tpu.memory_space<vmem>>
    %dma_start3A_112 = tpu.memref_slice %arg2[%multiple_of3A] : memref<640000xi32, #tpu.memory_space<hbm>> -> memref<128xi32, #tpu.memory_space<hbm>>
    tpu.enqueue_dma source(%dma_start3A_112 : memref<128xi32, #tpu.memory_space<hbm>>) target(%dma_start3A_111 : memref<128xi32, #tpu.memory_space<vmem>>) target_semaphore(%dma_start3A_108 : memref<!tpu.dma_semaphore, #tpu.memory_space<semaphore_mem>>)
    %add3A_113 = arith.constant 1 : i32
    %add3A_114 = arith.addi %select_n3A, %add3A_113 : i32
    %mul3A_115 = arith.constant 128 : i32
    %mul3A_116 = arith.muli %add3A_114, %mul3A_115 : i32
    %add3A_117 = arith.constant 320000 : i32
    %add3A_118 = arith.addi %add3A_117, %mul3A_116 : i32
    %multiple_of3A_119 = tpu.assume_multiple %add3A_118, 128 : i32
    %dma_start3A_120 = arith.constant 1 : i32
    %dma_start3A_121 = arith.constant 1 : i32
    %dma_start3A_122 = arith.constant 0 : i32
    %dma_start3A_123 = tpu.memref_slice %arg5[%dma_start3A_120, %dma_start3A_122] : memref<6x128xi32, #tpu.memory_space<vmem>> -> memref<1x128xi32, #tpu.memory_space<vmem>>
    %dma_start3A_124 = tpu.memref_squeeze %dma_start3A_123 : memref<1x128xi32, #tpu.memory_space<vmem>> -> memref<128xi32, #tpu.memory_space<vmem>>
    %dma_start3A_125 = tpu.memref_slice %arg2[%multiple_of3A_119] : memref<640000xi32, #tpu.memory_space<hbm>> -> memref<128xi32, #tpu.memory_space<hbm>>
    %dma_start3A_126 = tpu.memref_slice %arg8[%dma_start3A_121] : memref<6x!tpu.dma_semaphore, #tpu.memory_space<semaphore_mem>> -> memref<1x!tpu.dma_semaphore, #tpu.memory_space<semaphore_mem>>
    %dma_start3A_127 = tpu.memref_squeeze %dma_start3A_126 : memref<1x!tpu.dma_semaphore, #tpu.memory_space<semaphore_mem>> -> memref<!tpu.dma_semaphore, #tpu.memory_space<semaphore_mem>>
    %dma_start3A_128 = arith.constant 0 : i32
    %dma_start3A_129 = tpu.memref_slice %arg5[%dma_start3A_120, %dma_start3A_128] : memref<6x128xi32, #tpu.memory_space<vmem>> -> memref<1x128xi32, #tpu.memory_space<vmem>>
    %dma_start3A_130 = tpu.memref_squeeze %dma_start3A_129 : memref<1x128xi32, #tpu.memory_space<vmem>> -> memref<128xi32, #tpu.memory_space<vmem>>
    %dma_start3A_131 = tpu.memref_slice %arg2[%multiple_of3A_119] : memref<640000xi32, #tpu.memory_space<hbm>> -> memref<128xi32, #tpu.memory_space<hbm>>
    tpu.enqueue_dma source(%dma_start3A_131 : memref<128xi32, #tpu.memory_space<hbm>>) target(%dma_start3A_130 : memref<128xi32, #tpu.memory_space<vmem>>) target_semaphore(%dma_start3A_127 : memref<!tpu.dma_semaphore, #tpu.memory_space<semaphore_mem>>)
    %add3A_132 = arith.constant 2 : i32
    %add3A_133 = arith.addi %select_n3A, %add3A_132 : i32
    %mul3A_134 = arith.constant 128 : i32
    %mul3A_135 = arith.muli %add3A_133, %mul3A_134 : i32
    %add3A_136 = arith.constant 320000 : i32
    %add3A_137 = arith.addi %add3A_136, %mul3A_135 : i32
    %multiple_of3A_138 = tpu.assume_multiple %add3A_137, 128 : i32
    %dma_start3A_139 = arith.constant 2 : i32
    %dma_start3A_140 = arith.constant 2 : i32
    %dma_start3A_141 = arith.constant 0 : i32
    %dma_start3A_142 = tpu.memref_slice %arg5[%dma_start3A_139, %dma_start3A_141] : memref<6x128xi32, #tpu.memory_space<vmem>> -> memref<1x128xi32, #tpu.memory_space<vmem>>
    %dma_start3A_143 = tpu.memref_squeeze %dma_start3A_142 : memref<1x128xi32, #tpu.memory_space<vmem>> -> memref<128xi32, #tpu.memory_space<vmem>>
    %dma_start3A_144 = tpu.memref_slice %arg2[%multiple_of3A_138] : memref<640000xi32, #tpu.memory_space<hbm>> -> memref<128xi32, #tpu.memory_space<hbm>>
    %dma_start3A_145 = tpu.memref_slice %arg8[%dma_start3A_140] : memref<6x!tpu.dma_semaphore, #tpu.memory_space<semaphore_mem>> -> memref<1x!tpu.dma_semaphore, #tpu.memory_space<semaphore_mem>>
    %dma_start3A_146 = tpu.memref_squeeze %dma_start3A_145 : memref<1x!tpu.dma_semaphore, #tpu.memory_space<semaphore_mem>> -> memref<!tpu.dma_semaphore, #tpu.memory_space<semaphore_mem>>
    %dma_start3A_147 = arith.constant 0 : i32
    %dma_start3A_148 = tpu.memref_slice %arg5[%dma_start3A_139, %dma_start3A_147] : memref<6x128xi32, #tpu.memory_space<vmem>> -> memref<1x128xi32, #tpu.memory_space<vmem>>
    %dma_start3A_149 = tpu.memref_squeeze %dma_start3A_148 : memref<1x128xi32, #tpu.memory_space<vmem>> -> memref<128xi32, #tpu.memory_space<vmem>>
    %dma_start3A_150 = tpu.memref_slice %arg2[%multiple_of3A_138] : memref<640000xi32, #tpu.memory_space<hbm>> -> memref<128xi32, #tpu.memory_space<hbm>>
    tpu.enqueue_dma source(%dma_start3A_150 : memref<128xi32, #tpu.memory_space<hbm>>) target(%dma_start3A_149 : memref<128xi32, #tpu.memory_space<vmem>>) target_semaphore(%dma_start3A_146 : memref<!tpu.dma_semaphore, #tpu.memory_space<semaphore_mem>>)
    %while3A = arith.constant 0 : i32
    %while3A_151 = arith.constant 0 : i32
    %while3A_152 = arith.subi %sub3A_47, %while3A_151 : i32
    %while3A_153 = arith.addi %while3A_151, %while3A_152 : i32
    %while3A_154 = arith.constant 1 : i32
    %while3A_155 = arith.divsi %while3A_152, %while3A_154 : i32
    %while3A_156 = arith.muli %while3A_155, %while3A_154 : i32
    %while3A_157 = arith.addi %while3A_151, %while3A_156 : i32
    %while3A_158 = arith.constant 1 : i32
    scf.for %while3A_186 = %while3A_151 to %while3A_157 step %while3A_158  : i32 {
      %add3A_187 = arith.constant 3 : i32
      %add3A_188 = arith.addi %while3A_186, %add3A_187 : i32
      %lt3A = arith.cmpi slt, %add3A_188, %sub3A_47 : i32
      %convert_element_type3A = arith.extui %lt3A : i1 to i32
      %cond3A = arith.constant 0 : i32
      %cond3A_189 = arith.cmpi ne, %convert_element_type3A, %cond3A : i32
      scf.if %cond3A_189 {
        %add3A_223 = arith.constant 3 : i32
        %add3A_224 = arith.addi %while3A_186, %add3A_223 : i32
        %add3A_225 = arith.constant 3 : i32
        %add3A_226 = arith.addi %while3A_186, %add3A_225 : i32
        %rem3A_227 = arith.constant 6 : i32
        %rem3A_228 = arith.remsi %add3A_226, %rem3A_227 : i32
        %add3A_229 = arith.addi %select_n3A, %add3A_224 : i32
        %mul3A_230 = arith.constant 128 : i32
        %mul3A_231 = arith.muli %add3A_229, %mul3A_230 : i32
        %add3A_232 = arith.constant 320000 : i32
        %add3A_233 = arith.addi %add3A_232, %mul3A_231 : i32
        %multiple_of3A_234 = tpu.assume_multiple %add3A_233, 128 : i32
        %dma_start3A_235 = arith.constant 0 : i32
        %dma_start3A_236 = tpu.memref_slice %arg5[%rem3A_228, %dma_start3A_235] : memref<6x128xi32, #tpu.memory_space<vmem>> -> memref<1x128xi32, #tpu.memory_space<vmem>>
        %dma_start3A_237 = tpu.memref_squeeze %dma_start3A_236 : memref<1x128xi32, #tpu.memory_space<vmem>> -> memref<128xi32, #tpu.memory_space<vmem>>
        %dma_start3A_238 = tpu.memref_slice %arg2[%multiple_of3A_234] : memref<640000xi32, #tpu.memory_space<hbm>> -> memref<128xi32, #tpu.memory_space<hbm>>
        %dma_start3A_239 = tpu.memref_slice %arg8[%rem3A_228] : memref<6x!tpu.dma_semaphore, #tpu.memory_space<semaphore_mem>> -> memref<1x!tpu.dma_semaphore, #tpu.memory_space<semaphore_mem>>
        %dma_start3A_240 = tpu.memref_squeeze %dma_start3A_239 : memref<1x!tpu.dma_semaphore, #tpu.memory_space<semaphore_mem>> -> memref<!tpu.dma_semaphore, #tpu.memory_space<semaphore_mem>>
        %dma_start3A_241 = arith.constant 0 : i32
        %dma_start3A_242 = tpu.memref_slice %arg5[%rem3A_228, %dma_start3A_241] : memref<6x128xi32, #tpu.memory_space<vmem>> -> memref<1x128xi32, #tpu.memory_space<vmem>>
        %dma_start3A_243 = tpu.memref_squeeze %dma_start3A_242 : memref<1x128xi32, #tpu.memory_space<vmem>> -> memref<128xi32, #tpu.memory_space<vmem>>
        %dma_start3A_244 = tpu.memref_slice %arg2[%multiple_of3A_234] : memref<640000xi32, #tpu.memory_space<hbm>> -> memref<128xi32, #tpu.memory_space<hbm>>
        tpu.enqueue_dma source(%dma_start3A_244 : memref<128xi32, #tpu.memory_space<hbm>>) target(%dma_start3A_243 : memref<128xi32, #tpu.memory_space<vmem>>) target_semaphore(%dma_start3A_240 : memref<!tpu.dma_semaphore, #tpu.memory_space<semaphore_mem>>)
      } else {
      }
      %rem3A_190 = arith.constant 6 : i32
      %rem3A_191 = arith.remsi %while3A_186, %rem3A_190 : i32
      %add3A_192 = arith.addi %select_n3A, %while3A_186 : i32
      %mul3A_193 = arith.constant 128 : i32
      %mul3A_194 = arith.muli %add3A_192, %mul3A_193 : i32
      %add3A_195 = arith.constant 320000 : i32
      %add3A_196 = arith.addi %add3A_195, %mul3A_194 : i32
      %multiple_of3A_197 = tpu.assume_multiple %add3A_196, 128 : i32
      %dma_wait3A_198 = arith.constant 0 : i32
      %dma_wait3A_199 = tpu.memref_slice %arg5[%rem3A_191, %dma_wait3A_198] : memref<6x128xi32, #tpu.memory_space<vmem>> -> memref<1x128xi32, #tpu.memory_space<vmem>>
      %dma_wait3A_200 = tpu.memref_squeeze %dma_wait3A_199 : memref<1x128xi32, #tpu.memory_space<vmem>> -> memref<128xi32, #tpu.memory_space<vmem>>
      %dma_wait3A_201 = tpu.memref_slice %arg2[%multiple_of3A_197] : memref<640000xi32, #tpu.memory_space<hbm>> -> memref<128xi32, #tpu.memory_space<hbm>>
      %dma_wait3A_202 = tpu.memref_slice %arg8[%rem3A_191] : memref<6x!tpu.dma_semaphore, #tpu.memory_space<semaphore_mem>> -> memref<1x!tpu.dma_semaphore, #tpu.memory_space<semaphore_mem>>
      %dma_wait3A_203 = tpu.memref_squeeze %dma_wait3A_202 : memref<1x!tpu.dma_semaphore, #tpu.memory_space<semaphore_mem>> -> memref<!tpu.dma_semaphore, #tpu.memory_space<semaphore_mem>>
      %dma_wait3A_204 = arith.constant 0 : i32
      %dma_wait3A_205 = tpu.memref_slice %arg5[%rem3A_191, %dma_wait3A_204] : memref<6x128xi32, #tpu.memory_space<vmem>> -> memref<1x128xi32, #tpu.memory_space<vmem>>
      %dma_wait3A_206 = tpu.memref_squeeze %dma_wait3A_205 : memref<1x128xi32, #tpu.memory_space<vmem>> -> memref<128xi32, #tpu.memory_space<vmem>>
      %dma_wait3A_207 = tpu.memref_slice %arg2[%multiple_of3A_197] : memref<640000xi32, #tpu.memory_space<hbm>> -> memref<128xi32, #tpu.memory_space<hbm>>
      tpu.wait_dma2 semaphore(%dma_wait3A_203 : memref<!tpu.dma_semaphore, #tpu.memory_space<semaphore_mem>>) src(%dma_wait3A_207 : memref<128xi32, #tpu.memory_space<hbm>>) dst(%dma_wait3A_206 : memref<128xi32, #tpu.memory_space<vmem>>)
      %rem3A_208 = arith.constant 6 : i32
      %rem3A_209 = arith.remsi %while3A_186, %rem3A_208 : i32
      %rem3A_210 = arith.constant 4 : i32
      %rem3A_211 = arith.remsi %while3A_186, %rem3A_210 : i32
      %dma_start3A_212 = arith.constant 0 : i32
      %dma_start3A_213 = tpu.memref_slice %arg5[%rem3A_209, %dma_start3A_212] : memref<6x128xi32, #tpu.memory_space<vmem>> -> memref<1x128xi32, #tpu.memory_space<vmem>>
      %dma_start3A_214 = tpu.memref_squeeze %dma_start3A_213 : memref<1x128xi32, #tpu.memory_space<vmem>> -> memref<128xi32, #tpu.memory_space<vmem>>
      %dma_start3A_215 = arith.constant 0 : i32
      %dma_start3A_216 = tpu.memref_slice %arg7[%dma_start3A_215] : memref<10240xf32, #tpu.memory_space<vmem_shared>> -> memref<10240xf32, #tpu.memory_space<vmem_shared>>
      %dma_start3A_217 = tpu.memref_slice %arg9[%rem3A_211] : memref<4x!tpu.dma_semaphore, #tpu.memory_space<semaphore_mem>> -> memref<1x!tpu.dma_semaphore, #tpu.memory_space<semaphore_mem>>
      %dma_start3A_218 = tpu.memref_squeeze %dma_start3A_217 : memref<1x!tpu.dma_semaphore, #tpu.memory_space<semaphore_mem>> -> memref<!tpu.dma_semaphore, #tpu.memory_space<semaphore_mem>>
      tpu.enqueue_indirect_dma source(%arg6 : memref<128xf32, #tpu.memory_space<vmem>>) target(%dma_start3A_216 : memref<10240xf32, #tpu.memory_space<vmem_shared>>) offsets(%dma_start3A_214 : memref<128xi32, #tpu.memory_space<vmem>>) semaphore(%dma_start3A_218 : memref<!tpu.dma_semaphore, #tpu.memory_space<semaphore_mem>>) {add = true}
      %ge3A = arith.constant 2 : i32
      %ge3A_219 = arith.cmpi sge, %while3A_186, %ge3A : i32
      %convert_element_type3A_220 = arith.extui %ge3A_219 : i1 to i32
      %cond3A_221 = arith.constant 0 : i32
      %cond3A_222 = arith.cmpi ne, %convert_element_type3A_220, %cond3A_221 : i32
      scf.if %cond3A_222 {
        %sub3A_223 = arith.constant 2 : i32
        %sub3A_224 = arith.subi %while3A_186, %sub3A_223 : i32
        %rem3A_225 = arith.constant 6 : i32
        %rem3A_226 = arith.remsi %sub3A_224, %rem3A_225 : i32
        %rem3A_227 = arith.constant 4 : i32
        %rem3A_228 = arith.remsi %sub3A_224, %rem3A_227 : i32
        %dma_wait3A_229 = arith.constant 0 : i32
        %dma_wait3A_230 = tpu.memref_slice %arg5[%rem3A_226, %dma_wait3A_229] : memref<6x128xi32, #tpu.memory_space<vmem>> -> memref<1x128xi32, #tpu.memory_space<vmem>>
        %dma_wait3A_231 = tpu.memref_squeeze %dma_wait3A_230 : memref<1x128xi32, #tpu.memory_space<vmem>> -> memref<128xi32, #tpu.memory_space<vmem>>
        %dma_wait3A_232 = arith.constant 0 : i32
        %dma_wait3A_233 = tpu.memref_slice %arg7[%dma_wait3A_232] : memref<10240xf32, #tpu.memory_space<vmem_shared>> -> memref<10240xf32, #tpu.memory_space<vmem_shared>>
        %dma_wait3A_234 = tpu.memref_slice %arg9[%rem3A_228] : memref<4x!tpu.dma_semaphore, #tpu.memory_space<semaphore_mem>> -> memref<1x!tpu.dma_semaphore, #tpu.memory_space<semaphore_mem>>
        %dma_wait3A_235 = tpu.memref_squeeze %dma_wait3A_234 : memref<1x!tpu.dma_semaphore, #tpu.memory_space<semaphore_mem>> -> memref<!tpu.dma_semaphore, #tpu.memory_space<semaphore_mem>>
        tpu.wait_indirect_dma semaphore(%dma_wait3A_235 : memref<!tpu.dma_semaphore, #tpu.memory_space<semaphore_mem>>) src(%arg6 : memref<128xf32, #tpu.memory_space<vmem>>) dst(%dma_wait3A_233 : memref<10240xf32, #tpu.memory_space<vmem_shared>>)
      } else {
      }
    }
    %while3A_159 = arith.constant 1 : i32
    scf.for %while3A_186 = %while3A_157 to %while3A_153 step %while3A_159  : i32 {
      %add3A_187 = arith.constant 3 : i32
      %add3A_188 = arith.addi %while3A_186, %add3A_187 : i32
      %lt3A = arith.cmpi slt, %add3A_188, %sub3A_47 : i32
      %convert_element_type3A = arith.extui %lt3A : i1 to i32
      %cond3A = arith.constant 0 : i32
      %cond3A_189 = arith.cmpi ne, %convert_element_type3A, %cond3A : i32
      scf.if %cond3A_189 {
        %add3A_223 = arith.constant 3 : i32
        %add3A_224 = arith.addi %while3A_186, %add3A_223 : i32
        %add3A_225 = arith.constant 3 : i32
        %add3A_226 = arith.addi %while3A_186, %add3A_225 : i32
        %rem3A_227 = arith.constant 6 : i32
        %rem3A_228 = arith.remsi %add3A_226, %rem3A_227 : i32
        %add3A_229 = arith.addi %select_n3A, %add3A_224 : i32
        %mul3A_230 = arith.constant 128 : i32
        %mul3A_231 = arith.muli %add3A_229, %mul3A_230 : i32
        %add3A_232 = arith.constant 320000 : i32
        %add3A_233 = arith.addi %add3A_232, %mul3A_231 : i32
        %multiple_of3A_234 = tpu.assume_multiple %add3A_233, 128 : i32
        %dma_start3A_235 = arith.constant 0 : i32
        %dma_start3A_236 = tpu.memref_slice %arg5[%rem3A_228, %dma_start3A_235] : memref<6x128xi32, #tpu.memory_space<vmem>> -> memref<1x128xi32, #tpu.memory_space<vmem>>
        %dma_start3A_237 = tpu.memref_squeeze %dma_start3A_236 : memref<1x128xi32, #tpu.memory_space<vmem>> -> memref<128xi32, #tpu.memory_space<vmem>>
        %dma_start3A_238 = tpu.memref_slice %arg2[%multiple_of3A_234] : memref<640000xi32, #tpu.memory_space<hbm>> -> memref<128xi32, #tpu.memory_space<hbm>>
        %dma_start3A_239 = tpu.memref_slice %arg8[%rem3A_228] : memref<6x!tpu.dma_semaphore, #tpu.memory_space<semaphore_mem>> -> memref<1x!tpu.dma_semaphore, #tpu.memory_space<semaphore_mem>>
        %dma_start3A_240 = tpu.memref_squeeze %dma_start3A_239 : memref<1x!tpu.dma_semaphore, #tpu.memory_space<semaphore_mem>> -> memref<!tpu.dma_semaphore, #tpu.memory_space<semaphore_mem>>
        %dma_start3A_241 = arith.constant 0 : i32
        %dma_start3A_242 = tpu.memref_slice %arg5[%rem3A_228, %dma_start3A_241] : memref<6x128xi32, #tpu.memory_space<vmem>> -> memref<1x128xi32, #tpu.memory_space<vmem>>
        %dma_start3A_243 = tpu.memref_squeeze %dma_start3A_242 : memref<1x128xi32, #tpu.memory_space<vmem>> -> memref<128xi32, #tpu.memory_space<vmem>>
        %dma_start3A_244 = tpu.memref_slice %arg2[%multiple_of3A_234] : memref<640000xi32, #tpu.memory_space<hbm>> -> memref<128xi32, #tpu.memory_space<hbm>>
        tpu.enqueue_dma source(%dma_start3A_244 : memref<128xi32, #tpu.memory_space<hbm>>) target(%dma_start3A_243 : memref<128xi32, #tpu.memory_space<vmem>>) target_semaphore(%dma_start3A_240 : memref<!tpu.dma_semaphore, #tpu.memory_space<semaphore_mem>>)
      } else {
      }
      %rem3A_190 = arith.constant 6 : i32
      %rem3A_191 = arith.remsi %while3A_186, %rem3A_190 : i32
      %add3A_192 = arith.addi %select_n3A, %while3A_186 : i32
      %mul3A_193 = arith.constant 128 : i32
      %mul3A_194 = arith.muli %add3A_192, %mul3A_193 : i32
      %add3A_195 = arith.constant 320000 : i32
      %add3A_196 = arith.addi %add3A_195, %mul3A_194 : i32
      %multiple_of3A_197 = tpu.assume_multiple %add3A_196, 128 : i32
      %dma_wait3A_198 = arith.constant 0 : i32
      %dma_wait3A_199 = tpu.memref_slice %arg5[%rem3A_191, %dma_wait3A_198] : memref<6x128xi32, #tpu.memory_space<vmem>> -> memref<1x128xi32, #tpu.memory_space<vmem>>
      %dma_wait3A_200 = tpu.memref_squeeze %dma_wait3A_199 : memref<1x128xi32, #tpu.memory_space<vmem>> -> memref<128xi32, #tpu.memory_space<vmem>>
      %dma_wait3A_201 = tpu.memref_slice %arg2[%multiple_of3A_197] : memref<640000xi32, #tpu.memory_space<hbm>> -> memref<128xi32, #tpu.memory_space<hbm>>
      %dma_wait3A_202 = tpu.memref_slice %arg8[%rem3A_191] : memref<6x!tpu.dma_semaphore, #tpu.memory_space<semaphore_mem>> -> memref<1x!tpu.dma_semaphore, #tpu.memory_space<semaphore_mem>>
      %dma_wait3A_203 = tpu.memref_squeeze %dma_wait3A_202 : memref<1x!tpu.dma_semaphore, #tpu.memory_space<semaphore_mem>> -> memref<!tpu.dma_semaphore, #tpu.memory_space<semaphore_mem>>
      %dma_wait3A_204 = arith.constant 0 : i32
      %dma_wait3A_205 = tpu.memref_slice %arg5[%rem3A_191, %dma_wait3A_204] : memref<6x128xi32, #tpu.memory_space<vmem>> -> memref<1x128xi32, #tpu.memory_space<vmem>>
      %dma_wait3A_206 = tpu.memref_squeeze %dma_wait3A_205 : memref<1x128xi32, #tpu.memory_space<vmem>> -> memref<128xi32, #tpu.memory_space<vmem>>
      %dma_wait3A_207 = tpu.memref_slice %arg2[%multiple_of3A_197] : memref<640000xi32, #tpu.memory_space<hbm>> -> memref<128xi32, #tpu.memory_space<hbm>>
      tpu.wait_dma2 semaphore(%dma_wait3A_203 : memref<!tpu.dma_semaphore, #tpu.memory_space<semaphore_mem>>) src(%dma_wait3A_207 : memref<128xi32, #tpu.memory_space<hbm>>) dst(%dma_wait3A_206 : memref<128xi32, #tpu.memory_space<vmem>>)
      %rem3A_208 = arith.constant 6 : i32
      %rem3A_209 = arith.remsi %while3A_186, %rem3A_208 : i32
      %rem3A_210 = arith.constant 4 : i32
      %rem3A_211 = arith.remsi %while3A_186, %rem3A_210 : i32
      %dma_start3A_212 = arith.constant 0 : i32
      %dma_start3A_213 = tpu.memref_slice %arg5[%rem3A_209, %dma_start3A_212] : memref<6x128xi32, #tpu.memory_space<vmem>> -> memref<1x128xi32, #tpu.memory_space<vmem>>
      %dma_start3A_214 = tpu.memref_squeeze %dma_start3A_213 : memref<1x128xi32, #tpu.memory_space<vmem>> -> memref<128xi32, #tpu.memory_space<vmem>>
      %dma_start3A_215 = arith.constant 0 : i32
      %dma_start3A_216 = tpu.memref_slice %arg7[%dma_start3A_215] : memref<10240xf32, #tpu.memory_space<vmem_shared>> -> memref<10240xf32, #tpu.memory_space<vmem_shared>>
      %dma_start3A_217 = tpu.memref_slice %arg9[%rem3A_211] : memref<4x!tpu.dma_semaphore, #tpu.memory_space<semaphore_mem>> -> memref<1x!tpu.dma_semaphore, #tpu.memory_space<semaphore_mem>>
      %dma_start3A_218 = tpu.memref_squeeze %dma_start3A_217 : memref<1x!tpu.dma_semaphore, #tpu.memory_space<semaphore_mem>> -> memref<!tpu.dma_semaphore, #tpu.memory_space<semaphore_mem>>
      tpu.enqueue_indirect_dma source(%arg6 : memref<128xf32, #tpu.memory_space<vmem>>) target(%dma_start3A_216 : memref<10240xf32, #tpu.memory_space<vmem_shared>>) offsets(%dma_start3A_214 : memref<128xi32, #tpu.memory_space<vmem>>) semaphore(%dma_start3A_218 : memref<!tpu.dma_semaphore, #tpu.memory_space<semaphore_mem>>) {add = true}
      %ge3A = arith.constant 2 : i32
      %ge3A_219 = arith.cmpi sge, %while3A_186, %ge3A : i32
      %convert_element_type3A_220 = arith.extui %ge3A_219 : i1 to i32
      %cond3A_221 = arith.constant 0 : i32
      %cond3A_222 = arith.cmpi ne, %convert_element_type3A_220, %cond3A_221 : i32
      scf.if %cond3A_222 {
        %sub3A_223 = arith.constant 2 : i32
        %sub3A_224 = arith.subi %while3A_186, %sub3A_223 : i32
        %rem3A_225 = arith.constant 6 : i32
        %rem3A_226 = arith.remsi %sub3A_224, %rem3A_225 : i32
        %rem3A_227 = arith.constant 4 : i32
        %rem3A_228 = arith.remsi %sub3A_224, %rem3A_227 : i32
        %dma_wait3A_229 = arith.constant 0 : i32
        %dma_wait3A_230 = tpu.memref_slice %arg5[%rem3A_226, %dma_wait3A_229] : memref<6x128xi32, #tpu.memory_space<vmem>> -> memref<1x128xi32, #tpu.memory_space<vmem>>
        %dma_wait3A_231 = tpu.memref_squeeze %dma_wait3A_230 : memref<1x128xi32, #tpu.memory_space<vmem>> -> memref<128xi32, #tpu.memory_space<vmem>>
        %dma_wait3A_232 = arith.constant 0 : i32
        %dma_wait3A_233 = tpu.memref_slice %arg7[%dma_wait3A_232] : memref<10240xf32, #tpu.memory_space<vmem_shared>> -> memref<10240xf32, #tpu.memory_space<vmem_shared>>
        %dma_wait3A_234 = tpu.memref_slice %arg9[%rem3A_228] : memref<4x!tpu.dma_semaphore, #tpu.memory_space<semaphore_mem>> -> memref<1x!tpu.dma_semaphore, #tpu.memory_space<semaphore_mem>>
        %dma_wait3A_235 = tpu.memref_squeeze %dma_wait3A_234 : memref<1x!tpu.dma_semaphore, #tpu.memory_space<semaphore_mem>> -> memref<!tpu.dma_semaphore, #tpu.memory_space<semaphore_mem>>
        tpu.wait_indirect_dma semaphore(%dma_wait3A_235 : memref<!tpu.dma_semaphore, #tpu.memory_space<semaphore_mem>>) src(%arg6 : memref<128xf32, #tpu.memory_space<vmem>>) dst(%dma_wait3A_233 : memref<10240xf32, #tpu.memory_space<vmem_shared>>)
      } else {
      }
    }
    %sub3A_160 = arith.constant 2 : i32
    %sub3A_161 = arith.subi %sub3A_47, %sub3A_160 : i32
    %rem3A_162 = arith.constant 6 : i32
    %rem3A_163 = arith.remsi %sub3A_161, %rem3A_162 : i32
    %rem3A_164 = arith.constant 4 : i32
    %rem3A_165 = arith.remsi %sub3A_161, %rem3A_164 : i32
    %dma_wait3A = arith.constant 0 : i32
    %dma_wait3A_166 = tpu.memref_slice %arg5[%rem3A_163, %dma_wait3A] : memref<6x128xi32, #tpu.memory_space<vmem>> -> memref<1x128xi32, #tpu.memory_space<vmem>>
    %dma_wait3A_167 = tpu.memref_squeeze %dma_wait3A_166 : memref<1x128xi32, #tpu.memory_space<vmem>> -> memref<128xi32, #tpu.memory_space<vmem>>
    %dma_wait3A_168 = arith.constant 0 : i32
    %dma_wait3A_169 = tpu.memref_slice %arg7[%dma_wait3A_168] : memref<10240xf32, #tpu.memory_space<vmem_shared>> -> memref<10240xf32, #tpu.memory_space<vmem_shared>>
    %dma_wait3A_170 = tpu.memref_slice %arg9[%rem3A_165] : memref<4x!tpu.dma_semaphore, #tpu.memory_space<semaphore_mem>> -> memref<1x!tpu.dma_semaphore, #tpu.memory_space<semaphore_mem>>
    %dma_wait3A_171 = tpu.memref_squeeze %dma_wait3A_170 : memref<1x!tpu.dma_semaphore, #tpu.memory_space<semaphore_mem>> -> memref<!tpu.dma_semaphore, #tpu.memory_space<semaphore_mem>>
    tpu.wait_indirect_dma semaphore(%dma_wait3A_171 : memref<!tpu.dma_semaphore, #tpu.memory_space<semaphore_mem>>) src(%arg6 : memref<128xf32, #tpu.memory_space<vmem>>) dst(%dma_wait3A_169 : memref<10240xf32, #tpu.memory_space<vmem_shared>>)
    %sub3A_172 = arith.constant 1 : i32
    %sub3A_173 = arith.subi %sub3A_47, %sub3A_172 : i32
    %rem3A_174 = arith.constant 6 : i32
    %rem3A_175 = arith.remsi %sub3A_173, %rem3A_174 : i32
    %rem3A_176 = arith.constant 4 : i32
    %rem3A_177 = arith.remsi %sub3A_173, %rem3A_176 : i32
    %dma_wait3A_178 = arith.constant 0 : i32
    %dma_wait3A_179 = tpu.memref_slice %arg5[%rem3A_175, %dma_wait3A_178] : memref<6x128xi32, #tpu.memory_space<vmem>> -> memref<1x128xi32, #tpu.memory_space<vmem>>
    %dma_wait3A_180 = tpu.memref_squeeze %dma_wait3A_179 : memref<1x128xi32, #tpu.memory_space<vmem>> -> memref<128xi32, #tpu.memory_space<vmem>>
    %dma_wait3A_181 = arith.constant 0 : i32
    %dma_wait3A_182 = tpu.memref_slice %arg7[%dma_wait3A_181] : memref<10240xf32, #tpu.memory_space<vmem_shared>> -> memref<10240xf32, #tpu.memory_space<vmem_shared>>
    %dma_wait3A_183 = tpu.memref_slice %arg9[%rem3A_177] : memref<4x!tpu.dma_semaphore, #tpu.memory_space<semaphore_mem>> -> memref<1x!tpu.dma_semaphore, #tpu.memory_space<semaphore_mem>>
    %dma_wait3A_184 = tpu.memref_squeeze %dma_wait3A_183 : memref<1x!tpu.dma_semaphore, #tpu.memory_space<semaphore_mem>> -> memref<!tpu.dma_semaphore, #tpu.memory_space<semaphore_mem>>
    tpu.wait_indirect_dma semaphore(%dma_wait3A_184 : memref<!tpu.dma_semaphore, #tpu.memory_space<semaphore_mem>>) src(%arg6 : memref<128xf32, #tpu.memory_space<vmem>>) dst(%dma_wait3A_182 : memref<10240xf32, #tpu.memory_space<vmem_shared>>)
    %barrier3A_185 = arith.constant 0 : index
    tpu.barrier barrier_id(%barrier3A_185)
    %run_scoped3A = arith.constant 0 : i32
    "tpu.region"() ({
      %run_scoped3A_186 = tpu.sem_alloc : memref<!tpu.dma_semaphore, #tpu.memory_space<semaphore_mem>>
      %dma_start3A_187 = tpu.memref_slice %arg4[%arg0, %run_scoped3A, %mul3A_95] : memref<2x1x10240xf32, #tpu.memory_space<hbm>> -> memref<1x1x640xf32, #tpu.memory_space<hbm>>
      %dma_start3A_188 = tpu.memref_squeeze %dma_start3A_187 : memref<1x1x640xf32, #tpu.memory_space<hbm>> -> memref<640xf32, #tpu.memory_space<hbm>>
      %dma_start3A_189 = tpu.memref_slice %arg7[%mul3A_95] : memref<10240xf32, #tpu.memory_space<vmem_shared>> -> memref<640xf32, #tpu.memory_space<vmem_shared>>
      tpu.enqueue_dma source(%dma_start3A_189 : memref<640xf32, #tpu.memory_space<vmem_shared>>) target(%dma_start3A_188 : memref<640xf32, #tpu.memory_space<hbm>>) target_semaphore(%run_scoped3A_186 : memref<!tpu.dma_semaphore, #tpu.memory_space<semaphore_mem>>)
      %dma_wait3A_190 = tpu.memref_slice %arg4[%arg0, %run_scoped3A, %mul3A_95] : memref<2x1x10240xf32, #tpu.memory_space<hbm>> -> memref<1x1x640xf32, #tpu.memory_space<hbm>>
      %dma_wait3A_191 = tpu.memref_squeeze %dma_wait3A_190 : memref<1x1x640xf32, #tpu.memory_space<hbm>> -> memref<640xf32, #tpu.memory_space<hbm>>
      %dma_wait3A_192 = tpu.memref_slice %arg7[%mul3A_95] : memref<10240xf32, #tpu.memory_space<vmem_shared>> -> memref<640xf32, #tpu.memory_space<vmem_shared>>
      tpu.wait_dma2 semaphore(%run_scoped3A_186 : memref<!tpu.dma_semaphore, #tpu.memory_space<semaphore_mem>>) src(%dma_wait3A_192 : memref<640xf32, #tpu.memory_space<vmem_shared>>) dst(%dma_wait3A_191 : memref<640xf32, #tpu.memory_space<hbm>>)
      tpu.yield
    }) : () -> ()
    return
  }
}

#map = affine_map<(d0, d1) -> (0)>
#map1 = affine_map<(d0, d1) -> (0, 0)>
#map2 = affine_map<(d0, d1) -> (0, 0, 0)>
module attributes {stable_mosaic.version = 14 : i64} {
  func.func @k(%arg0: i32, %arg1: i32, %arg2: memref<640000xi32, #tpu.memory_space<hbm>>, %arg3: memref<10000x128xf32, #tpu.memory_space<hbm>>, %arg4: memref<10240x128xf32, #tpu.memory_space<hbm>>, %arg5: memref<2x10240x128xf32, #tpu.memory_space<hbm>>, %arg6: memref<6x128xi32, #tpu.memory_space<vmem>>, %arg7: memref<6x128xi32, #tpu.memory_space<vmem>>, %arg8: memref<2x128x128xf32, #tpu.memory_space<vmem>>, %arg9: memref<10240x128xf32, #tpu.memory_space<vmem_shared>>, %arg10: memref<6x!tpu.dma_semaphore, #tpu.memory_space<semaphore_mem>>, %arg11: memref<6x!tpu.dma_semaphore, #tpu.memory_space<semaphore_mem>>, %arg12: memref<2x!tpu.dma_semaphore, #tpu.memory_space<semaphore_mem>>, %arg13: memref<2x!tpu.dma_semaphore, #tpu.memory_space<semaphore_mem>>) attributes {dimension_semantics = [#tpu.dimension_semantics<core_parallel>, #tpu.dimension_semantics<subcore_parallel>], iteration_bounds = array<i64: 2, 16>, scalar_prefetch = 0 : i64, scratch_operands = 8 : i64, tpu.core_type = #tpu.core_type<sc_vector_subcore>, window_params = [{transform_indices = #map}, {transform_indices = #map1}, {transform_indices = #map1}, {transform_indices = #map2}]} {
    %mul3A = arith.constant 16 : i32
    %mul3A_0 = arith.muli %arg0, %mul3A : i32
    %add3A = arith.addi %mul3A_0, %arg1 : i32
    %mul3A_1 = arith.constant 2500 : i32
    %mul3A_2 = arith.muli %add3A, %mul3A_1 : i32
    %jit3A = arith.constant 32 : i32
    %div3A = arith.divsi %mul3A_2, %jit3A : i32
    %sign3A = arith.constant 0 : i32
    %sign3A_3 = arith.cmpi sgt, %mul3A_2, %sign3A : i32
    %sign3A_4 = arith.extui %sign3A_3 : i1 to i32
    %sign3A_5 = arith.constant 0 : i32
    %sign3A_6 = arith.cmpi slt, %mul3A_2, %sign3A_5 : i32
    %sign3A_7 = arith.extui %sign3A_6 : i1 to i32
    %sign3A_8 = arith.subi %sign3A_4, %sign3A_7 : i32
    %sign3A_9 = arith.constant 0 : i32
    %sign3A_10 = arith.cmpi sgt, %jit3A, %sign3A_9 : i32
    %sign3A_11 = arith.extui %sign3A_10 : i1 to i32
    %sign3A_12 = arith.constant 0 : i32
    %sign3A_13 = arith.cmpi slt, %jit3A, %sign3A_12 : i32
    %sign3A_14 = arith.extui %sign3A_13 : i1 to i32
    %sign3A_15 = arith.subi %sign3A_11, %sign3A_14 : i32
    %ne3A = arith.cmpi ne, %sign3A_8, %sign3A_15 : i32
    %rem3A = arith.remsi %mul3A_2, %jit3A : i32
    %ne3A_16 = arith.constant 0 : i32
    %ne3A_17 = arith.cmpi ne, %rem3A, %ne3A_16 : i32
    %and3A = arith.andi %ne3A, %ne3A_17 : i1
    %sub3A = arith.constant 1 : i32
    %sub3A_18 = arith.subi %div3A, %sub3A : i32
    %select_n3A = arith.select %and3A, %sub3A_18, %div3A : i32
    %add3A_19 = arith.constant 1 : i32
    %add3A_20 = arith.addi %add3A, %add3A_19 : i32
    %mul3A_21 = arith.constant 2500 : i32
    %mul3A_22 = arith.muli %add3A_20, %mul3A_21 : i32
    %jit3A_23 = arith.constant 32 : i32
    %div3A_24 = arith.divsi %mul3A_22, %jit3A_23 : i32
    %sign3A_25 = arith.constant 0 : i32
    %sign3A_26 = arith.cmpi sgt, %mul3A_22, %sign3A_25 : i32
    %sign3A_27 = arith.extui %sign3A_26 : i1 to i32
    %sign3A_28 = arith.constant 0 : i32
    %sign3A_29 = arith.cmpi slt, %mul3A_22, %sign3A_28 : i32
    %sign3A_30 = arith.extui %sign3A_29 : i1 to i32
    %sign3A_31 = arith.subi %sign3A_27, %sign3A_30 : i32
    %sign3A_32 = arith.constant 0 : i32
    %sign3A_33 = arith.cmpi sgt, %jit3A_23, %sign3A_32 : i32
    %sign3A_34 = arith.extui %sign3A_33 : i1 to i32
    %sign3A_35 = arith.constant 0 : i32
    %sign3A_36 = arith.cmpi slt, %jit3A_23, %sign3A_35 : i32
    %sign3A_37 = arith.extui %sign3A_36 : i1 to i32
    %sign3A_38 = arith.subi %sign3A_34, %sign3A_37 : i32
    %ne3A_39 = arith.cmpi ne, %sign3A_31, %sign3A_38 : i32
    %rem3A_40 = arith.remsi %mul3A_22, %jit3A_23 : i32
    %ne3A_41 = arith.constant 0 : i32
    %ne3A_42 = arith.cmpi ne, %rem3A_40, %ne3A_41 : i32
    %and3A_43 = arith.andi %ne3A_39, %ne3A_42 : i1
    %sub3A_44 = arith.constant 1 : i32
    %sub3A_45 = arith.subi %div3A_24, %sub3A_44 : i32
    %select_n3A_46 = arith.select %and3A_43, %sub3A_45, %div3A_24 : i32
    %sub3A_47 = arith.subi %select_n3A_46, %select_n3A : i32
    %mul3A_48 = arith.constant 640 : i32
    %mul3A_49 = arith.muli %arg1, %mul3A_48 : i32
    "tpu.region"() ({
      %run_scoped3A = tpu.sem_alloc : memref<!tpu.dma_semaphore, #tpu.memory_space<semaphore_mem>>
      %dma_start3A_262 = arith.constant 0 : i32
      %dma_start3A_263 = tpu.memref_slice %arg9[%mul3A_49, %dma_start3A_262] : memref<10240x128xf32, #tpu.memory_space<vmem_shared>> -> memref<640x128xf32, #tpu.memory_space<vmem_shared>>
      %dma_start3A_264 = arith.constant 0 : i32
      %dma_start3A_265 = tpu.memref_slice %arg4[%mul3A_49, %dma_start3A_264] : memref<10240x128xf32, #tpu.memory_space<hbm>> -> memref<640x128xf32, #tpu.memory_space<hbm>>
      tpu.enqueue_dma source(%dma_start3A_265 : memref<640x128xf32, #tpu.memory_space<hbm>>) target(%dma_start3A_263 : memref<640x128xf32, #tpu.memory_space<vmem_shared>>) target_semaphore(%run_scoped3A : memref<!tpu.dma_semaphore, #tpu.memory_space<semaphore_mem>>)
      %dma_wait3A_266 = arith.constant 0 : i32
      %dma_wait3A_267 = tpu.memref_slice %arg9[%mul3A_49, %dma_wait3A_266] : memref<10240x128xf32, #tpu.memory_space<vmem_shared>> -> memref<640x128xf32, #tpu.memory_space<vmem_shared>>
      %dma_wait3A_268 = arith.constant 0 : i32
      %dma_wait3A_269 = tpu.memref_slice %arg4[%mul3A_49, %dma_wait3A_268] : memref<10240x128xf32, #tpu.memory_space<hbm>> -> memref<640x128xf32, #tpu.memory_space<hbm>>
      tpu.wait_dma2 semaphore(%run_scoped3A : memref<!tpu.dma_semaphore, #tpu.memory_space<semaphore_mem>>) src(%dma_wait3A_269 : memref<640x128xf32, #tpu.memory_space<hbm>>) dst(%dma_wait3A_267 : memref<640x128xf32, #tpu.memory_space<vmem_shared>>)
      tpu.yield
    }) : () -> ()
    %barrier3A = arith.constant 0 : index
    tpu.barrier barrier_id(%barrier3A)
    %add3A_50 = arith.constant 0 : i32
    %add3A_51 = arith.addi %select_n3A, %add3A_50 : i32
    %mul3A_52 = arith.constant 128 : i32
    %mul3A_53 = arith.muli %add3A_51, %mul3A_52 : i32
    %multiple_of3A = tpu.assume_multiple %mul3A_53, 128 : i32
    %dma_start3A = arith.constant 0 : i32
    %dma_start3A_54 = arith.constant 0 : i32
    %dma_start3A_55 = arith.constant 0 : i32
    %dma_start3A_56 = tpu.memref_slice %arg6[%dma_start3A, %dma_start3A_55] : memref<6x128xi32, #tpu.memory_space<vmem>> -> memref<1x128xi32, #tpu.memory_space<vmem>>
    %dma_start3A_57 = tpu.memref_squeeze %dma_start3A_56 : memref<1x128xi32, #tpu.memory_space<vmem>> -> memref<128xi32, #tpu.memory_space<vmem>>
    %dma_start3A_58 = tpu.memref_slice %arg2[%multiple_of3A] : memref<640000xi32, #tpu.memory_space<hbm>> -> memref<128xi32, #tpu.memory_space<hbm>>
    %dma_start3A_59 = tpu.memref_slice %arg10[%dma_start3A_54] : memref<6x!tpu.dma_semaphore, #tpu.memory_space<semaphore_mem>> -> memref<1x!tpu.dma_semaphore, #tpu.memory_space<semaphore_mem>>
    %dma_start3A_60 = tpu.memref_squeeze %dma_start3A_59 : memref<1x!tpu.dma_semaphore, #tpu.memory_space<semaphore_mem>> -> memref<!tpu.dma_semaphore, #tpu.memory_space<semaphore_mem>>
    %dma_start3A_61 = arith.constant 0 : i32
    %dma_start3A_62 = tpu.memref_slice %arg6[%dma_start3A, %dma_start3A_61] : memref<6x128xi32, #tpu.memory_space<vmem>> -> memref<1x128xi32, #tpu.memory_space<vmem>>
    %dma_start3A_63 = tpu.memref_squeeze %dma_start3A_62 : memref<1x128xi32, #tpu.memory_space<vmem>> -> memref<128xi32, #tpu.memory_space<vmem>>
    %dma_start3A_64 = tpu.memref_slice %arg2[%multiple_of3A] : memref<640000xi32, #tpu.memory_space<hbm>> -> memref<128xi32, #tpu.memory_space<hbm>>
    tpu.enqueue_dma source(%dma_start3A_64 : memref<128xi32, #tpu.memory_space<hbm>>) target(%dma_start3A_63 : memref<128xi32, #tpu.memory_space<vmem>>) target_semaphore(%dma_start3A_60 : memref<!tpu.dma_semaphore, #tpu.memory_space<semaphore_mem>>)
    %add3A_65 = arith.constant 320000 : i32
    %add3A_66 = arith.addi %add3A_65, %multiple_of3A : i32
    %dma_start3A_67 = arith.constant 0 : i32
    %dma_start3A_68 = arith.constant 0 : i32
    %dma_start3A_69 = arith.constant 0 : i32
    %dma_start3A_70 = tpu.memref_slice %arg7[%dma_start3A_67, %dma_start3A_69] : memref<6x128xi32, #tpu.memory_space<vmem>> -> memref<1x128xi32, #tpu.memory_space<vmem>>
    %dma_start3A_71 = tpu.memref_squeeze %dma_start3A_70 : memref<1x128xi32, #tpu.memory_space<vmem>> -> memref<128xi32, #tpu.memory_space<vmem>>
    %dma_start3A_72 = tpu.memref_slice %arg2[%add3A_66] : memref<640000xi32, #tpu.memory_space<hbm>> -> memref<128xi32, #tpu.memory_space<hbm>>
    %dma_start3A_73 = tpu.memref_slice %arg11[%dma_start3A_68] : memref<6x!tpu.dma_semaphore, #tpu.memory_space<semaphore_mem>> -> memref<1x!tpu.dma_semaphore, #tpu.memory_space<semaphore_mem>>
    %dma_start3A_74 = tpu.memref_squeeze %dma_start3A_73 : memref<1x!tpu.dma_semaphore, #tpu.memory_space<semaphore_mem>> -> memref<!tpu.dma_semaphore, #tpu.memory_space<semaphore_mem>>
    %dma_start3A_75 = arith.constant 0 : i32
    %dma_start3A_76 = tpu.memref_slice %arg7[%dma_start3A_67, %dma_start3A_75] : memref<6x128xi32, #tpu.memory_space<vmem>> -> memref<1x128xi32, #tpu.memory_space<vmem>>
    %dma_start3A_77 = tpu.memref_squeeze %dma_start3A_76 : memref<1x128xi32, #tpu.memory_space<vmem>> -> memref<128xi32, #tpu.memory_space<vmem>>
    %dma_start3A_78 = tpu.memref_slice %arg2[%add3A_66] : memref<640000xi32, #tpu.memory_space<hbm>> -> memref<128xi32, #tpu.memory_space<hbm>>
    tpu.enqueue_dma source(%dma_start3A_78 : memref<128xi32, #tpu.memory_space<hbm>>) target(%dma_start3A_77 : memref<128xi32, #tpu.memory_space<vmem>>) target_semaphore(%dma_start3A_74 : memref<!tpu.dma_semaphore, #tpu.memory_space<semaphore_mem>>)
    %add3A_79 = arith.constant 1 : i32
    %add3A_80 = arith.addi %select_n3A, %add3A_79 : i32
    %mul3A_81 = arith.constant 128 : i32
    %mul3A_82 = arith.muli %add3A_80, %mul3A_81 : i32
    %multiple_of3A_83 = tpu.assume_multiple %mul3A_82, 128 : i32
    %dma_start3A_84 = arith.constant 1 : i32
    %dma_start3A_85 = arith.constant 1 : i32
    %dma_start3A_86 = arith.constant 0 : i32
    %dma_start3A_87 = tpu.memref_slice %arg6[%dma_start3A_84, %dma_start3A_86] : memref<6x128xi32, #tpu.memory_space<vmem>> -> memref<1x128xi32, #tpu.memory_space<vmem>>
    %dma_start3A_88 = tpu.memref_squeeze %dma_start3A_87 : memref<1x128xi32, #tpu.memory_space<vmem>> -> memref<128xi32, #tpu.memory_space<vmem>>
    %dma_start3A_89 = tpu.memref_slice %arg2[%multiple_of3A_83] : memref<640000xi32, #tpu.memory_space<hbm>> -> memref<128xi32, #tpu.memory_space<hbm>>
    %dma_start3A_90 = tpu.memref_slice %arg10[%dma_start3A_85] : memref<6x!tpu.dma_semaphore, #tpu.memory_space<semaphore_mem>> -> memref<1x!tpu.dma_semaphore, #tpu.memory_space<semaphore_mem>>
    %dma_start3A_91 = tpu.memref_squeeze %dma_start3A_90 : memref<1x!tpu.dma_semaphore, #tpu.memory_space<semaphore_mem>> -> memref<!tpu.dma_semaphore, #tpu.memory_space<semaphore_mem>>
    %dma_start3A_92 = arith.constant 0 : i32
    %dma_start3A_93 = tpu.memref_slice %arg6[%dma_start3A_84, %dma_start3A_92] : memref<6x128xi32, #tpu.memory_space<vmem>> -> memref<1x128xi32, #tpu.memory_space<vmem>>
    %dma_start3A_94 = tpu.memref_squeeze %dma_start3A_93 : memref<1x128xi32, #tpu.memory_space<vmem>> -> memref<128xi32, #tpu.memory_space<vmem>>
    %dma_start3A_95 = tpu.memref_slice %arg2[%multiple_of3A_83] : memref<640000xi32, #tpu.memory_space<hbm>> -> memref<128xi32, #tpu.memory_space<hbm>>
    tpu.enqueue_dma source(%dma_start3A_95 : memref<128xi32, #tpu.memory_space<hbm>>) target(%dma_start3A_94 : memref<128xi32, #tpu.memory_space<vmem>>) target_semaphore(%dma_start3A_91 : memref<!tpu.dma_semaphore, #tpu.memory_space<semaphore_mem>>)
    %add3A_96 = arith.constant 320000 : i32
    %add3A_97 = arith.addi %add3A_96, %multiple_of3A_83 : i32
    %dma_start3A_98 = arith.constant 1 : i32
    %dma_start3A_99 = arith.constant 1 : i32
    %dma_start3A_100 = arith.constant 0 : i32
    %dma_start3A_101 = tpu.memref_slice %arg7[%dma_start3A_98, %dma_start3A_100] : memref<6x128xi32, #tpu.memory_space<vmem>> -> memref<1x128xi32, #tpu.memory_space<vmem>>
    %dma_start3A_102 = tpu.memref_squeeze %dma_start3A_101 : memref<1x128xi32, #tpu.memory_space<vmem>> -> memref<128xi32, #tpu.memory_space<vmem>>
    %dma_start3A_103 = tpu.memref_slice %arg2[%add3A_97] : memref<640000xi32, #tpu.memory_space<hbm>> -> memref<128xi32, #tpu.memory_space<hbm>>
    %dma_start3A_104 = tpu.memref_slice %arg11[%dma_start3A_99] : memref<6x!tpu.dma_semaphore, #tpu.memory_space<semaphore_mem>> -> memref<1x!tpu.dma_semaphore, #tpu.memory_space<semaphore_mem>>
    %dma_start3A_105 = tpu.memref_squeeze %dma_start3A_104 : memref<1x!tpu.dma_semaphore, #tpu.memory_space<semaphore_mem>> -> memref<!tpu.dma_semaphore, #tpu.memory_space<semaphore_mem>>
    %dma_start3A_106 = arith.constant 0 : i32
    %dma_start3A_107 = tpu.memref_slice %arg7[%dma_start3A_98, %dma_start3A_106] : memref<6x128xi32, #tpu.memory_space<vmem>> -> memref<1x128xi32, #tpu.memory_space<vmem>>
    %dma_start3A_108 = tpu.memref_squeeze %dma_start3A_107 : memref<1x128xi32, #tpu.memory_space<vmem>> -> memref<128xi32, #tpu.memory_space<vmem>>
    %dma_start3A_109 = tpu.memref_slice %arg2[%add3A_97] : memref<640000xi32, #tpu.memory_space<hbm>> -> memref<128xi32, #tpu.memory_space<hbm>>
    tpu.enqueue_dma source(%dma_start3A_109 : memref<128xi32, #tpu.memory_space<hbm>>) target(%dma_start3A_108 : memref<128xi32, #tpu.memory_space<vmem>>) target_semaphore(%dma_start3A_105 : memref<!tpu.dma_semaphore, #tpu.memory_space<semaphore_mem>>)
    %add3A_110 = arith.constant 2 : i32
    %add3A_111 = arith.addi %select_n3A, %add3A_110 : i32
    %mul3A_112 = arith.constant 128 : i32
    %mul3A_113 = arith.muli %add3A_111, %mul3A_112 : i32
    %multiple_of3A_114 = tpu.assume_multiple %mul3A_113, 128 : i32
    %dma_start3A_115 = arith.constant 2 : i32
    %dma_start3A_116 = arith.constant 2 : i32
    %dma_start3A_117 = arith.constant 0 : i32
    %dma_start3A_118 = tpu.memref_slice %arg6[%dma_start3A_115, %dma_start3A_117] : memref<6x128xi32, #tpu.memory_space<vmem>> -> memref<1x128xi32, #tpu.memory_space<vmem>>
    %dma_start3A_119 = tpu.memref_squeeze %dma_start3A_118 : memref<1x128xi32, #tpu.memory_space<vmem>> -> memref<128xi32, #tpu.memory_space<vmem>>
    %dma_start3A_120 = tpu.memref_slice %arg2[%multiple_of3A_114] : memref<640000xi32, #tpu.memory_space<hbm>> -> memref<128xi32, #tpu.memory_space<hbm>>
    %dma_start3A_121 = tpu.memref_slice %arg10[%dma_start3A_116] : memref<6x!tpu.dma_semaphore, #tpu.memory_space<semaphore_mem>> -> memref<1x!tpu.dma_semaphore, #tpu.memory_space<semaphore_mem>>
    %dma_start3A_122 = tpu.memref_squeeze %dma_start3A_121 : memref<1x!tpu.dma_semaphore, #tpu.memory_space<semaphore_mem>> -> memref<!tpu.dma_semaphore, #tpu.memory_space<semaphore_mem>>
    %dma_start3A_123 = arith.constant 0 : i32
    %dma_start3A_124 = tpu.memref_slice %arg6[%dma_start3A_115, %dma_start3A_123] : memref<6x128xi32, #tpu.memory_space<vmem>> -> memref<1x128xi32, #tpu.memory_space<vmem>>
    %dma_start3A_125 = tpu.memref_squeeze %dma_start3A_124 : memref<1x128xi32, #tpu.memory_space<vmem>> -> memref<128xi32, #tpu.memory_space<vmem>>
    %dma_start3A_126 = tpu.memref_slice %arg2[%multiple_of3A_114] : memref<640000xi32, #tpu.memory_space<hbm>> -> memref<128xi32, #tpu.memory_space<hbm>>
    tpu.enqueue_dma source(%dma_start3A_126 : memref<128xi32, #tpu.memory_space<hbm>>) target(%dma_start3A_125 : memref<128xi32, #tpu.memory_space<vmem>>) target_semaphore(%dma_start3A_122 : memref<!tpu.dma_semaphore, #tpu.memory_space<semaphore_mem>>)
    %add3A_127 = arith.constant 320000 : i32
    %add3A_128 = arith.addi %add3A_127, %multiple_of3A_114 : i32
    %dma_start3A_129 = arith.constant 2 : i32
    %dma_start3A_130 = arith.constant 2 : i32
    %dma_start3A_131 = arith.constant 0 : i32
    %dma_start3A_132 = tpu.memref_slice %arg7[%dma_start3A_129, %dma_start3A_131] : memref<6x128xi32, #tpu.memory_space<vmem>> -> memref<1x128xi32, #tpu.memory_space<vmem>>
    %dma_start3A_133 = tpu.memref_squeeze %dma_start3A_132 : memref<1x128xi32, #tpu.memory_space<vmem>> -> memref<128xi32, #tpu.memory_space<vmem>>
    %dma_start3A_134 = tpu.memref_slice %arg2[%add3A_128] : memref<640000xi32, #tpu.memory_space<hbm>> -> memref<128xi32, #tpu.memory_space<hbm>>
    %dma_start3A_135 = tpu.memref_slice %arg11[%dma_start3A_130] : memref<6x!tpu.dma_semaphore, #tpu.memory_space<semaphore_mem>> -> memref<1x!tpu.dma_semaphore, #tpu.memory_space<semaphore_mem>>
    %dma_start3A_136 = tpu.memref_squeeze %dma_start3A_135 : memref<1x!tpu.dma_semaphore, #tpu.memory_space<semaphore_mem>> -> memref<!tpu.dma_semaphore, #tpu.memory_space<semaphore_mem>>
    %dma_start3A_137 = arith.constant 0 : i32
    %dma_start3A_138 = tpu.memref_slice %arg7[%dma_start3A_129, %dma_start3A_137] : memref<6x128xi32, #tpu.memory_space<vmem>> -> memref<1x128xi32, #tpu.memory_space<vmem>>
    %dma_start3A_139 = tpu.memref_squeeze %dma_start3A_138 : memref<1x128xi32, #tpu.memory_space<vmem>> -> memref<128xi32, #tpu.memory_space<vmem>>
    %dma_start3A_140 = tpu.memref_slice %arg2[%add3A_128] : memref<640000xi32, #tpu.memory_space<hbm>> -> memref<128xi32, #tpu.memory_space<hbm>>
    tpu.enqueue_dma source(%dma_start3A_140 : memref<128xi32, #tpu.memory_space<hbm>>) target(%dma_start3A_139 : memref<128xi32, #tpu.memory_space<vmem>>) target_semaphore(%dma_start3A_136 : memref<!tpu.dma_semaphore, #tpu.memory_space<semaphore_mem>>)
    %rem3A_141 = arith.constant 0 : i32
    %rem3A_142 = arith.constant 6 : i32
    %rem3A_143 = arith.remsi %rem3A_141, %rem3A_142 : i32
    %add3A_144 = arith.constant 0 : i32
    %add3A_145 = arith.addi %select_n3A, %add3A_144 : i32
    %mul3A_146 = arith.constant 128 : i32
    %mul3A_147 = arith.muli %add3A_145, %mul3A_146 : i32
    %multiple_of3A_148 = tpu.assume_multiple %mul3A_147, 128 : i32
    %dma_wait3A = arith.constant 0 : i32
    %dma_wait3A_149 = tpu.memref_slice %arg6[%rem3A_143, %dma_wait3A] : memref<6x128xi32, #tpu.memory_space<vmem>> -> memref<1x128xi32, #tpu.memory_space<vmem>>
    %dma_wait3A_150 = tpu.memref_squeeze %dma_wait3A_149 : memref<1x128xi32, #tpu.memory_space<vmem>> -> memref<128xi32, #tpu.memory_space<vmem>>
    %dma_wait3A_151 = tpu.memref_slice %arg2[%multiple_of3A_148] : memref<640000xi32, #tpu.memory_space<hbm>> -> memref<128xi32, #tpu.memory_space<hbm>>
    %dma_wait3A_152 = tpu.memref_slice %arg10[%rem3A_143] : memref<6x!tpu.dma_semaphore, #tpu.memory_space<semaphore_mem>> -> memref<1x!tpu.dma_semaphore, #tpu.memory_space<semaphore_mem>>
    %dma_wait3A_153 = tpu.memref_squeeze %dma_wait3A_152 : memref<1x!tpu.dma_semaphore, #tpu.memory_space<semaphore_mem>> -> memref<!tpu.dma_semaphore, #tpu.memory_space<semaphore_mem>>
    %dma_wait3A_154 = arith.constant 0 : i32
    %dma_wait3A_155 = tpu.memref_slice %arg6[%rem3A_143, %dma_wait3A_154] : memref<6x128xi32, #tpu.memory_space<vmem>> -> memref<1x128xi32, #tpu.memory_space<vmem>>
    %dma_wait3A_156 = tpu.memref_squeeze %dma_wait3A_155 : memref<1x128xi32, #tpu.memory_space<vmem>> -> memref<128xi32, #tpu.memory_space<vmem>>
    %dma_wait3A_157 = tpu.memref_slice %arg2[%multiple_of3A_148] : memref<640000xi32, #tpu.memory_space<hbm>> -> memref<128xi32, #tpu.memory_space<hbm>>
    tpu.wait_dma2 semaphore(%dma_wait3A_153 : memref<!tpu.dma_semaphore, #tpu.memory_space<semaphore_mem>>) src(%dma_wait3A_157 : memref<128xi32, #tpu.memory_space<hbm>>) dst(%dma_wait3A_156 : memref<128xi32, #tpu.memory_space<vmem>>)
    %add3A_158 = arith.constant 320000 : i32
    %add3A_159 = arith.addi %add3A_158, %multiple_of3A_148 : i32
    %dma_wait3A_160 = arith.constant 0 : i32
    %dma_wait3A_161 = tpu.memref_slice %arg7[%rem3A_143, %dma_wait3A_160] : memref<6x128xi32, #tpu.memory_space<vmem>> -> memref<1x128xi32, #tpu.memory_space<vmem>>
    %dma_wait3A_162 = tpu.memref_squeeze %dma_wait3A_161 : memref<1x128xi32, #tpu.memory_space<vmem>> -> memref<128xi32, #tpu.memory_space<vmem>>
    %dma_wait3A_163 = tpu.memref_slice %arg2[%add3A_159] : memref<640000xi32, #tpu.memory_space<hbm>> -> memref<128xi32, #tpu.memory_space<hbm>>
    %dma_wait3A_164 = tpu.memref_slice %arg11[%rem3A_143] : memref<6x!tpu.dma_semaphore, #tpu.memory_space<semaphore_mem>> -> memref<1x!tpu.dma_semaphore, #tpu.memory_space<semaphore_mem>>
    %dma_wait3A_165 = tpu.memref_squeeze %dma_wait3A_164 : memref<1x!tpu.dma_semaphore, #tpu.memory_space<semaphore_mem>> -> memref<!tpu.dma_semaphore, #tpu.memory_space<semaphore_mem>>
    %dma_wait3A_166 = arith.constant 0 : i32
    %dma_wait3A_167 = tpu.memref_slice %arg7[%rem3A_143, %dma_wait3A_166] : memref<6x128xi32, #tpu.memory_space<vmem>> -> memref<1x128xi32, #tpu.memory_space<vmem>>
    %dma_wait3A_168 = tpu.memref_squeeze %dma_wait3A_167 : memref<1x128xi32, #tpu.memory_space<vmem>> -> memref<128xi32, #tpu.memory_space<vmem>>
    %dma_wait3A_169 = tpu.memref_slice %arg2[%add3A_159] : memref<640000xi32, #tpu.memory_space<hbm>> -> memref<128xi32, #tpu.memory_space<hbm>>
    tpu.wait_dma2 semaphore(%dma_wait3A_165 : memref<!tpu.dma_semaphore, #tpu.memory_space<semaphore_mem>>) src(%dma_wait3A_169 : memref<128xi32, #tpu.memory_space<hbm>>) dst(%dma_wait3A_168 : memref<128xi32, #tpu.memory_space<vmem>>)
    %dma_start3A_170 = arith.constant 0 : i32
    %dma_start3A_171 = arith.constant 0 : i32
    %dma_start3A_172 = arith.constant 0 : i32
    %dma_start3A_173 = arith.constant 0 : i32
    %dma_start3A_174 = tpu.memref_slice %arg8[%dma_start3A_170, %dma_start3A_172, %dma_start3A_173] : memref<2x128x128xf32, #tpu.memory_space<vmem>> -> memref<1x128x128xf32, #tpu.memory_space<vmem>>
    %dma_start3A_175 = tpu.memref_squeeze %dma_start3A_174 : memref<1x128x128xf32, #tpu.memory_space<vmem>> -> memref<128x128xf32, #tpu.memory_space<vmem>>
    %dma_start3A_176 = arith.constant 0 : i32
    %dma_start3A_177 = tpu.memref_slice %arg6[%rem3A_143, %dma_start3A_176] : memref<6x128xi32, #tpu.memory_space<vmem>> -> memref<1x128xi32, #tpu.memory_space<vmem>>
    %dma_start3A_178 = tpu.memref_squeeze %dma_start3A_177 : memref<1x128xi32, #tpu.memory_space<vmem>> -> memref<128xi32, #tpu.memory_space<vmem>>
    %dma_start3A_179 = arith.constant 0 : i32
    %dma_start3A_180 = arith.constant 0 : i32
    %dma_start3A_181 = tpu.memref_slice %arg3[%dma_start3A_179, %dma_start3A_180] : memref<10000x128xf32, #tpu.memory_space<hbm>> -> memref<10000x128xf32, #tpu.memory_space<hbm>>
    %dma_start3A_182 = tpu.memref_slice %arg12[%dma_start3A_171] : memref<2x!tpu.dma_semaphore, #tpu.memory_space<semaphore_mem>> -> memref<1x!tpu.dma_semaphore, #tpu.memory_space<semaphore_mem>>
    %dma_start3A_183 = tpu.memref_squeeze %dma_start3A_182 : memref<1x!tpu.dma_semaphore, #tpu.memory_space<semaphore_mem>> -> memref<!tpu.dma_semaphore, #tpu.memory_space<semaphore_mem>>
    tpu.enqueue_indirect_dma source(%dma_start3A_181 : memref<10000x128xf32, #tpu.memory_space<hbm>>) target(%dma_start3A_175 : memref<128x128xf32, #tpu.memory_space<vmem>>) offsets(%dma_start3A_178 : memref<128xi32, #tpu.memory_space<vmem>>) semaphore(%dma_start3A_183 : memref<!tpu.dma_semaphore, #tpu.memory_space<semaphore_mem>>)
    %rem3A_184 = arith.constant 1 : i32
    %rem3A_185 = arith.constant 6 : i32
    %rem3A_186 = arith.remsi %rem3A_184, %rem3A_185 : i32
    %add3A_187 = arith.constant 1 : i32
    %add3A_188 = arith.addi %select_n3A, %add3A_187 : i32
    %mul3A_189 = arith.constant 128 : i32
    %mul3A_190 = arith.muli %add3A_188, %mul3A_189 : i32
    %multiple_of3A_191 = tpu.assume_multiple %mul3A_190, 128 : i32
    %dma_wait3A_192 = arith.constant 0 : i32
    %dma_wait3A_193 = tpu.memref_slice %arg6[%rem3A_186, %dma_wait3A_192] : memref<6x128xi32, #tpu.memory_space<vmem>> -> memref<1x128xi32, #tpu.memory_space<vmem>>
    %dma_wait3A_194 = tpu.memref_squeeze %dma_wait3A_193 : memref<1x128xi32, #tpu.memory_space<vmem>> -> memref<128xi32, #tpu.memory_space<vmem>>
    %dma_wait3A_195 = tpu.memref_slice %arg2[%multiple_of3A_191] : memref<640000xi32, #tpu.memory_space<hbm>> -> memref<128xi32, #tpu.memory_space<hbm>>
    %dma_wait3A_196 = tpu.memref_slice %arg10[%rem3A_186] : memref<6x!tpu.dma_semaphore, #tpu.memory_space<semaphore_mem>> -> memref<1x!tpu.dma_semaphore, #tpu.memory_space<semaphore_mem>>
    %dma_wait3A_197 = tpu.memref_squeeze %dma_wait3A_196 : memref<1x!tpu.dma_semaphore, #tpu.memory_space<semaphore_mem>> -> memref<!tpu.dma_semaphore, #tpu.memory_space<semaphore_mem>>
    %dma_wait3A_198 = arith.constant 0 : i32
    %dma_wait3A_199 = tpu.memref_slice %arg6[%rem3A_186, %dma_wait3A_198] : memref<6x128xi32, #tpu.memory_space<vmem>> -> memref<1x128xi32, #tpu.memory_space<vmem>>
    %dma_wait3A_200 = tpu.memref_squeeze %dma_wait3A_199 : memref<1x128xi32, #tpu.memory_space<vmem>> -> memref<128xi32, #tpu.memory_space<vmem>>
    %dma_wait3A_201 = tpu.memref_slice %arg2[%multiple_of3A_191] : memref<640000xi32, #tpu.memory_space<hbm>> -> memref<128xi32, #tpu.memory_space<hbm>>
    tpu.wait_dma2 semaphore(%dma_wait3A_197 : memref<!tpu.dma_semaphore, #tpu.memory_space<semaphore_mem>>) src(%dma_wait3A_201 : memref<128xi32, #tpu.memory_space<hbm>>) dst(%dma_wait3A_200 : memref<128xi32, #tpu.memory_space<vmem>>)
    %add3A_202 = arith.constant 320000 : i32
    %add3A_203 = arith.addi %add3A_202, %multiple_of3A_191 : i32
    %dma_wait3A_204 = arith.constant 0 : i32
    %dma_wait3A_205 = tpu.memref_slice %arg7[%rem3A_186, %dma_wait3A_204] : memref<6x128xi32, #tpu.memory_space<vmem>> -> memref<1x128xi32, #tpu.memory_space<vmem>>
    %dma_wait3A_206 = tpu.memref_squeeze %dma_wait3A_205 : memref<1x128xi32, #tpu.memory_space<vmem>> -> memref<128xi32, #tpu.memory_space<vmem>>
    %dma_wait3A_207 = tpu.memref_slice %arg2[%add3A_203] : memref<640000xi32, #tpu.memory_space<hbm>> -> memref<128xi32, #tpu.memory_space<hbm>>
    %dma_wait3A_208 = tpu.memref_slice %arg11[%rem3A_186] : memref<6x!tpu.dma_semaphore, #tpu.memory_space<semaphore_mem>> -> memref<1x!tpu.dma_semaphore, #tpu.memory_space<semaphore_mem>>
    %dma_wait3A_209 = tpu.memref_squeeze %dma_wait3A_208 : memref<1x!tpu.dma_semaphore, #tpu.memory_space<semaphore_mem>> -> memref<!tpu.dma_semaphore, #tpu.memory_space<semaphore_mem>>
    %dma_wait3A_210 = arith.constant 0 : i32
    %dma_wait3A_211 = tpu.memref_slice %arg7[%rem3A_186, %dma_wait3A_210] : memref<6x128xi32, #tpu.memory_space<vmem>> -> memref<1x128xi32, #tpu.memory_space<vmem>>
    %dma_wait3A_212 = tpu.memref_squeeze %dma_wait3A_211 : memref<1x128xi32, #tpu.memory_space<vmem>> -> memref<128xi32, #tpu.memory_space<vmem>>
    %dma_wait3A_213 = tpu.memref_slice %arg2[%add3A_203] : memref<640000xi32, #tpu.memory_space<hbm>> -> memref<128xi32, #tpu.memory_space<hbm>>
    tpu.wait_dma2 semaphore(%dma_wait3A_209 : memref<!tpu.dma_semaphore, #tpu.memory_space<semaphore_mem>>) src(%dma_wait3A_213 : memref<128xi32, #tpu.memory_space<hbm>>) dst(%dma_wait3A_212 : memref<128xi32, #tpu.memory_space<vmem>>)
    %dma_start3A_214 = arith.constant 1 : i32
    %dma_start3A_215 = arith.constant 1 : i32
    %dma_start3A_216 = arith.constant 0 : i32
    %dma_start3A_217 = arith.constant 0 : i32
    %dma_start3A_218 = tpu.memref_slice %arg8[%dma_start3A_214, %dma_start3A_216, %dma_start3A_217] : memref<2x128x128xf32, #tpu.memory_space<vmem>> -> memref<1x128x128xf32, #tpu.memory_space<vmem>>
    %dma_start3A_219 = tpu.memref_squeeze %dma_start3A_218 : memref<1x128x128xf32, #tpu.memory_space<vmem>> -> memref<128x128xf32, #tpu.memory_space<vmem>>
    %dma_start3A_220 = arith.constant 0 : i32
    %dma_start3A_221 = tpu.memref_slice %arg6[%rem3A_186, %dma_start3A_220] : memref<6x128xi32, #tpu.memory_space<vmem>> -> memref<1x128xi32, #tpu.memory_space<vmem>>
    %dma_start3A_222 = tpu.memref_squeeze %dma_start3A_221 : memref<1x128xi32, #tpu.memory_space<vmem>> -> memref<128xi32, #tpu.memory_space<vmem>>
    %dma_start3A_223 = arith.constant 0 : i32
    %dma_start3A_224 = arith.constant 0 : i32
    %dma_start3A_225 = tpu.memref_slice %arg3[%dma_start3A_223, %dma_start3A_224] : memref<10000x128xf32, #tpu.memory_space<hbm>> -> memref<10000x128xf32, #tpu.memory_space<hbm>>
    %dma_start3A_226 = tpu.memref_slice %arg12[%dma_start3A_215] : memref<2x!tpu.dma_semaphore, #tpu.memory_space<semaphore_mem>> -> memref<1x!tpu.dma_semaphore, #tpu.memory_space<semaphore_mem>>
    %dma_start3A_227 = tpu.memref_squeeze %dma_start3A_226 : memref<1x!tpu.dma_semaphore, #tpu.memory_space<semaphore_mem>> -> memref<!tpu.dma_semaphore, #tpu.memory_space<semaphore_mem>>
    tpu.enqueue_indirect_dma source(%dma_start3A_225 : memref<10000x128xf32, #tpu.memory_space<hbm>>) target(%dma_start3A_219 : memref<128x128xf32, #tpu.memory_space<vmem>>) offsets(%dma_start3A_222 : memref<128xi32, #tpu.memory_space<vmem>>) semaphore(%dma_start3A_227 : memref<!tpu.dma_semaphore, #tpu.memory_space<semaphore_mem>>)
    %while3A = arith.constant 0 : i32
    %while3A_228 = arith.constant 0 : i32
    %while3A_229 = arith.subi %sub3A_47, %while3A_228 : i32
    %while3A_230 = arith.addi %while3A_228, %while3A_229 : i32
    %while3A_231 = arith.constant 1 : i32
    %while3A_232 = arith.divsi %while3A_229, %while3A_231 : i32
    %while3A_233 = arith.muli %while3A_232, %while3A_231 : i32
    %while3A_234 = arith.addi %while3A_228, %while3A_233 : i32
    %while3A_235 = arith.constant 1 : i32
    scf.for %while3A_262 = %while3A_228 to %while3A_234 step %while3A_235  : i32 {
      %rem3A_263 = arith.constant 6 : i32
      %rem3A_264 = arith.remsi %while3A_262, %rem3A_263 : i32
      %rem3A_265 = arith.constant 2 : i32
      %rem3A_266 = arith.remsi %while3A_262, %rem3A_265 : i32
      %add3A_267 = arith.constant 3 : i32
      %add3A_268 = arith.addi %while3A_262, %add3A_267 : i32
      %lt3A = arith.cmpi slt, %add3A_268, %sub3A_47 : i32
      %convert_element_type3A = arith.extui %lt3A : i1 to i32
      %cond3A = arith.constant 0 : i32
      %cond3A_269 = arith.cmpi ne, %convert_element_type3A, %cond3A : i32
      scf.if %cond3A_269 {
        %add3A_298 = arith.constant 3 : i32
        %add3A_299 = arith.addi %while3A_262, %add3A_298 : i32
        %add3A_300 = arith.constant 3 : i32
        %add3A_301 = arith.addi %while3A_262, %add3A_300 : i32
        %rem3A_302 = arith.constant 6 : i32
        %rem3A_303 = arith.remsi %add3A_301, %rem3A_302 : i32
        %add3A_304 = arith.addi %select_n3A, %add3A_299 : i32
        %mul3A_305 = arith.constant 128 : i32
        %mul3A_306 = arith.muli %add3A_304, %mul3A_305 : i32
        %multiple_of3A_307 = tpu.assume_multiple %mul3A_306, 128 : i32
        %dma_start3A_308 = arith.constant 0 : i32
        %dma_start3A_309 = tpu.memref_slice %arg6[%rem3A_303, %dma_start3A_308] : memref<6x128xi32, #tpu.memory_space<vmem>> -> memref<1x128xi32, #tpu.memory_space<vmem>>
        %dma_start3A_310 = tpu.memref_squeeze %dma_start3A_309 : memref<1x128xi32, #tpu.memory_space<vmem>> -> memref<128xi32, #tpu.memory_space<vmem>>
        %dma_start3A_311 = tpu.memref_slice %arg2[%multiple_of3A_307] : memref<640000xi32, #tpu.memory_space<hbm>> -> memref<128xi32, #tpu.memory_space<hbm>>
        %dma_start3A_312 = tpu.memref_slice %arg10[%rem3A_303] : memref<6x!tpu.dma_semaphore, #tpu.memory_space<semaphore_mem>> -> memref<1x!tpu.dma_semaphore, #tpu.memory_space<semaphore_mem>>
        %dma_start3A_313 = tpu.memref_squeeze %dma_start3A_312 : memref<1x!tpu.dma_semaphore, #tpu.memory_space<semaphore_mem>> -> memref<!tpu.dma_semaphore, #tpu.memory_space<semaphore_mem>>
        %dma_start3A_314 = arith.constant 0 : i32
        %dma_start3A_315 = tpu.memref_slice %arg6[%rem3A_303, %dma_start3A_314] : memref<6x128xi32, #tpu.memory_space<vmem>> -> memref<1x128xi32, #tpu.memory_space<vmem>>
        %dma_start3A_316 = tpu.memref_squeeze %dma_start3A_315 : memref<1x128xi32, #tpu.memory_space<vmem>> -> memref<128xi32, #tpu.memory_space<vmem>>
        %dma_start3A_317 = tpu.memref_slice %arg2[%multiple_of3A_307] : memref<640000xi32, #tpu.memory_space<hbm>> -> memref<128xi32, #tpu.memory_space<hbm>>
        tpu.enqueue_dma source(%dma_start3A_317 : memref<128xi32, #tpu.memory_space<hbm>>) target(%dma_start3A_316 : memref<128xi32, #tpu.memory_space<vmem>>) target_semaphore(%dma_start3A_313 : memref<!tpu.dma_semaphore, #tpu.memory_space<semaphore_mem>>)
        %add3A_318 = arith.constant 320000 : i32
        %add3A_319 = arith.addi %add3A_318, %multiple_of3A_307 : i32
        %dma_start3A_320 = arith.constant 0 : i32
        %dma_start3A_321 = tpu.memref_slice %arg7[%rem3A_303, %dma_start3A_320] : memref<6x128xi32, #tpu.memory_space<vmem>> -> memref<1x128xi32, #tpu.memory_space<vmem>>
        %dma_start3A_322 = tpu.memref_squeeze %dma_start3A_321 : memref<1x128xi32, #tpu.memory_space<vmem>> -> memref<128xi32, #tpu.memory_space<vmem>>
        %dma_start3A_323 = tpu.memref_slice %arg2[%add3A_319] : memref<640000xi32, #tpu.memory_space<hbm>> -> memref<128xi32, #tpu.memory_space<hbm>>
        %dma_start3A_324 = tpu.memref_slice %arg11[%rem3A_303] : memref<6x!tpu.dma_semaphore, #tpu.memory_space<semaphore_mem>> -> memref<1x!tpu.dma_semaphore, #tpu.memory_space<semaphore_mem>>
        %dma_start3A_325 = tpu.memref_squeeze %dma_start3A_324 : memref<1x!tpu.dma_semaphore, #tpu.memory_space<semaphore_mem>> -> memref<!tpu.dma_semaphore, #tpu.memory_space<semaphore_mem>>
        %dma_start3A_326 = arith.constant 0 : i32
        %dma_start3A_327 = tpu.memref_slice %arg7[%rem3A_303, %dma_start3A_326] : memref<6x128xi32, #tpu.memory_space<vmem>> -> memref<1x128xi32, #tpu.memory_space<vmem>>
        %dma_start3A_328 = tpu.memref_squeeze %dma_start3A_327 : memref<1x128xi32, #tpu.memory_space<vmem>> -> memref<128xi32, #tpu.memory_space<vmem>>
        %dma_start3A_329 = tpu.memref_slice %arg2[%add3A_319] : memref<640000xi32, #tpu.memory_space<hbm>> -> memref<128xi32, #tpu.memory_space<hbm>>
        tpu.enqueue_dma source(%dma_start3A_329 : memref<128xi32, #tpu.memory_space<hbm>>) target(%dma_start3A_328 : memref<128xi32, #tpu.memory_space<vmem>>) target_semaphore(%dma_start3A_325 : memref<!tpu.dma_semaphore, #tpu.memory_space<semaphore_mem>>)
      } else {
      }
      %dma_wait3A_270 = arith.constant 0 : i32
      %dma_wait3A_271 = arith.constant 0 : i32
      %dma_wait3A_272 = tpu.memref_slice %arg8[%rem3A_266, %dma_wait3A_270, %dma_wait3A_271] : memref<2x128x128xf32, #tpu.memory_space<vmem>> -> memref<1x128x128xf32, #tpu.memory_space<vmem>>
      %dma_wait3A_273 = tpu.memref_squeeze %dma_wait3A_272 : memref<1x128x128xf32, #tpu.memory_space<vmem>> -> memref<128x128xf32, #tpu.memory_space<vmem>>
      %dma_wait3A_274 = arith.constant 0 : i32
      %dma_wait3A_275 = tpu.memref_slice %arg6[%rem3A_264, %dma_wait3A_274] : memref<6x128xi32, #tpu.memory_space<vmem>> -> memref<1x128xi32, #tpu.memory_space<vmem>>
      %dma_wait3A_276 = tpu.memref_squeeze %dma_wait3A_275 : memref<1x128xi32, #tpu.memory_space<vmem>> -> memref<128xi32, #tpu.memory_space<vmem>>
      %dma_wait3A_277 = arith.constant 0 : i32
      %dma_wait3A_278 = arith.constant 0 : i32
      %dma_wait3A_279 = tpu.memref_slice %arg3[%dma_wait3A_277, %dma_wait3A_278] : memref<10000x128xf32, #tpu.memory_space<hbm>> -> memref<10000x128xf32, #tpu.memory_space<hbm>>
      %dma_wait3A_280 = tpu.memref_slice %arg12[%rem3A_266] : memref<2x!tpu.dma_semaphore, #tpu.memory_space<semaphore_mem>> -> memref<1x!tpu.dma_semaphore, #tpu.memory_space<semaphore_mem>>
      %dma_wait3A_281 = tpu.memref_squeeze %dma_wait3A_280 : memref<1x!tpu.dma_semaphore, #tpu.memory_space<semaphore_mem>> -> memref<!tpu.dma_semaphore, #tpu.memory_space<semaphore_mem>>
      tpu.wait_indirect_dma semaphore(%dma_wait3A_281 : memref<!tpu.dma_semaphore, #tpu.memory_space<semaphore_mem>>) src(%dma_wait3A_279 : memref<10000x128xf32, #tpu.memory_space<hbm>>) dst(%dma_wait3A_273 : memref<128x128xf32, #tpu.memory_space<vmem>>)
      %dma_start3A_282 = arith.constant 0 : i32
      %dma_start3A_283 = arith.constant 0 : i32
      %dma_start3A_284 = tpu.memref_slice %arg8[%rem3A_266, %dma_start3A_282, %dma_start3A_283] : memref<2x128x128xf32, #tpu.memory_space<vmem>> -> memref<1x128x128xf32, #tpu.memory_space<vmem>>
      %dma_start3A_285 = tpu.memref_squeeze %dma_start3A_284 : memref<1x128x128xf32, #tpu.memory_space<vmem>> -> memref<128x128xf32, #tpu.memory_space<vmem>>
      %dma_start3A_286 = arith.constant 0 : i32
      %dma_start3A_287 = tpu.memref_slice %arg7[%rem3A_264, %dma_start3A_286] : memref<6x128xi32, #tpu.memory_space<vmem>> -> memref<1x128xi32, #tpu.memory_space<vmem>>
      %dma_start3A_288 = tpu.memref_squeeze %dma_start3A_287 : memref<1x128xi32, #tpu.memory_space<vmem>> -> memref<128xi32, #tpu.memory_space<vmem>>
      %dma_start3A_289 = arith.constant 0 : i32
      %dma_start3A_290 = arith.constant 0 : i32
      %dma_start3A_291 = tpu.memref_slice %arg9[%dma_start3A_289, %dma_start3A_290] : memref<10240x128xf32, #tpu.memory_space<vmem_shared>> -> memref<10240x128xf32, #tpu.memory_space<vmem_shared>>
      %dma_start3A_292 = tpu.memref_slice %arg13[%rem3A_266] : memref<2x!tpu.dma_semaphore, #tpu.memory_space<semaphore_mem>> -> memref<1x!tpu.dma_semaphore, #tpu.memory_space<semaphore_mem>>
      %dma_start3A_293 = tpu.memref_squeeze %dma_start3A_292 : memref<1x!tpu.dma_semaphore, #tpu.memory_space<semaphore_mem>> -> memref<!tpu.dma_semaphore, #tpu.memory_space<semaphore_mem>>
      tpu.enqueue_indirect_dma source(%dma_start3A_285 : memref<128x128xf32, #tpu.memory_space<vmem>>) target(%dma_start3A_291 : memref<10240x128xf32, #tpu.memory_space<vmem_shared>>) offsets(%dma_start3A_288 : memref<128xi32, #tpu.memory_space<vmem>>) semaphore(%dma_start3A_293 : memref<!tpu.dma_semaphore, #tpu.memory_space<semaphore_mem>>) {add = true}
      %ge3A = arith.constant 1 : i32
      %ge3A_294 = arith.cmpi sge, %while3A_262, %ge3A : i32
      %convert_element_type3A_295 = arith.extui %ge3A_294 : i1 to i32
      %cond3A_296 = arith.constant 0 : i32
      %cond3A_297 = arith.cmpi ne, %convert_element_type3A_295, %cond3A_296 : i32
      scf.if %cond3A_297 {
        %sub3A_298 = arith.constant 1 : i32
        %sub3A_299 = arith.subi %while3A_262, %sub3A_298 : i32
        %rem3A_300 = arith.constant 2 : i32
        %rem3A_301 = arith.remsi %sub3A_299, %rem3A_300 : i32
        %rem3A_302 = arith.constant 6 : i32
        %rem3A_303 = arith.remsi %sub3A_299, %rem3A_302 : i32
        %dma_wait3A_304 = arith.constant 0 : i32
        %dma_wait3A_305 = arith.constant 0 : i32
        %dma_wait3A_306 = tpu.memref_slice %arg8[%rem3A_301, %dma_wait3A_304, %dma_wait3A_305] : memref<2x128x128xf32, #tpu.memory_space<vmem>> -> memref<1x128x128xf32, #tpu.memory_space<vmem>>
        %dma_wait3A_307 = tpu.memref_squeeze %dma_wait3A_306 : memref<1x128x128xf32, #tpu.memory_space<vmem>> -> memref<128x128xf32, #tpu.memory_space<vmem>>
        %dma_wait3A_308 = arith.constant 0 : i32
        %dma_wait3A_309 = tpu.memref_slice %arg7[%rem3A_303, %dma_wait3A_308] : memref<6x128xi32, #tpu.memory_space<vmem>> -> memref<1x128xi32, #tpu.memory_space<vmem>>
        %dma_wait3A_310 = tpu.memref_squeeze %dma_wait3A_309 : memref<1x128xi32, #tpu.memory_space<vmem>> -> memref<128xi32, #tpu.memory_space<vmem>>
        %dma_wait3A_311 = arith.constant 0 : i32
        %dma_wait3A_312 = arith.constant 0 : i32
        %dma_wait3A_313 = tpu.memref_slice %arg9[%dma_wait3A_311, %dma_wait3A_312] : memref<10240x128xf32, #tpu.memory_space<vmem_shared>> -> memref<10240x128xf32, #tpu.memory_space<vmem_shared>>
        %dma_wait3A_314 = tpu.memref_slice %arg13[%rem3A_301] : memref<2x!tpu.dma_semaphore, #tpu.memory_space<semaphore_mem>> -> memref<1x!tpu.dma_semaphore, #tpu.memory_space<semaphore_mem>>
        %dma_wait3A_315 = tpu.memref_squeeze %dma_wait3A_314 : memref<1x!tpu.dma_semaphore, #tpu.memory_space<semaphore_mem>> -> memref<!tpu.dma_semaphore, #tpu.memory_space<semaphore_mem>>
        tpu.wait_indirect_dma semaphore(%dma_wait3A_315 : memref<!tpu.dma_semaphore, #tpu.memory_space<semaphore_mem>>) src(%dma_wait3A_307 : memref<128x128xf32, #tpu.memory_space<vmem>>) dst(%dma_wait3A_313 : memref<10240x128xf32, #tpu.memory_space<vmem_shared>>)
        %add3A_316 = arith.constant 2 : i32
        %add3A_317 = arith.addi %sub3A_299, %add3A_316 : i32
        %lt3A_318 = arith.cmpi slt, %add3A_317, %sub3A_47 : i32
        %convert_element_type3A_319 = arith.extui %lt3A_318 : i1 to i32
        %cond3A_320 = arith.constant 0 : i32
        %cond3A_321 = arith.cmpi ne, %convert_element_type3A_319, %cond3A_320 : i32
        scf.if %cond3A_321 {
          %add3A_322 = arith.constant 2 : i32
          %add3A_323 = arith.addi %sub3A_299, %add3A_322 : i32
          %rem3A_324 = arith.constant 6 : i32
          %rem3A_325 = arith.remsi %add3A_323, %rem3A_324 : i32
          %add3A_326 = arith.addi %select_n3A, %add3A_323 : i32
          %mul3A_327 = arith.constant 128 : i32
          %mul3A_328 = arith.muli %add3A_326, %mul3A_327 : i32
          %multiple_of3A_329 = tpu.assume_multiple %mul3A_328, 128 : i32
          %dma_wait3A_330 = arith.constant 0 : i32
          %dma_wait3A_331 = tpu.memref_slice %arg6[%rem3A_325, %dma_wait3A_330] : memref<6x128xi32, #tpu.memory_space<vmem>> -> memref<1x128xi32, #tpu.memory_space<vmem>>
          %dma_wait3A_332 = tpu.memref_squeeze %dma_wait3A_331 : memref<1x128xi32, #tpu.memory_space<vmem>> -> memref<128xi32, #tpu.memory_space<vmem>>
          %dma_wait3A_333 = tpu.memref_slice %arg2[%multiple_of3A_329] : memref<640000xi32, #tpu.memory_space<hbm>> -> memref<128xi32, #tpu.memory_space<hbm>>
          %dma_wait3A_334 = tpu.memref_slice %arg10[%rem3A_325] : memref<6x!tpu.dma_semaphore, #tpu.memory_space<semaphore_mem>> -> memref<1x!tpu.dma_semaphore, #tpu.memory_space<semaphore_mem>>
          %dma_wait3A_335 = tpu.memref_squeeze %dma_wait3A_334 : memref<1x!tpu.dma_semaphore, #tpu.memory_space<semaphore_mem>> -> memref<!tpu.dma_semaphore, #tpu.memory_space<semaphore_mem>>
          %dma_wait3A_336 = arith.constant 0 : i32
          %dma_wait3A_337 = tpu.memref_slice %arg6[%rem3A_325, %dma_wait3A_336] : memref<6x128xi32, #tpu.memory_space<vmem>> -> memref<1x128xi32, #tpu.memory_space<vmem>>
          %dma_wait3A_338 = tpu.memref_squeeze %dma_wait3A_337 : memref<1x128xi32, #tpu.memory_space<vmem>> -> memref<128xi32, #tpu.memory_space<vmem>>
          %dma_wait3A_339 = tpu.memref_slice %arg2[%multiple_of3A_329] : memref<640000xi32, #tpu.memory_space<hbm>> -> memref<128xi32, #tpu.memory_space<hbm>>
          tpu.wait_dma2 semaphore(%dma_wait3A_335 : memref<!tpu.dma_semaphore, #tpu.memory_space<semaphore_mem>>) src(%dma_wait3A_339 : memref<128xi32, #tpu.memory_space<hbm>>) dst(%dma_wait3A_338 : memref<128xi32, #tpu.memory_space<vmem>>)
          %add3A_340 = arith.constant 320000 : i32
          %add3A_341 = arith.addi %add3A_340, %multiple_of3A_329 : i32
          %dma_wait3A_342 = arith.constant 0 : i32
          %dma_wait3A_343 = tpu.memref_slice %arg7[%rem3A_325, %dma_wait3A_342] : memref<6x128xi32, #tpu.memory_space<vmem>> -> memref<1x128xi32, #tpu.memory_space<vmem>>
          %dma_wait3A_344 = tpu.memref_squeeze %dma_wait3A_343 : memref<1x128xi32, #tpu.memory_space<vmem>> -> memref<128xi32, #tpu.memory_space<vmem>>
          %dma_wait3A_345 = tpu.memref_slice %arg2[%add3A_341] : memref<640000xi32, #tpu.memory_space<hbm>> -> memref<128xi32, #tpu.memory_space<hbm>>
          %dma_wait3A_346 = tpu.memref_slice %arg11[%rem3A_325] : memref<6x!tpu.dma_semaphore, #tpu.memory_space<semaphore_mem>> -> memref<1x!tpu.dma_semaphore, #tpu.memory_space<semaphore_mem>>
          %dma_wait3A_347 = tpu.memref_squeeze %dma_wait3A_346 : memref<1x!tpu.dma_semaphore, #tpu.memory_space<semaphore_mem>> -> memref<!tpu.dma_semaphore, #tpu.memory_space<semaphore_mem>>
          %dma_wait3A_348 = arith.constant 0 : i32
          %dma_wait3A_349 = tpu.memref_slice %arg7[%rem3A_325, %dma_wait3A_348] : memref<6x128xi32, #tpu.memory_space<vmem>> -> memref<1x128xi32, #tpu.memory_space<vmem>>
          %dma_wait3A_350 = tpu.memref_squeeze %dma_wait3A_349 : memref<1x128xi32, #tpu.memory_space<vmem>> -> memref<128xi32, #tpu.memory_space<vmem>>
          %dma_wait3A_351 = tpu.memref_slice %arg2[%add3A_341] : memref<640000xi32, #tpu.memory_space<hbm>> -> memref<128xi32, #tpu.memory_space<hbm>>
          tpu.wait_dma2 semaphore(%dma_wait3A_347 : memref<!tpu.dma_semaphore, #tpu.memory_space<semaphore_mem>>) src(%dma_wait3A_351 : memref<128xi32, #tpu.memory_space<hbm>>) dst(%dma_wait3A_350 : memref<128xi32, #tpu.memory_space<vmem>>)
          %dma_start3A_352 = arith.constant 0 : i32
          %dma_start3A_353 = arith.constant 0 : i32
          %dma_start3A_354 = tpu.memref_slice %arg8[%rem3A_301, %dma_start3A_352, %dma_start3A_353] : memref<2x128x128xf32, #tpu.memory_space<vmem>> -> memref<1x128x128xf32, #tpu.memory_space<vmem>>
          %dma_start3A_355 = tpu.memref_squeeze %dma_start3A_354 : memref<1x128x128xf32, #tpu.memory_space<vmem>> -> memref<128x128xf32, #tpu.memory_space<vmem>>
          %dma_start3A_356 = arith.constant 0 : i32
          %dma_start3A_357 = tpu.memref_slice %arg6[%rem3A_325, %dma_start3A_356] : memref<6x128xi32, #tpu.memory_space<vmem>> -> memref<1x128xi32, #tpu.memory_space<vmem>>
          %dma_start3A_358 = tpu.memref_squeeze %dma_start3A_357 : memref<1x128xi32, #tpu.memory_space<vmem>> -> memref<128xi32, #tpu.memory_space<vmem>>
          %dma_start3A_359 = arith.constant 0 : i32
          %dma_start3A_360 = arith.constant 0 : i32
          %dma_start3A_361 = tpu.memref_slice %arg3[%dma_start3A_359, %dma_start3A_360] : memref<10000x128xf32, #tpu.memory_space<hbm>> -> memref<10000x128xf32, #tpu.memory_space<hbm>>
          %dma_start3A_362 = tpu.memref_slice %arg12[%rem3A_301] : memref<2x!tpu.dma_semaphore, #tpu.memory_space<semaphore_mem>> -> memref<1x!tpu.dma_semaphore, #tpu.memory_space<semaphore_mem>>
          %dma_start3A_363 = tpu.memref_squeeze %dma_start3A_362 : memref<1x!tpu.dma_semaphore, #tpu.memory_space<semaphore_mem>> -> memref<!tpu.dma_semaphore, #tpu.memory_space<semaphore_mem>>
          tpu.enqueue_indirect_dma source(%dma_start3A_361 : memref<10000x128xf32, #tpu.memory_space<hbm>>) target(%dma_start3A_355 : memref<128x128xf32, #tpu.memory_space<vmem>>) offsets(%dma_start3A_358 : memref<128xi32, #tpu.memory_space<vmem>>) semaphore(%dma_start3A_363 : memref<!tpu.dma_semaphore, #tpu.memory_space<semaphore_mem>>)
        } else {
        }
      } else {
      }
    }
    %while3A_236 = arith.constant 1 : i32
    scf.for %while3A_262 = %while3A_234 to %while3A_230 step %while3A_236  : i32 {
      %rem3A_263 = arith.constant 6 : i32
      %rem3A_264 = arith.remsi %while3A_262, %rem3A_263 : i32
      %rem3A_265 = arith.constant 2 : i32
      %rem3A_266 = arith.remsi %while3A_262, %rem3A_265 : i32
      %add3A_267 = arith.constant 3 : i32
      %add3A_268 = arith.addi %while3A_262, %add3A_267 : i32
      %lt3A = arith.cmpi slt, %add3A_268, %sub3A_47 : i32
      %convert_element_type3A = arith.extui %lt3A : i1 to i32
      %cond3A = arith.constant 0 : i32
      %cond3A_269 = arith.cmpi ne, %convert_element_type3A, %cond3A : i32
      scf.if %cond3A_269 {
        %add3A_298 = arith.constant 3 : i32
        %add3A_299 = arith.addi %while3A_262, %add3A_298 : i32
        %add3A_300 = arith.constant 3 : i32
        %add3A_301 = arith.addi %while3A_262, %add3A_300 : i32
        %rem3A_302 = arith.constant 6 : i32
        %rem3A_303 = arith.remsi %add3A_301, %rem3A_302 : i32
        %add3A_304 = arith.addi %select_n3A, %add3A_299 : i32
        %mul3A_305 = arith.constant 128 : i32
        %mul3A_306 = arith.muli %add3A_304, %mul3A_305 : i32
        %multiple_of3A_307 = tpu.assume_multiple %mul3A_306, 128 : i32
        %dma_start3A_308 = arith.constant 0 : i32
        %dma_start3A_309 = tpu.memref_slice %arg6[%rem3A_303, %dma_start3A_308] : memref<6x128xi32, #tpu.memory_space<vmem>> -> memref<1x128xi32, #tpu.memory_space<vmem>>
        %dma_start3A_310 = tpu.memref_squeeze %dma_start3A_309 : memref<1x128xi32, #tpu.memory_space<vmem>> -> memref<128xi32, #tpu.memory_space<vmem>>
        %dma_start3A_311 = tpu.memref_slice %arg2[%multiple_of3A_307] : memref<640000xi32, #tpu.memory_space<hbm>> -> memref<128xi32, #tpu.memory_space<hbm>>
        %dma_start3A_312 = tpu.memref_slice %arg10[%rem3A_303] : memref<6x!tpu.dma_semaphore, #tpu.memory_space<semaphore_mem>> -> memref<1x!tpu.dma_semaphore, #tpu.memory_space<semaphore_mem>>
        %dma_start3A_313 = tpu.memref_squeeze %dma_start3A_312 : memref<1x!tpu.dma_semaphore, #tpu.memory_space<semaphore_mem>> -> memref<!tpu.dma_semaphore, #tpu.memory_space<semaphore_mem>>
        %dma_start3A_314 = arith.constant 0 : i32
        %dma_start3A_315 = tpu.memref_slice %arg6[%rem3A_303, %dma_start3A_314] : memref<6x128xi32, #tpu.memory_space<vmem>> -> memref<1x128xi32, #tpu.memory_space<vmem>>
        %dma_start3A_316 = tpu.memref_squeeze %dma_start3A_315 : memref<1x128xi32, #tpu.memory_space<vmem>> -> memref<128xi32, #tpu.memory_space<vmem>>
        %dma_start3A_317 = tpu.memref_slice %arg2[%multiple_of3A_307] : memref<640000xi32, #tpu.memory_space<hbm>> -> memref<128xi32, #tpu.memory_space<hbm>>
        tpu.enqueue_dma source(%dma_start3A_317 : memref<128xi32, #tpu.memory_space<hbm>>) target(%dma_start3A_316 : memref<128xi32, #tpu.memory_space<vmem>>) target_semaphore(%dma_start3A_313 : memref<!tpu.dma_semaphore, #tpu.memory_space<semaphore_mem>>)
        %add3A_318 = arith.constant 320000 : i32
        %add3A_319 = arith.addi %add3A_318, %multiple_of3A_307 : i32
        %dma_start3A_320 = arith.constant 0 : i32
        %dma_start3A_321 = tpu.memref_slice %arg7[%rem3A_303, %dma_start3A_320] : memref<6x128xi32, #tpu.memory_space<vmem>> -> memref<1x128xi32, #tpu.memory_space<vmem>>
        %dma_start3A_322 = tpu.memref_squeeze %dma_start3A_321 : memref<1x128xi32, #tpu.memory_space<vmem>> -> memref<128xi32, #tpu.memory_space<vmem>>
        %dma_start3A_323 = tpu.memref_slice %arg2[%add3A_319] : memref<640000xi32, #tpu.memory_space<hbm>> -> memref<128xi32, #tpu.memory_space<hbm>>
        %dma_start3A_324 = tpu.memref_slice %arg11[%rem3A_303] : memref<6x!tpu.dma_semaphore, #tpu.memory_space<semaphore_mem>> -> memref<1x!tpu.dma_semaphore, #tpu.memory_space<semaphore_mem>>
        %dma_start3A_325 = tpu.memref_squeeze %dma_start3A_324 : memref<1x!tpu.dma_semaphore, #tpu.memory_space<semaphore_mem>> -> memref<!tpu.dma_semaphore, #tpu.memory_space<semaphore_mem>>
        %dma_start3A_326 = arith.constant 0 : i32
        %dma_start3A_327 = tpu.memref_slice %arg7[%rem3A_303, %dma_start3A_326] : memref<6x128xi32, #tpu.memory_space<vmem>> -> memref<1x128xi32, #tpu.memory_space<vmem>>
        %dma_start3A_328 = tpu.memref_squeeze %dma_start3A_327 : memref<1x128xi32, #tpu.memory_space<vmem>> -> memref<128xi32, #tpu.memory_space<vmem>>
        %dma_start3A_329 = tpu.memref_slice %arg2[%add3A_319] : memref<640000xi32, #tpu.memory_space<hbm>> -> memref<128xi32, #tpu.memory_space<hbm>>
        tpu.enqueue_dma source(%dma_start3A_329 : memref<128xi32, #tpu.memory_space<hbm>>) target(%dma_start3A_328 : memref<128xi32, #tpu.memory_space<vmem>>) target_semaphore(%dma_start3A_325 : memref<!tpu.dma_semaphore, #tpu.memory_space<semaphore_mem>>)
      } else {
      }
      %dma_wait3A_270 = arith.constant 0 : i32
      %dma_wait3A_271 = arith.constant 0 : i32
      %dma_wait3A_272 = tpu.memref_slice %arg8[%rem3A_266, %dma_wait3A_270, %dma_wait3A_271] : memref<2x128x128xf32, #tpu.memory_space<vmem>> -> memref<1x128x128xf32, #tpu.memory_space<vmem>>
      %dma_wait3A_273 = tpu.memref_squeeze %dma_wait3A_272 : memref<1x128x128xf32, #tpu.memory_space<vmem>> -> memref<128x128xf32, #tpu.memory_space<vmem>>
      %dma_wait3A_274 = arith.constant 0 : i32
      %dma_wait3A_275 = tpu.memref_slice %arg6[%rem3A_264, %dma_wait3A_274] : memref<6x128xi32, #tpu.memory_space<vmem>> -> memref<1x128xi32, #tpu.memory_space<vmem>>
      %dma_wait3A_276 = tpu.memref_squeeze %dma_wait3A_275 : memref<1x128xi32, #tpu.memory_space<vmem>> -> memref<128xi32, #tpu.memory_space<vmem>>
      %dma_wait3A_277 = arith.constant 0 : i32
      %dma_wait3A_278 = arith.constant 0 : i32
      %dma_wait3A_279 = tpu.memref_slice %arg3[%dma_wait3A_277, %dma_wait3A_278] : memref<10000x128xf32, #tpu.memory_space<hbm>> -> memref<10000x128xf32, #tpu.memory_space<hbm>>
      %dma_wait3A_280 = tpu.memref_slice %arg12[%rem3A_266] : memref<2x!tpu.dma_semaphore, #tpu.memory_space<semaphore_mem>> -> memref<1x!tpu.dma_semaphore, #tpu.memory_space<semaphore_mem>>
      %dma_wait3A_281 = tpu.memref_squeeze %dma_wait3A_280 : memref<1x!tpu.dma_semaphore, #tpu.memory_space<semaphore_mem>> -> memref<!tpu.dma_semaphore, #tpu.memory_space<semaphore_mem>>
      tpu.wait_indirect_dma semaphore(%dma_wait3A_281 : memref<!tpu.dma_semaphore, #tpu.memory_space<semaphore_mem>>) src(%dma_wait3A_279 : memref<10000x128xf32, #tpu.memory_space<hbm>>) dst(%dma_wait3A_273 : memref<128x128xf32, #tpu.memory_space<vmem>>)
      %dma_start3A_282 = arith.constant 0 : i32
      %dma_start3A_283 = arith.constant 0 : i32
      %dma_start3A_284 = tpu.memref_slice %arg8[%rem3A_266, %dma_start3A_282, %dma_start3A_283] : memref<2x128x128xf32, #tpu.memory_space<vmem>> -> memref<1x128x128xf32, #tpu.memory_space<vmem>>
      %dma_start3A_285 = tpu.memref_squeeze %dma_start3A_284 : memref<1x128x128xf32, #tpu.memory_space<vmem>> -> memref<128x128xf32, #tpu.memory_space<vmem>>
      %dma_start3A_286 = arith.constant 0 : i32
      %dma_start3A_287 = tpu.memref_slice %arg7[%rem3A_264, %dma_start3A_286] : memref<6x128xi32, #tpu.memory_space<vmem>> -> memref<1x128xi32, #tpu.memory_space<vmem>>
      %dma_start3A_288 = tpu.memref_squeeze %dma_start3A_287 : memref<1x128xi32, #tpu.memory_space<vmem>> -> memref<128xi32, #tpu.memory_space<vmem>>
      %dma_start3A_289 = arith.constant 0 : i32
      %dma_start3A_290 = arith.constant 0 : i32
      %dma_start3A_291 = tpu.memref_slice %arg9[%dma_start3A_289, %dma_start3A_290] : memref<10240x128xf32, #tpu.memory_space<vmem_shared>> -> memref<10240x128xf32, #tpu.memory_space<vmem_shared>>
      %dma_start3A_292 = tpu.memref_slice %arg13[%rem3A_266] : memref<2x!tpu.dma_semaphore, #tpu.memory_space<semaphore_mem>> -> memref<1x!tpu.dma_semaphore, #tpu.memory_space<semaphore_mem>>
      %dma_start3A_293 = tpu.memref_squeeze %dma_start3A_292 : memref<1x!tpu.dma_semaphore, #tpu.memory_space<semaphore_mem>> -> memref<!tpu.dma_semaphore, #tpu.memory_space<semaphore_mem>>
      tpu.enqueue_indirect_dma source(%dma_start3A_285 : memref<128x128xf32, #tpu.memory_space<vmem>>) target(%dma_start3A_291 : memref<10240x128xf32, #tpu.memory_space<vmem_shared>>) offsets(%dma_start3A_288 : memref<128xi32, #tpu.memory_space<vmem>>) semaphore(%dma_start3A_293 : memref<!tpu.dma_semaphore, #tpu.memory_space<semaphore_mem>>) {add = true}
      %ge3A = arith.constant 1 : i32
      %ge3A_294 = arith.cmpi sge, %while3A_262, %ge3A : i32
      %convert_element_type3A_295 = arith.extui %ge3A_294 : i1 to i32
      %cond3A_296 = arith.constant 0 : i32
      %cond3A_297 = arith.cmpi ne, %convert_element_type3A_295, %cond3A_296 : i32
      scf.if %cond3A_297 {
        %sub3A_298 = arith.constant 1 : i32
        %sub3A_299 = arith.subi %while3A_262, %sub3A_298 : i32
        %rem3A_300 = arith.constant 2 : i32
        %rem3A_301 = arith.remsi %sub3A_299, %rem3A_300 : i32
        %rem3A_302 = arith.constant 6 : i32
        %rem3A_303 = arith.remsi %sub3A_299, %rem3A_302 : i32
        %dma_wait3A_304 = arith.constant 0 : i32
        %dma_wait3A_305 = arith.constant 0 : i32
        %dma_wait3A_306 = tpu.memref_slice %arg8[%rem3A_301, %dma_wait3A_304, %dma_wait3A_305] : memref<2x128x128xf32, #tpu.memory_space<vmem>> -> memref<1x128x128xf32, #tpu.memory_space<vmem>>
        %dma_wait3A_307 = tpu.memref_squeeze %dma_wait3A_306 : memref<1x128x128xf32, #tpu.memory_space<vmem>> -> memref<128x128xf32, #tpu.memory_space<vmem>>
        %dma_wait3A_308 = arith.constant 0 : i32
        %dma_wait3A_309 = tpu.memref_slice %arg7[%rem3A_303, %dma_wait3A_308] : memref<6x128xi32, #tpu.memory_space<vmem>> -> memref<1x128xi32, #tpu.memory_space<vmem>>
        %dma_wait3A_310 = tpu.memref_squeeze %dma_wait3A_309 : memref<1x128xi32, #tpu.memory_space<vmem>> -> memref<128xi32, #tpu.memory_space<vmem>>
        %dma_wait3A_311 = arith.constant 0 : i32
        %dma_wait3A_312 = arith.constant 0 : i32
        %dma_wait3A_313 = tpu.memref_slice %arg9[%dma_wait3A_311, %dma_wait3A_312] : memref<10240x128xf32, #tpu.memory_space<vmem_shared>> -> memref<10240x128xf32, #tpu.memory_space<vmem_shared>>
        %dma_wait3A_314 = tpu.memref_slice %arg13[%rem3A_301] : memref<2x!tpu.dma_semaphore, #tpu.memory_space<semaphore_mem>> -> memref<1x!tpu.dma_semaphore, #tpu.memory_space<semaphore_mem>>
        %dma_wait3A_315 = tpu.memref_squeeze %dma_wait3A_314 : memref<1x!tpu.dma_semaphore, #tpu.memory_space<semaphore_mem>> -> memref<!tpu.dma_semaphore, #tpu.memory_space<semaphore_mem>>
        tpu.wait_indirect_dma semaphore(%dma_wait3A_315 : memref<!tpu.dma_semaphore, #tpu.memory_space<semaphore_mem>>) src(%dma_wait3A_307 : memref<128x128xf32, #tpu.memory_space<vmem>>) dst(%dma_wait3A_313 : memref<10240x128xf32, #tpu.memory_space<vmem_shared>>)
        %add3A_316 = arith.constant 2 : i32
        %add3A_317 = arith.addi %sub3A_299, %add3A_316 : i32
        %lt3A_318 = arith.cmpi slt, %add3A_317, %sub3A_47 : i32
        %convert_element_type3A_319 = arith.extui %lt3A_318 : i1 to i32
        %cond3A_320 = arith.constant 0 : i32
        %cond3A_321 = arith.cmpi ne, %convert_element_type3A_319, %cond3A_320 : i32
        scf.if %cond3A_321 {
          %add3A_322 = arith.constant 2 : i32
          %add3A_323 = arith.addi %sub3A_299, %add3A_322 : i32
          %rem3A_324 = arith.constant 6 : i32
          %rem3A_325 = arith.remsi %add3A_323, %rem3A_324 : i32
          %add3A_326 = arith.addi %select_n3A, %add3A_323 : i32
          %mul3A_327 = arith.constant 128 : i32
          %mul3A_328 = arith.muli %add3A_326, %mul3A_327 : i32
          %multiple_of3A_329 = tpu.assume_multiple %mul3A_328, 128 : i32
          %dma_wait3A_330 = arith.constant 0 : i32
          %dma_wait3A_331 = tpu.memref_slice %arg6[%rem3A_325, %dma_wait3A_330] : memref<6x128xi32, #tpu.memory_space<vmem>> -> memref<1x128xi32, #tpu.memory_space<vmem>>
          %dma_wait3A_332 = tpu.memref_squeeze %dma_wait3A_331 : memref<1x128xi32, #tpu.memory_space<vmem>> -> memref<128xi32, #tpu.memory_space<vmem>>
          %dma_wait3A_333 = tpu.memref_slice %arg2[%multiple_of3A_329] : memref<640000xi32, #tpu.memory_space<hbm>> -> memref<128xi32, #tpu.memory_space<hbm>>
          %dma_wait3A_334 = tpu.memref_slice %arg10[%rem3A_325] : memref<6x!tpu.dma_semaphore, #tpu.memory_space<semaphore_mem>> -> memref<1x!tpu.dma_semaphore, #tpu.memory_space<semaphore_mem>>
          %dma_wait3A_335 = tpu.memref_squeeze %dma_wait3A_334 : memref<1x!tpu.dma_semaphore, #tpu.memory_space<semaphore_mem>> -> memref<!tpu.dma_semaphore, #tpu.memory_space<semaphore_mem>>
          %dma_wait3A_336 = arith.constant 0 : i32
          %dma_wait3A_337 = tpu.memref_slice %arg6[%rem3A_325, %dma_wait3A_336] : memref<6x128xi32, #tpu.memory_space<vmem>> -> memref<1x128xi32, #tpu.memory_space<vmem>>
          %dma_wait3A_338 = tpu.memref_squeeze %dma_wait3A_337 : memref<1x128xi32, #tpu.memory_space<vmem>> -> memref<128xi32, #tpu.memory_space<vmem>>
          %dma_wait3A_339 = tpu.memref_slice %arg2[%multiple_of3A_329] : memref<640000xi32, #tpu.memory_space<hbm>> -> memref<128xi32, #tpu.memory_space<hbm>>
          tpu.wait_dma2 semaphore(%dma_wait3A_335 : memref<!tpu.dma_semaphore, #tpu.memory_space<semaphore_mem>>) src(%dma_wait3A_339 : memref<128xi32, #tpu.memory_space<hbm>>) dst(%dma_wait3A_338 : memref<128xi32, #tpu.memory_space<vmem>>)
          %add3A_340 = arith.constant 320000 : i32
          %add3A_341 = arith.addi %add3A_340, %multiple_of3A_329 : i32
          %dma_wait3A_342 = arith.constant 0 : i32
          %dma_wait3A_343 = tpu.memref_slice %arg7[%rem3A_325, %dma_wait3A_342] : memref<6x128xi32, #tpu.memory_space<vmem>> -> memref<1x128xi32, #tpu.memory_space<vmem>>
          %dma_wait3A_344 = tpu.memref_squeeze %dma_wait3A_343 : memref<1x128xi32, #tpu.memory_space<vmem>> -> memref<128xi32, #tpu.memory_space<vmem>>
          %dma_wait3A_345 = tpu.memref_slice %arg2[%add3A_341] : memref<640000xi32, #tpu.memory_space<hbm>> -> memref<128xi32, #tpu.memory_space<hbm>>
          %dma_wait3A_346 = tpu.memref_slice %arg11[%rem3A_325] : memref<6x!tpu.dma_semaphore, #tpu.memory_space<semaphore_mem>> -> memref<1x!tpu.dma_semaphore, #tpu.memory_space<semaphore_mem>>
          %dma_wait3A_347 = tpu.memref_squeeze %dma_wait3A_346 : memref<1x!tpu.dma_semaphore, #tpu.memory_space<semaphore_mem>> -> memref<!tpu.dma_semaphore, #tpu.memory_space<semaphore_mem>>
          %dma_wait3A_348 = arith.constant 0 : i32
          %dma_wait3A_349 = tpu.memref_slice %arg7[%rem3A_325, %dma_wait3A_348] : memref<6x128xi32, #tpu.memory_space<vmem>> -> memref<1x128xi32, #tpu.memory_space<vmem>>
          %dma_wait3A_350 = tpu.memref_squeeze %dma_wait3A_349 : memref<1x128xi32, #tpu.memory_space<vmem>> -> memref<128xi32, #tpu.memory_space<vmem>>
          %dma_wait3A_351 = tpu.memref_slice %arg2[%add3A_341] : memref<640000xi32, #tpu.memory_space<hbm>> -> memref<128xi32, #tpu.memory_space<hbm>>
          tpu.wait_dma2 semaphore(%dma_wait3A_347 : memref<!tpu.dma_semaphore, #tpu.memory_space<semaphore_mem>>) src(%dma_wait3A_351 : memref<128xi32, #tpu.memory_space<hbm>>) dst(%dma_wait3A_350 : memref<128xi32, #tpu.memory_space<vmem>>)
          %dma_start3A_352 = arith.constant 0 : i32
          %dma_start3A_353 = arith.constant 0 : i32
          %dma_start3A_354 = tpu.memref_slice %arg8[%rem3A_301, %dma_start3A_352, %dma_start3A_353] : memref<2x128x128xf32, #tpu.memory_space<vmem>> -> memref<1x128x128xf32, #tpu.memory_space<vmem>>
          %dma_start3A_355 = tpu.memref_squeeze %dma_start3A_354 : memref<1x128x128xf32, #tpu.memory_space<vmem>> -> memref<128x128xf32, #tpu.memory_space<vmem>>
          %dma_start3A_356 = arith.constant 0 : i32
          %dma_start3A_357 = tpu.memref_slice %arg6[%rem3A_325, %dma_start3A_356] : memref<6x128xi32, #tpu.memory_space<vmem>> -> memref<1x128xi32, #tpu.memory_space<vmem>>
          %dma_start3A_358 = tpu.memref_squeeze %dma_start3A_357 : memref<1x128xi32, #tpu.memory_space<vmem>> -> memref<128xi32, #tpu.memory_space<vmem>>
          %dma_start3A_359 = arith.constant 0 : i32
          %dma_start3A_360 = arith.constant 0 : i32
          %dma_start3A_361 = tpu.memref_slice %arg3[%dma_start3A_359, %dma_start3A_360] : memref<10000x128xf32, #tpu.memory_space<hbm>> -> memref<10000x128xf32, #tpu.memory_space<hbm>>
          %dma_start3A_362 = tpu.memref_slice %arg12[%rem3A_301] : memref<2x!tpu.dma_semaphore, #tpu.memory_space<semaphore_mem>> -> memref<1x!tpu.dma_semaphore, #tpu.memory_space<semaphore_mem>>
          %dma_start3A_363 = tpu.memref_squeeze %dma_start3A_362 : memref<1x!tpu.dma_semaphore, #tpu.memory_space<semaphore_mem>> -> memref<!tpu.dma_semaphore, #tpu.memory_space<semaphore_mem>>
          tpu.enqueue_indirect_dma source(%dma_start3A_361 : memref<10000x128xf32, #tpu.memory_space<hbm>>) target(%dma_start3A_355 : memref<128x128xf32, #tpu.memory_space<vmem>>) offsets(%dma_start3A_358 : memref<128xi32, #tpu.memory_space<vmem>>) semaphore(%dma_start3A_363 : memref<!tpu.dma_semaphore, #tpu.memory_space<semaphore_mem>>)
        } else {
        }
      } else {
      }
    }
    %sub3A_237 = arith.constant 1 : i32
    %sub3A_238 = arith.subi %sub3A_47, %sub3A_237 : i32
    %rem3A_239 = arith.constant 2 : i32
    %rem3A_240 = arith.remsi %sub3A_238, %rem3A_239 : i32
    %sub3A_241 = arith.constant 1 : i32
    %sub3A_242 = arith.subi %sub3A_47, %sub3A_241 : i32
    %rem3A_243 = arith.constant 6 : i32
    %rem3A_244 = arith.remsi %sub3A_242, %rem3A_243 : i32
    %sub3A_245 = arith.constant 1 : i32
    %sub3A_246 = arith.subi %sub3A_47, %sub3A_245 : i32
    %rem3A_247 = arith.constant 2 : i32
    %rem3A_248 = arith.remsi %sub3A_246, %rem3A_247 : i32
    %dma_wait3A_249 = arith.constant 0 : i32
    %dma_wait3A_250 = arith.constant 0 : i32
    %dma_wait3A_251 = tpu.memref_slice %arg8[%rem3A_240, %dma_wait3A_249, %dma_wait3A_250] : memref<2x128x128xf32, #tpu.memory_space<vmem>> -> memref<1x128x128xf32, #tpu.memory_space<vmem>>
    %dma_wait3A_252 = tpu.memref_squeeze %dma_wait3A_251 : memref<1x128x128xf32, #tpu.memory_space<vmem>> -> memref<128x128xf32, #tpu.memory_space<vmem>>
    %dma_wait3A_253 = arith.constant 0 : i32
    %dma_wait3A_254 = tpu.memref_slice %arg7[%rem3A_244, %dma_wait3A_253] : memref<6x128xi32, #tpu.memory_space<vmem>> -> memref<1x128xi32, #tpu.memory_space<vmem>>
    %dma_wait3A_255 = tpu.memref_squeeze %dma_wait3A_254 : memref<1x128xi32, #tpu.memory_space<vmem>> -> memref<128xi32, #tpu.memory_space<vmem>>
    %dma_wait3A_256 = arith.constant 0 : i32
    %dma_wait3A_257 = arith.constant 0 : i32
    %dma_wait3A_258 = tpu.memref_slice %arg9[%dma_wait3A_256, %dma_wait3A_257] : memref<10240x128xf32, #tpu.memory_space<vmem_shared>> -> memref<10240x128xf32, #tpu.memory_space<vmem_shared>>
    %dma_wait3A_259 = tpu.memref_slice %arg13[%rem3A_248] : memref<2x!tpu.dma_semaphore, #tpu.memory_space<semaphore_mem>> -> memref<1x!tpu.dma_semaphore, #tpu.memory_space<semaphore_mem>>
    %dma_wait3A_260 = tpu.memref_squeeze %dma_wait3A_259 : memref<1x!tpu.dma_semaphore, #tpu.memory_space<semaphore_mem>> -> memref<!tpu.dma_semaphore, #tpu.memory_space<semaphore_mem>>
    tpu.wait_indirect_dma semaphore(%dma_wait3A_260 : memref<!tpu.dma_semaphore, #tpu.memory_space<semaphore_mem>>) src(%dma_wait3A_252 : memref<128x128xf32, #tpu.memory_space<vmem>>) dst(%dma_wait3A_258 : memref<10240x128xf32, #tpu.memory_space<vmem_shared>>)
    %barrier3A_261 = arith.constant 0 : index
    tpu.barrier barrier_id(%barrier3A_261)
    "tpu.region"() ({
      %run_scoped3A = tpu.sem_alloc : memref<!tpu.dma_semaphore, #tpu.memory_space<semaphore_mem>>
      %dma_start3A_262 = arith.constant 0 : i32
      %dma_start3A_263 = tpu.memref_slice %arg5[%arg0, %mul3A_49, %dma_start3A_262] : memref<2x10240x128xf32, #tpu.memory_space<hbm>> -> memref<1x640x128xf32, #tpu.memory_space<hbm>>
      %dma_start3A_264 = tpu.memref_squeeze %dma_start3A_263 : memref<1x640x128xf32, #tpu.memory_space<hbm>> -> memref<640x128xf32, #tpu.memory_space<hbm>>
      %dma_start3A_265 = arith.constant 0 : i32
      %dma_start3A_266 = tpu.memref_slice %arg9[%mul3A_49, %dma_start3A_265] : memref<10240x128xf32, #tpu.memory_space<vmem_shared>> -> memref<640x128xf32, #tpu.memory_space<vmem_shared>>
      tpu.enqueue_dma source(%dma_start3A_266 : memref<640x128xf32, #tpu.memory_space<vmem_shared>>) target(%dma_start3A_264 : memref<640x128xf32, #tpu.memory_space<hbm>>) target_semaphore(%run_scoped3A : memref<!tpu.dma_semaphore, #tpu.memory_space<semaphore_mem>>)
      %dma_wait3A_267 = arith.constant 0 : i32
      %dma_wait3A_268 = tpu.memref_slice %arg5[%arg0, %mul3A_49, %dma_wait3A_267] : memref<2x10240x128xf32, #tpu.memory_space<hbm>> -> memref<1x640x128xf32, #tpu.memory_space<hbm>>
      %dma_wait3A_269 = tpu.memref_squeeze %dma_wait3A_268 : memref<1x640x128xf32, #tpu.memory_space<hbm>> -> memref<640x128xf32, #tpu.memory_space<hbm>>
      %dma_wait3A_270 = arith.constant 0 : i32
      %dma_wait3A_271 = tpu.memref_slice %arg9[%mul3A_49, %dma_wait3A_270] : memref<10240x128xf32, #tpu.memory_space<vmem_shared>> -> memref<640x128xf32, #tpu.memory_space<vmem_shared>>
      tpu.wait_dma2 semaphore(%run_scoped3A : memref<!tpu.dma_semaphore, #tpu.memory_space<semaphore_mem>>) src(%dma_wait3A_271 : memref<640x128xf32, #tpu.memory_space<vmem_shared>>) dst(%dma_wait3A_269 : memref<640x128xf32, #tpu.memory_space<hbm>>)
      tpu.yield
    }) : () -> ()
    return
  }
}

#map = affine_map<(d0, d1) -> (0)>
#map1 = affine_map<(d0, d1) -> (0, 0, 0)>
module attributes {stable_mosaic.version = 14 : i64} {
  func.func @degrees0(%arg0: i32, %arg1: i32, %arg2: memref<640000xi32, #tpu.memory_space<hbm>>, %arg3: memref<10240xf32, #tpu.memory_space<hbm>>, %arg4: memref<2x1x10240xf32, #tpu.memory_space<hbm>>, %arg5: memref<6x128xi32, #tpu.memory_space<vmem>>, %arg6: memref<128xf32, #tpu.memory_space<vmem>>, %arg7: memref<10240xf32, #tpu.memory_space<vmem_shared>>, %arg8: memref<6x!tpu.dma_semaphore, #tpu.memory_space<semaphore_mem>>, %arg9: memref<4x!tpu.dma_semaphore, #tpu.memory_space<semaphore_mem>>) attributes {dimension_semantics = [#tpu.dimension_semantics<core_parallel>, #tpu.dimension_semantics<subcore_parallel>], iteration_bounds = array<i64: 2, 16>, scalar_prefetch = 0 : i64, scratch_operands = 5 : i64, tpu.core_type = #tpu.core_type<sc_vector_subcore>, window_params = [{transform_indices = #map}, {transform_indices = #map}, {transform_indices = #map1}]} {
    %mul3A = arith.constant 16 : i32
    %mul3A_0 = arith.muli %arg0, %mul3A : i32
    %add3A = arith.addi %mul3A_0, %arg1 : i32
    %mul3A_1 = arith.constant 2500 : i32
    %mul3A_2 = arith.muli %add3A, %mul3A_1 : i32
    %jit3A = arith.constant 32 : i32
    %div3A = arith.divsi %mul3A_2, %jit3A : i32
    %sign3A = arith.constant 0 : i32
    %sign3A_3 = arith.cmpi sgt, %mul3A_2, %sign3A : i32
    %sign3A_4 = arith.extui %sign3A_3 : i1 to i32
    %sign3A_5 = arith.constant 0 : i32
    %sign3A_6 = arith.cmpi slt, %mul3A_2, %sign3A_5 : i32
    %sign3A_7 = arith.extui %sign3A_6 : i1 to i32
    %sign3A_8 = arith.subi %sign3A_4, %sign3A_7 : i32
    %sign3A_9 = arith.constant 0 : i32
    %sign3A_10 = arith.cmpi sgt, %jit3A, %sign3A_9 : i32
    %sign3A_11 = arith.extui %sign3A_10 : i1 to i32
    %sign3A_12 = arith.constant 0 : i32
    %sign3A_13 = arith.cmpi slt, %jit3A, %sign3A_12 : i32
    %sign3A_14 = arith.extui %sign3A_13 : i1 to i32
    %sign3A_15 = arith.subi %sign3A_11, %sign3A_14 : i32
    %ne3A = arith.cmpi ne, %sign3A_8, %sign3A_15 : i32
    %rem3A = arith.remsi %mul3A_2, %jit3A : i32
    %ne3A_16 = arith.constant 0 : i32
    %ne3A_17 = arith.cmpi ne, %rem3A, %ne3A_16 : i32
    %and3A = arith.andi %ne3A, %ne3A_17 : i1
    %sub3A = arith.constant 1 : i32
    %sub3A_18 = arith.subi %div3A, %sub3A : i32
    %select_n3A = arith.select %and3A, %sub3A_18, %div3A : i32
    %add3A_19 = arith.constant 1 : i32
    %add3A_20 = arith.addi %add3A, %add3A_19 : i32
    %mul3A_21 = arith.constant 2500 : i32
    %mul3A_22 = arith.muli %add3A_20, %mul3A_21 : i32
    %jit3A_23 = arith.constant 32 : i32
    %div3A_24 = arith.divsi %mul3A_22, %jit3A_23 : i32
    %sign3A_25 = arith.constant 0 : i32
    %sign3A_26 = arith.cmpi sgt, %mul3A_22, %sign3A_25 : i32
    %sign3A_27 = arith.extui %sign3A_26 : i1 to i32
    %sign3A_28 = arith.constant 0 : i32
    %sign3A_29 = arith.cmpi slt, %mul3A_22, %sign3A_28 : i32
    %sign3A_30 = arith.extui %sign3A_29 : i1 to i32
    %sign3A_31 = arith.subi %sign3A_27, %sign3A_30 : i32
    %sign3A_32 = arith.constant 0 : i32
    %sign3A_33 = arith.cmpi sgt, %jit3A_23, %sign3A_32 : i32
    %sign3A_34 = arith.extui %sign3A_33 : i1 to i32
    %sign3A_35 = arith.constant 0 : i32
    %sign3A_36 = arith.cmpi slt, %jit3A_23, %sign3A_35 : i32
    %sign3A_37 = arith.extui %sign3A_36 : i1 to i32
    %sign3A_38 = arith.subi %sign3A_34, %sign3A_37 : i32
    %ne3A_39 = arith.cmpi ne, %sign3A_31, %sign3A_38 : i32
    %rem3A_40 = arith.remsi %mul3A_22, %jit3A_23 : i32
    %ne3A_41 = arith.constant 0 : i32
    %ne3A_42 = arith.cmpi ne, %rem3A_40, %ne3A_41 : i32
    %and3A_43 = arith.andi %ne3A_39, %ne3A_42 : i1
    %sub3A_44 = arith.constant 1 : i32
    %sub3A_45 = arith.subi %div3A_24, %sub3A_44 : i32
    %select_n3A_46 = arith.select %and3A_43, %sub3A_45, %div3A_24 : i32
    %sub3A_47 = arith.subi %select_n3A_46, %select_n3A : i32
    %broadcast_in_dim3A = arith.constant 1.000000e+00 : f32
    %broadcast_in_dim3A_48 = vector.broadcast %broadcast_in_dim3A : f32 to vector<16xf32>
    %swap3A = arith.constant 0 : index
    %swap3A_49 = tpu.vector_load %arg6[%swap3A] {strides = array<i32>} : memref<128xf32, #tpu.memory_space<vmem>>, vector<16xf32>,
    %swap3A_50 = vector.shape_cast %swap3A_49 : vector<16xf32> to vector<16xf32>
    %swap3A_51 = vector.shape_cast %broadcast_in_dim3A_48 : vector<16xf32> to vector<16xf32>
    tpu.vector_store %arg6[%swap3A], %swap3A_51 {strides = array<i32>} : memref<128xf32, #tpu.memory_space<vmem>>, vector<16xf32>,
    %broadcast_in_dim3A_52 = arith.constant 1.000000e+00 : f32
    %broadcast_in_dim3A_53 = vector.broadcast %broadcast_in_dim3A_52 : f32 to vector<16xf32>
    %swap3A_54 = arith.constant 16 : index
    %swap3A_55 = tpu.vector_load %arg6[%swap3A_54] {strides = array<i32>} : memref<128xf32, #tpu.memory_space<vmem>>, vector<16xf32>,
    %swap3A_56 = vector.shape_cast %swap3A_55 : vector<16xf32> to vector<16xf32>
    %swap3A_57 = vector.shape_cast %broadcast_in_dim3A_53 : vector<16xf32> to vector<16xf32>
    tpu.vector_store %arg6[%swap3A_54], %swap3A_57 {strides = array<i32>} : memref<128xf32, #tpu.memory_space<vmem>>, vector<16xf32>,
    %broadcast_in_dim3A_58 = arith.constant 1.000000e+00 : f32
    %broadcast_in_dim3A_59 = vector.broadcast %broadcast_in_dim3A_58 : f32 to vector<16xf32>
    %swap3A_60 = arith.constant 32 : index
    %swap3A_61 = tpu.vector_load %arg6[%swap3A_60] {strides = array<i32>} : memref<128xf32, #tpu.memory_space<vmem>>, vector<16xf32>,
    %swap3A_62 = vector.shape_cast %swap3A_61 : vector<16xf32> to vector<16xf32>
    %swap3A_63 = vector.shape_cast %broadcast_in_dim3A_59 : vector<16xf32> to vector<16xf32>
    tpu.vector_store %arg6[%swap3A_60], %swap3A_63 {strides = array<i32>} : memref<128xf32, #tpu.memory_space<vmem>>, vector<16xf32>,
    %broadcast_in_dim3A_64 = arith.constant 1.000000e+00 : f32
    %broadcast_in_dim3A_65 = vector.broadcast %broadcast_in_dim3A_64 : f32 to vector<16xf32>
    %swap3A_66 = arith.constant 48 : index
    %swap3A_67 = tpu.vector_load %arg6[%swap3A_66] {strides = array<i32>} : memref<128xf32, #tpu.memory_space<vmem>>, vector<16xf32>,
    %swap3A_68 = vector.shape_cast %swap3A_67 : vector<16xf32> to vector<16xf32>
    %swap3A_69 = vector.shape_cast %broadcast_in_dim3A_65 : vector<16xf32> to vector<16xf32>
    tpu.vector_store %arg6[%swap3A_66], %swap3A_69 {strides = array<i32>} : memref<128xf32, #tpu.memory_space<vmem>>, vector<16xf32>,
    %broadcast_in_dim3A_70 = arith.constant 1.000000e+00 : f32
    %broadcast_in_dim3A_71 = vector.broadcast %broadcast_in_dim3A_70 : f32 to vector<16xf32>
    %swap3A_72 = arith.constant 64 : index
    %swap3A_73 = tpu.vector_load %arg6[%swap3A_72] {strides = array<i32>} : memref<128xf32, #tpu.memory_space<vmem>>, vector<16xf32>,
    %swap3A_74 = vector.shape_cast %swap3A_73 : vector<16xf32> to vector<16xf32>
    %swap3A_75 = vector.shape_cast %broadcast_in_dim3A_71 : vector<16xf32> to vector<16xf32>
    tpu.vector_store %arg6[%swap3A_72], %swap3A_75 {strides = array<i32>} : memref<128xf32, #tpu.memory_space<vmem>>, vector<16xf32>,
    %broadcast_in_dim3A_76 = arith.constant 1.000000e+00 : f32
    %broadcast_in_dim3A_77 = vector.broadcast %broadcast_in_dim3A_76 : f32 to vector<16xf32>
    %swap3A_78 = arith.constant 80 : index
    %swap3A_79 = tpu.vector_load %arg6[%swap3A_78] {strides = array<i32>} : memref<128xf32, #tpu.memory_space<vmem>>, vector<16xf32>,
    %swap3A_80 = vector.shape_cast %swap3A_79 : vector<16xf32> to vector<16xf32>
    %swap3A_81 = vector.shape_cast %broadcast_in_dim3A_77 : vector<16xf32> to vector<16xf32>
    tpu.vector_store %arg6[%swap3A_78], %swap3A_81 {strides = array<i32>} : memref<128xf32, #tpu.memory_space<vmem>>, vector<16xf32>,
    %broadcast_in_dim3A_82 = arith.constant 1.000000e+00 : f32
    %broadcast_in_dim3A_83 = vector.broadcast %broadcast_in_dim3A_82 : f32 to vector<16xf32>
    %swap3A_84 = arith.constant 96 : index
    %swap3A_85 = tpu.vector_load %arg6[%swap3A_84] {strides = array<i32>} : memref<128xf32, #tpu.memory_space<vmem>>, vector<16xf32>,
    %swap3A_86 = vector.shape_cast %swap3A_85 : vector<16xf32> to vector<16xf32>
    %swap3A_87 = vector.shape_cast %broadcast_in_dim3A_83 : vector<16xf32> to vector<16xf32>
    tpu.vector_store %arg6[%swap3A_84], %swap3A_87 {strides = array<i32>} : memref<128xf32, #tpu.memory_space<vmem>>, vector<16xf32>,
    %broadcast_in_dim3A_88 = arith.constant 1.000000e+00 : f32
    %broadcast_in_dim3A_89 = vector.broadcast %broadcast_in_dim3A_88 : f32 to vector<16xf32>
    %swap3A_90 = arith.constant 112 : index
    %swap3A_91 = tpu.vector_load %arg6[%swap3A_90] {strides = array<i32>} : memref<128xf32, #tpu.memory_space<vmem>>, vector<16xf32>,
    %swap3A_92 = vector.shape_cast %swap3A_91 : vector<16xf32> to vector<16xf32>
    %swap3A_93 = vector.shape_cast %broadcast_in_dim3A_89 : vector<16xf32> to vector<16xf32>
    tpu.vector_store %arg6[%swap3A_90], %swap3A_93 {strides = array<i32>} : memref<128xf32, #tpu.memory_space<vmem>>, vector<16xf32>,
    %mul3A_94 = arith.constant 640 : i32
    %mul3A_95 = arith.muli %arg1, %mul3A_94 : i32
    "tpu.region"() ({
      %run_scoped3A_186 = tpu.sem_alloc : memref<!tpu.dma_semaphore, #tpu.memory_space<semaphore_mem>>
      %dma_start3A_187 = tpu.memref_slice %arg7[%mul3A_95] : memref<10240xf32, #tpu.memory_space<vmem_shared>> -> memref<640xf32, #tpu.memory_space<vmem_shared>>
      %dma_start3A_188 = tpu.memref_slice %arg3[%mul3A_95] : memref<10240xf32, #tpu.memory_space<hbm>> -> memref<640xf32, #tpu.memory_space<hbm>>
      tpu.enqueue_dma source(%dma_start3A_188 : memref<640xf32, #tpu.memory_space<hbm>>) target(%dma_start3A_187 : memref<640xf32, #tpu.memory_space<vmem_shared>>) target_semaphore(%run_scoped3A_186 : memref<!tpu.dma_semaphore, #tpu.memory_space<semaphore_mem>>)
      %dma_wait3A_189 = tpu.memref_slice %arg7[%mul3A_95] : memref<10240xf32, #tpu.memory_space<vmem_shared>> -> memref<640xf32, #tpu.memory_space<vmem_shared>>
      %dma_wait3A_190 = tpu.memref_slice %arg3[%mul3A_95] : memref<10240xf32, #tpu.memory_space<hbm>> -> memref<640xf32, #tpu.memory_space<hbm>>
      tpu.wait_dma2 semaphore(%run_scoped3A_186 : memref<!tpu.dma_semaphore, #tpu.memory_space<semaphore_mem>>) src(%dma_wait3A_190 : memref<640xf32, #tpu.memory_space<hbm>>) dst(%dma_wait3A_189 : memref<640xf32, #tpu.memory_space<vmem_shared>>)
      tpu.yield
    }) : () -> ()
    %barrier3A = arith.constant 0 : index
    tpu.barrier barrier_id(%barrier3A)
    %add3A_96 = arith.constant 0 : i32
    %add3A_97 = arith.addi %select_n3A, %add3A_96 : i32
    %mul3A_98 = arith.constant 128 : i32
    %mul3A_99 = arith.muli %add3A_97, %mul3A_98 : i32
    %add3A_100 = arith.constant 0 : i32
    %add3A_101 = arith.addi %add3A_100, %mul3A_99 : i32
    %multiple_of3A = tpu.assume_multiple %add3A_101, 128 : i32
    %dma_start3A = arith.constant 0 : i32
    %dma_start3A_102 = arith.constant 0 : i32
    %dma_start3A_103 = arith.constant 0 : i32
    %dma_start3A_104 = tpu.memref_slice %arg5[%dma_start3A, %dma_start3A_103] : memref<6x128xi32, #tpu.memory_space<vmem>> -> memref<1x128xi32, #tpu.memory_space<vmem>>
    %dma_start3A_105 = tpu.memref_squeeze %dma_start3A_104 : memref<1x128xi32, #tpu.memory_space<vmem>> -> memref<128xi32, #tpu.memory_space<vmem>>
    %dma_start3A_106 = tpu.memref_slice %arg2[%multiple_of3A] : memref<640000xi32, #tpu.memory_space<hbm>> -> memref<128xi32, #tpu.memory_space<hbm>>
    %dma_start3A_107 = tpu.memref_slice %arg8[%dma_start3A_102] : memref<6x!tpu.dma_semaphore, #tpu.memory_space<semaphore_mem>> -> memref<1x!tpu.dma_semaphore, #tpu.memory_space<semaphore_mem>>
    %dma_start3A_108 = tpu.memref_squeeze %dma_start3A_107 : memref<1x!tpu.dma_semaphore, #tpu.memory_space<semaphore_mem>> -> memref<!tpu.dma_semaphore, #tpu.memory_space<semaphore_mem>>
    %dma_start3A_109 = arith.constant 0 : i32
    %dma_start3A_110 = tpu.memref_slice %arg5[%dma_start3A, %dma_start3A_109] : memref<6x128xi32, #tpu.memory_space<vmem>> -> memref<1x128xi32, #tpu.memory_space<vmem>>
    %dma_start3A_111 = tpu.memref_squeeze %dma_start3A_110 : memref<1x128xi32, #tpu.memory_space<vmem>> -> memref<128xi32, #tpu.memory_space<vmem>>
    %dma_start3A_112 = tpu.memref_slice %arg2[%multiple_of3A] : memref<640000xi32, #tpu.memory_space<hbm>> -> memref<128xi32, #tpu.memory_space<hbm>>
    tpu.enqueue_dma source(%dma_start3A_112 : memref<128xi32, #tpu.memory_space<hbm>>) target(%dma_start3A_111 : memref<128xi32, #tpu.memory_space<vmem>>) target_semaphore(%dma_start3A_108 : memref<!tpu.dma_semaphore, #tpu.memory_space<semaphore_mem>>)
    %add3A_113 = arith.constant 1 : i32
    %add3A_114 = arith.addi %select_n3A, %add3A_113 : i32
    %mul3A_115 = arith.constant 128 : i32
    %mul3A_116 = arith.muli %add3A_114, %mul3A_115 : i32
    %add3A_117 = arith.constant 0 : i32
    %add3A_118 = arith.addi %add3A_117, %mul3A_116 : i32
    %multiple_of3A_119 = tpu.assume_multiple %add3A_118, 128 : i32
    %dma_start3A_120 = arith.constant 1 : i32
    %dma_start3A_121 = arith.constant 1 : i32
    %dma_start3A_122 = arith.constant 0 : i32
    %dma_start3A_123 = tpu.memref_slice %arg5[%dma_start3A_120, %dma_start3A_122] : memref<6x128xi32, #tpu.memory_space<vmem>> -> memref<1x128xi32, #tpu.memory_space<vmem>>
    %dma_start3A_124 = tpu.memref_squeeze %dma_start3A_123 : memref<1x128xi32, #tpu.memory_space<vmem>> -> memref<128xi32, #tpu.memory_space<vmem>>
    %dma_start3A_125 = tpu.memref_slice %arg2[%multiple_of3A_119] : memref<640000xi32, #tpu.memory_space<hbm>> -> memref<128xi32, #tpu.memory_space<hbm>>
    %dma_start3A_126 = tpu.memref_slice %arg8[%dma_start3A_121] : memref<6x!tpu.dma_semaphore, #tpu.memory_space<semaphore_mem>> -> memref<1x!tpu.dma_semaphore, #tpu.memory_space<semaphore_mem>>
    %dma_start3A_127 = tpu.memref_squeeze %dma_start3A_126 : memref<1x!tpu.dma_semaphore, #tpu.memory_space<semaphore_mem>> -> memref<!tpu.dma_semaphore, #tpu.memory_space<semaphore_mem>>
    %dma_start3A_128 = arith.constant 0 : i32
    %dma_start3A_129 = tpu.memref_slice %arg5[%dma_start3A_120, %dma_start3A_128] : memref<6x128xi32, #tpu.memory_space<vmem>> -> memref<1x128xi32, #tpu.memory_space<vmem>>
    %dma_start3A_130 = tpu.memref_squeeze %dma_start3A_129 : memref<1x128xi32, #tpu.memory_space<vmem>> -> memref<128xi32, #tpu.memory_space<vmem>>
    %dma_start3A_131 = tpu.memref_slice %arg2[%multiple_of3A_119] : memref<640000xi32, #tpu.memory_space<hbm>> -> memref<128xi32, #tpu.memory_space<hbm>>
    tpu.enqueue_dma source(%dma_start3A_131 : memref<128xi32, #tpu.memory_space<hbm>>) target(%dma_start3A_130 : memref<128xi32, #tpu.memory_space<vmem>>) target_semaphore(%dma_start3A_127 : memref<!tpu.dma_semaphore, #tpu.memory_space<semaphore_mem>>)
    %add3A_132 = arith.constant 2 : i32
    %add3A_133 = arith.addi %select_n3A, %add3A_132 : i32
    %mul3A_134 = arith.constant 128 : i32
    %mul3A_135 = arith.muli %add3A_133, %mul3A_134 : i32
    %add3A_136 = arith.constant 0 : i32
    %add3A_137 = arith.addi %add3A_136, %mul3A_135 : i32
    %multiple_of3A_138 = tpu.assume_multiple %add3A_137, 128 : i32
    %dma_start3A_139 = arith.constant 2 : i32
    %dma_start3A_140 = arith.constant 2 : i32
    %dma_start3A_141 = arith.constant 0 : i32
    %dma_start3A_142 = tpu.memref_slice %arg5[%dma_start3A_139, %dma_start3A_141] : memref<6x128xi32, #tpu.memory_space<vmem>> -> memref<1x128xi32, #tpu.memory_space<vmem>>
    %dma_start3A_143 = tpu.memref_squeeze %dma_start3A_142 : memref<1x128xi32, #tpu.memory_space<vmem>> -> memref<128xi32, #tpu.memory_space<vmem>>
    %dma_start3A_144 = tpu.memref_slice %arg2[%multiple_of3A_138] : memref<640000xi32, #tpu.memory_space<hbm>> -> memref<128xi32, #tpu.memory_space<hbm>>
    %dma_start3A_145 = tpu.memref_slice %arg8[%dma_start3A_140] : memref<6x!tpu.dma_semaphore, #tpu.memory_space<semaphore_mem>> -> memref<1x!tpu.dma_semaphore, #tpu.memory_space<semaphore_mem>>
    %dma_start3A_146 = tpu.memref_squeeze %dma_start3A_145 : memref<1x!tpu.dma_semaphore, #tpu.memory_space<semaphore_mem>> -> memref<!tpu.dma_semaphore, #tpu.memory_space<semaphore_mem>>
    %dma_start3A_147 = arith.constant 0 : i32
    %dma_start3A_148 = tpu.memref_slice %arg5[%dma_start3A_139, %dma_start3A_147] : memref<6x128xi32, #tpu.memory_space<vmem>> -> memref<1x128xi32, #tpu.memory_space<vmem>>
    %dma_start3A_149 = tpu.memref_squeeze %dma_start3A_148 : memref<1x128xi32, #tpu.memory_space<vmem>> -> memref<128xi32, #tpu.memory_space<vmem>>
    %dma_start3A_150 = tpu.memref_slice %arg2[%multiple_of3A_138] : memref<640000xi32, #tpu.memory_space<hbm>> -> memref<128xi32, #tpu.memory_space<hbm>>
    tpu.enqueue_dma source(%dma_start3A_150 : memref<128xi32, #tpu.memory_space<hbm>>) target(%dma_start3A_149 : memref<128xi32, #tpu.memory_space<vmem>>) target_semaphore(%dma_start3A_146 : memref<!tpu.dma_semaphore, #tpu.memory_space<semaphore_mem>>)
    %while3A = arith.constant 0 : i32
    %while3A_151 = arith.constant 0 : i32
    %while3A_152 = arith.subi %sub3A_47, %while3A_151 : i32
    %while3A_153 = arith.addi %while3A_151, %while3A_152 : i32
    %while3A_154 = arith.constant 1 : i32
    %while3A_155 = arith.divsi %while3A_152, %while3A_154 : i32
    %while3A_156 = arith.muli %while3A_155, %while3A_154 : i32
    %while3A_157 = arith.addi %while3A_151, %while3A_156 : i32
    %while3A_158 = arith.constant 1 : i32
    scf.for %while3A_186 = %while3A_151 to %while3A_157 step %while3A_158  : i32 {
      %add3A_187 = arith.constant 3 : i32
      %add3A_188 = arith.addi %while3A_186, %add3A_187 : i32
      %lt3A = arith.cmpi slt, %add3A_188, %sub3A_47 : i32
      %convert_element_type3A = arith.extui %lt3A : i1 to i32
      %cond3A = arith.constant 0 : i32
      %cond3A_189 = arith.cmpi ne, %convert_element_type3A, %cond3A : i32
      scf.if %cond3A_189 {
        %add3A_223 = arith.constant 3 : i32
        %add3A_224 = arith.addi %while3A_186, %add3A_223 : i32
        %add3A_225 = arith.constant 3 : i32
        %add3A_226 = arith.addi %while3A_186, %add3A_225 : i32
        %rem3A_227 = arith.constant 6 : i32
        %rem3A_228 = arith.remsi %add3A_226, %rem3A_227 : i32
        %add3A_229 = arith.addi %select_n3A, %add3A_224 : i32
        %mul3A_230 = arith.constant 128 : i32
        %mul3A_231 = arith.muli %add3A_229, %mul3A_230 : i32
        %add3A_232 = arith.constant 0 : i32
        %add3A_233 = arith.addi %add3A_232, %mul3A_231 : i32
        %multiple_of3A_234 = tpu.assume_multiple %add3A_233, 128 : i32
        %dma_start3A_235 = arith.constant 0 : i32
        %dma_start3A_236 = tpu.memref_slice %arg5[%rem3A_228, %dma_start3A_235] : memref<6x128xi32, #tpu.memory_space<vmem>> -> memref<1x128xi32, #tpu.memory_space<vmem>>
        %dma_start3A_237 = tpu.memref_squeeze %dma_start3A_236 : memref<1x128xi32, #tpu.memory_space<vmem>> -> memref<128xi32, #tpu.memory_space<vmem>>
        %dma_start3A_238 = tpu.memref_slice %arg2[%multiple_of3A_234] : memref<640000xi32, #tpu.memory_space<hbm>> -> memref<128xi32, #tpu.memory_space<hbm>>
        %dma_start3A_239 = tpu.memref_slice %arg8[%rem3A_228] : memref<6x!tpu.dma_semaphore, #tpu.memory_space<semaphore_mem>> -> memref<1x!tpu.dma_semaphore, #tpu.memory_space<semaphore_mem>>
        %dma_start3A_240 = tpu.memref_squeeze %dma_start3A_239 : memref<1x!tpu.dma_semaphore, #tpu.memory_space<semaphore_mem>> -> memref<!tpu.dma_semaphore, #tpu.memory_space<semaphore_mem>>
        %dma_start3A_241 = arith.constant 0 : i32
        %dma_start3A_242 = tpu.memref_slice %arg5[%rem3A_228, %dma_start3A_241] : memref<6x128xi32, #tpu.memory_space<vmem>> -> memref<1x128xi32, #tpu.memory_space<vmem>>
        %dma_start3A_243 = tpu.memref_squeeze %dma_start3A_242 : memref<1x128xi32, #tpu.memory_space<vmem>> -> memref<128xi32, #tpu.memory_space<vmem>>
        %dma_start3A_244 = tpu.memref_slice %arg2[%multiple_of3A_234] : memref<640000xi32, #tpu.memory_space<hbm>> -> memref<128xi32, #tpu.memory_space<hbm>>
        tpu.enqueue_dma source(%dma_start3A_244 : memref<128xi32, #tpu.memory_space<hbm>>) target(%dma_start3A_243 : memref<128xi32, #tpu.memory_space<vmem>>) target_semaphore(%dma_start3A_240 : memref<!tpu.dma_semaphore, #tpu.memory_space<semaphore_mem>>)
      } else {
      }
      %rem3A_190 = arith.constant 6 : i32
      %rem3A_191 = arith.remsi %while3A_186, %rem3A_190 : i32
      %add3A_192 = arith.addi %select_n3A, %while3A_186 : i32
      %mul3A_193 = arith.constant 128 : i32
      %mul3A_194 = arith.muli %add3A_192, %mul3A_193 : i32
      %add3A_195 = arith.constant 0 : i32
      %add3A_196 = arith.addi %add3A_195, %mul3A_194 : i32
      %multiple_of3A_197 = tpu.assume_multiple %add3A_196, 128 : i32
      %dma_wait3A_198 = arith.constant 0 : i32
      %dma_wait3A_199 = tpu.memref_slice %arg5[%rem3A_191, %dma_wait3A_198] : memref<6x128xi32, #tpu.memory_space<vmem>> -> memref<1x128xi32, #tpu.memory_space<vmem>>
      %dma_wait3A_200 = tpu.memref_squeeze %dma_wait3A_199 : memref<1x128xi32, #tpu.memory_space<vmem>> -> memref<128xi32, #tpu.memory_space<vmem>>
      %dma_wait3A_201 = tpu.memref_slice %arg2[%multiple_of3A_197] : memref<640000xi32, #tpu.memory_space<hbm>> -> memref<128xi32, #tpu.memory_space<hbm>>
      %dma_wait3A_202 = tpu.memref_slice %arg8[%rem3A_191] : memref<6x!tpu.dma_semaphore, #tpu.memory_space<semaphore_mem>> -> memref<1x!tpu.dma_semaphore, #tpu.memory_space<semaphore_mem>>
      %dma_wait3A_203 = tpu.memref_squeeze %dma_wait3A_202 : memref<1x!tpu.dma_semaphore, #tpu.memory_space<semaphore_mem>> -> memref<!tpu.dma_semaphore, #tpu.memory_space<semaphore_mem>>
      %dma_wait3A_204 = arith.constant 0 : i32
      %dma_wait3A_205 = tpu.memref_slice %arg5[%rem3A_191, %dma_wait3A_204] : memref<6x128xi32, #tpu.memory_space<vmem>> -> memref<1x128xi32, #tpu.memory_space<vmem>>
      %dma_wait3A_206 = tpu.memref_squeeze %dma_wait3A_205 : memref<1x128xi32, #tpu.memory_space<vmem>> -> memref<128xi32, #tpu.memory_space<vmem>>
      %dma_wait3A_207 = tpu.memref_slice %arg2[%multiple_of3A_197] : memref<640000xi32, #tpu.memory_space<hbm>> -> memref<128xi32, #tpu.memory_space<hbm>>
      tpu.wait_dma2 semaphore(%dma_wait3A_203 : memref<!tpu.dma_semaphore, #tpu.memory_space<semaphore_mem>>) src(%dma_wait3A_207 : memref<128xi32, #tpu.memory_space<hbm>>) dst(%dma_wait3A_206 : memref<128xi32, #tpu.memory_space<vmem>>)
      %rem3A_208 = arith.constant 6 : i32
      %rem3A_209 = arith.remsi %while3A_186, %rem3A_208 : i32
      %rem3A_210 = arith.constant 4 : i32
      %rem3A_211 = arith.remsi %while3A_186, %rem3A_210 : i32
      %dma_start3A_212 = arith.constant 0 : i32
      %dma_start3A_213 = tpu.memref_slice %arg5[%rem3A_209, %dma_start3A_212] : memref<6x128xi32, #tpu.memory_space<vmem>> -> memref<1x128xi32, #tpu.memory_space<vmem>>
      %dma_start3A_214 = tpu.memref_squeeze %dma_start3A_213 : memref<1x128xi32, #tpu.memory_space<vmem>> -> memref<128xi32, #tpu.memory_space<vmem>>
      %dma_start3A_215 = arith.constant 0 : i32
      %dma_start3A_216 = tpu.memref_slice %arg7[%dma_start3A_215] : memref<10240xf32, #tpu.memory_space<vmem_shared>> -> memref<10240xf32, #tpu.memory_space<vmem_shared>>
      %dma_start3A_217 = tpu.memref_slice %arg9[%rem3A_211] : memref<4x!tpu.dma_semaphore, #tpu.memory_space<semaphore_mem>> -> memref<1x!tpu.dma_semaphore, #tpu.memory_space<semaphore_mem>>
      %dma_start3A_218 = tpu.memref_squeeze %dma_start3A_217 : memref<1x!tpu.dma_semaphore, #tpu.memory_space<semaphore_mem>> -> memref<!tpu.dma_semaphore, #tpu.memory_space<semaphore_mem>>
      tpu.enqueue_indirect_dma source(%arg6 : memref<128xf32, #tpu.memory_space<vmem>>) target(%dma_start3A_216 : memref<10240xf32, #tpu.memory_space<vmem_shared>>) offsets(%dma_start3A_214 : memref<128xi32, #tpu.memory_space<vmem>>) semaphore(%dma_start3A_218 : memref<!tpu.dma_semaphore, #tpu.memory_space<semaphore_mem>>) {add = true}
      %ge3A = arith.constant 2 : i32
      %ge3A_219 = arith.cmpi sge, %while3A_186, %ge3A : i32
      %convert_element_type3A_220 = arith.extui %ge3A_219 : i1 to i32
      %cond3A_221 = arith.constant 0 : i32
      %cond3A_222 = arith.cmpi ne, %convert_element_type3A_220, %cond3A_221 : i32
      scf.if %cond3A_222 {
        %sub3A_223 = arith.constant 2 : i32
        %sub3A_224 = arith.subi %while3A_186, %sub3A_223 : i32
        %rem3A_225 = arith.constant 6 : i32
        %rem3A_226 = arith.remsi %sub3A_224, %rem3A_225 : i32
        %rem3A_227 = arith.constant 4 : i32
        %rem3A_228 = arith.remsi %sub3A_224, %rem3A_227 : i32
        %dma_wait3A_229 = arith.constant 0 : i32
        %dma_wait3A_230 = tpu.memref_slice %arg5[%rem3A_226, %dma_wait3A_229] : memref<6x128xi32, #tpu.memory_space<vmem>> -> memref<1x128xi32, #tpu.memory_space<vmem>>
        %dma_wait3A_231 = tpu.memref_squeeze %dma_wait3A_230 : memref<1x128xi32, #tpu.memory_space<vmem>> -> memref<128xi32, #tpu.memory_space<vmem>>
        %dma_wait3A_232 = arith.constant 0 : i32
        %dma_wait3A_233 = tpu.memref_slice %arg7[%dma_wait3A_232] : memref<10240xf32, #tpu.memory_space<vmem_shared>> -> memref<10240xf32, #tpu.memory_space<vmem_shared>>
        %dma_wait3A_234 = tpu.memref_slice %arg9[%rem3A_228] : memref<4x!tpu.dma_semaphore, #tpu.memory_space<semaphore_mem>> -> memref<1x!tpu.dma_semaphore, #tpu.memory_space<semaphore_mem>>
        %dma_wait3A_235 = tpu.memref_squeeze %dma_wait3A_234 : memref<1x!tpu.dma_semaphore, #tpu.memory_space<semaphore_mem>> -> memref<!tpu.dma_semaphore, #tpu.memory_space<semaphore_mem>>
        tpu.wait_indirect_dma semaphore(%dma_wait3A_235 : memref<!tpu.dma_semaphore, #tpu.memory_space<semaphore_mem>>) src(%arg6 : memref<128xf32, #tpu.memory_space<vmem>>) dst(%dma_wait3A_233 : memref<10240xf32, #tpu.memory_space<vmem_shared>>)
      } else {
      }
    }
    %while3A_159 = arith.constant 1 : i32
    scf.for %while3A_186 = %while3A_157 to %while3A_153 step %while3A_159  : i32 {
      %add3A_187 = arith.constant 3 : i32
      %add3A_188 = arith.addi %while3A_186, %add3A_187 : i32
      %lt3A = arith.cmpi slt, %add3A_188, %sub3A_47 : i32
      %convert_element_type3A = arith.extui %lt3A : i1 to i32
      %cond3A = arith.constant 0 : i32
      %cond3A_189 = arith.cmpi ne, %convert_element_type3A, %cond3A : i32
      scf.if %cond3A_189 {
        %add3A_223 = arith.constant 3 : i32
        %add3A_224 = arith.addi %while3A_186, %add3A_223 : i32
        %add3A_225 = arith.constant 3 : i32
        %add3A_226 = arith.addi %while3A_186, %add3A_225 : i32
        %rem3A_227 = arith.constant 6 : i32
        %rem3A_228 = arith.remsi %add3A_226, %rem3A_227 : i32
        %add3A_229 = arith.addi %select_n3A, %add3A_224 : i32
        %mul3A_230 = arith.constant 128 : i32
        %mul3A_231 = arith.muli %add3A_229, %mul3A_230 : i32
        %add3A_232 = arith.constant 0 : i32
        %add3A_233 = arith.addi %add3A_232, %mul3A_231 : i32
        %multiple_of3A_234 = tpu.assume_multiple %add3A_233, 128 : i32
        %dma_start3A_235 = arith.constant 0 : i32
        %dma_start3A_236 = tpu.memref_slice %arg5[%rem3A_228, %dma_start3A_235] : memref<6x128xi32, #tpu.memory_space<vmem>> -> memref<1x128xi32, #tpu.memory_space<vmem>>
        %dma_start3A_237 = tpu.memref_squeeze %dma_start3A_236 : memref<1x128xi32, #tpu.memory_space<vmem>> -> memref<128xi32, #tpu.memory_space<vmem>>
        %dma_start3A_238 = tpu.memref_slice %arg2[%multiple_of3A_234] : memref<640000xi32, #tpu.memory_space<hbm>> -> memref<128xi32, #tpu.memory_space<hbm>>
        %dma_start3A_239 = tpu.memref_slice %arg8[%rem3A_228] : memref<6x!tpu.dma_semaphore, #tpu.memory_space<semaphore_mem>> -> memref<1x!tpu.dma_semaphore, #tpu.memory_space<semaphore_mem>>
        %dma_start3A_240 = tpu.memref_squeeze %dma_start3A_239 : memref<1x!tpu.dma_semaphore, #tpu.memory_space<semaphore_mem>> -> memref<!tpu.dma_semaphore, #tpu.memory_space<semaphore_mem>>
        %dma_start3A_241 = arith.constant 0 : i32
        %dma_start3A_242 = tpu.memref_slice %arg5[%rem3A_228, %dma_start3A_241] : memref<6x128xi32, #tpu.memory_space<vmem>> -> memref<1x128xi32, #tpu.memory_space<vmem>>
        %dma_start3A_243 = tpu.memref_squeeze %dma_start3A_242 : memref<1x128xi32, #tpu.memory_space<vmem>> -> memref<128xi32, #tpu.memory_space<vmem>>
        %dma_start3A_244 = tpu.memref_slice %arg2[%multiple_of3A_234] : memref<640000xi32, #tpu.memory_space<hbm>> -> memref<128xi32, #tpu.memory_space<hbm>>
        tpu.enqueue_dma source(%dma_start3A_244 : memref<128xi32, #tpu.memory_space<hbm>>) target(%dma_start3A_243 : memref<128xi32, #tpu.memory_space<vmem>>) target_semaphore(%dma_start3A_240 : memref<!tpu.dma_semaphore, #tpu.memory_space<semaphore_mem>>)
      } else {
      }
      %rem3A_190 = arith.constant 6 : i32
      %rem3A_191 = arith.remsi %while3A_186, %rem3A_190 : i32
      %add3A_192 = arith.addi %select_n3A, %while3A_186 : i32
      %mul3A_193 = arith.constant 128 : i32
      %mul3A_194 = arith.muli %add3A_192, %mul3A_193 : i32
      %add3A_195 = arith.constant 0 : i32
      %add3A_196 = arith.addi %add3A_195, %mul3A_194 : i32
      %multiple_of3A_197 = tpu.assume_multiple %add3A_196, 128 : i32
      %dma_wait3A_198 = arith.constant 0 : i32
      %dma_wait3A_199 = tpu.memref_slice %arg5[%rem3A_191, %dma_wait3A_198] : memref<6x128xi32, #tpu.memory_space<vmem>> -> memref<1x128xi32, #tpu.memory_space<vmem>>
      %dma_wait3A_200 = tpu.memref_squeeze %dma_wait3A_199 : memref<1x128xi32, #tpu.memory_space<vmem>> -> memref<128xi32, #tpu.memory_space<vmem>>
      %dma_wait3A_201 = tpu.memref_slice %arg2[%multiple_of3A_197] : memref<640000xi32, #tpu.memory_space<hbm>> -> memref<128xi32, #tpu.memory_space<hbm>>
      %dma_wait3A_202 = tpu.memref_slice %arg8[%rem3A_191] : memref<6x!tpu.dma_semaphore, #tpu.memory_space<semaphore_mem>> -> memref<1x!tpu.dma_semaphore, #tpu.memory_space<semaphore_mem>>
      %dma_wait3A_203 = tpu.memref_squeeze %dma_wait3A_202 : memref<1x!tpu.dma_semaphore, #tpu.memory_space<semaphore_mem>> -> memref<!tpu.dma_semaphore, #tpu.memory_space<semaphore_mem>>
      %dma_wait3A_204 = arith.constant 0 : i32
      %dma_wait3A_205 = tpu.memref_slice %arg5[%rem3A_191, %dma_wait3A_204] : memref<6x128xi32, #tpu.memory_space<vmem>> -> memref<1x128xi32, #tpu.memory_space<vmem>>
      %dma_wait3A_206 = tpu.memref_squeeze %dma_wait3A_205 : memref<1x128xi32, #tpu.memory_space<vmem>> -> memref<128xi32, #tpu.memory_space<vmem>>
      %dma_wait3A_207 = tpu.memref_slice %arg2[%multiple_of3A_197] : memref<640000xi32, #tpu.memory_space<hbm>> -> memref<128xi32, #tpu.memory_space<hbm>>
      tpu.wait_dma2 semaphore(%dma_wait3A_203 : memref<!tpu.dma_semaphore, #tpu.memory_space<semaphore_mem>>) src(%dma_wait3A_207 : memref<128xi32, #tpu.memory_space<hbm>>) dst(%dma_wait3A_206 : memref<128xi32, #tpu.memory_space<vmem>>)
      %rem3A_208 = arith.constant 6 : i32
      %rem3A_209 = arith.remsi %while3A_186, %rem3A_208 : i32
      %rem3A_210 = arith.constant 4 : i32
      %rem3A_211 = arith.remsi %while3A_186, %rem3A_210 : i32
      %dma_start3A_212 = arith.constant 0 : i32
      %dma_start3A_213 = tpu.memref_slice %arg5[%rem3A_209, %dma_start3A_212] : memref<6x128xi32, #tpu.memory_space<vmem>> -> memref<1x128xi32, #tpu.memory_space<vmem>>
      %dma_start3A_214 = tpu.memref_squeeze %dma_start3A_213 : memref<1x128xi32, #tpu.memory_space<vmem>> -> memref<128xi32, #tpu.memory_space<vmem>>
      %dma_start3A_215 = arith.constant 0 : i32
      %dma_start3A_216 = tpu.memref_slice %arg7[%dma_start3A_215] : memref<10240xf32, #tpu.memory_space<vmem_shared>> -> memref<10240xf32, #tpu.memory_space<vmem_shared>>
      %dma_start3A_217 = tpu.memref_slice %arg9[%rem3A_211] : memref<4x!tpu.dma_semaphore, #tpu.memory_space<semaphore_mem>> -> memref<1x!tpu.dma_semaphore, #tpu.memory_space<semaphore_mem>>
      %dma_start3A_218 = tpu.memref_squeeze %dma_start3A_217 : memref<1x!tpu.dma_semaphore, #tpu.memory_space<semaphore_mem>> -> memref<!tpu.dma_semaphore, #tpu.memory_space<semaphore_mem>>
      tpu.enqueue_indirect_dma source(%arg6 : memref<128xf32, #tpu.memory_space<vmem>>) target(%dma_start3A_216 : memref<10240xf32, #tpu.memory_space<vmem_shared>>) offsets(%dma_start3A_214 : memref<128xi32, #tpu.memory_space<vmem>>) semaphore(%dma_start3A_218 : memref<!tpu.dma_semaphore, #tpu.memory_space<semaphore_mem>>) {add = true}
      %ge3A = arith.constant 2 : i32
      %ge3A_219 = arith.cmpi sge, %while3A_186, %ge3A : i32
      %convert_element_type3A_220 = arith.extui %ge3A_219 : i1 to i32
      %cond3A_221 = arith.constant 0 : i32
      %cond3A_222 = arith.cmpi ne, %convert_element_type3A_220, %cond3A_221 : i32
      scf.if %cond3A_222 {
        %sub3A_223 = arith.constant 2 : i32
        %sub3A_224 = arith.subi %while3A_186, %sub3A_223 : i32
        %rem3A_225 = arith.constant 6 : i32
        %rem3A_226 = arith.remsi %sub3A_224, %rem3A_225 : i32
        %rem3A_227 = arith.constant 4 : i32
        %rem3A_228 = arith.remsi %sub3A_224, %rem3A_227 : i32
        %dma_wait3A_229 = arith.constant 0 : i32
        %dma_wait3A_230 = tpu.memref_slice %arg5[%rem3A_226, %dma_wait3A_229] : memref<6x128xi32, #tpu.memory_space<vmem>> -> memref<1x128xi32, #tpu.memory_space<vmem>>
        %dma_wait3A_231 = tpu.memref_squeeze %dma_wait3A_230 : memref<1x128xi32, #tpu.memory_space<vmem>> -> memref<128xi32, #tpu.memory_space<vmem>>
        %dma_wait3A_232 = arith.constant 0 : i32
        %dma_wait3A_233 = tpu.memref_slice %arg7[%dma_wait3A_232] : memref<10240xf32, #tpu.memory_space<vmem_shared>> -> memref<10240xf32, #tpu.memory_space<vmem_shared>>
        %dma_wait3A_234 = tpu.memref_slice %arg9[%rem3A_228] : memref<4x!tpu.dma_semaphore, #tpu.memory_space<semaphore_mem>> -> memref<1x!tpu.dma_semaphore, #tpu.memory_space<semaphore_mem>>
        %dma_wait3A_235 = tpu.memref_squeeze %dma_wait3A_234 : memref<1x!tpu.dma_semaphore, #tpu.memory_space<semaphore_mem>> -> memref<!tpu.dma_semaphore, #tpu.memory_space<semaphore_mem>>
        tpu.wait_indirect_dma semaphore(%dma_wait3A_235 : memref<!tpu.dma_semaphore, #tpu.memory_space<semaphore_mem>>) src(%arg6 : memref<128xf32, #tpu.memory_space<vmem>>) dst(%dma_wait3A_233 : memref<10240xf32, #tpu.memory_space<vmem_shared>>)
      } else {
      }
    }
    %sub3A_160 = arith.constant 2 : i32
    %sub3A_161 = arith.subi %sub3A_47, %sub3A_160 : i32
    %rem3A_162 = arith.constant 6 : i32
    %rem3A_163 = arith.remsi %sub3A_161, %rem3A_162 : i32
    %rem3A_164 = arith.constant 4 : i32
    %rem3A_165 = arith.remsi %sub3A_161, %rem3A_164 : i32
    %dma_wait3A = arith.constant 0 : i32
    %dma_wait3A_166 = tpu.memref_slice %arg5[%rem3A_163, %dma_wait3A] : memref<6x128xi32, #tpu.memory_space<vmem>> -> memref<1x128xi32, #tpu.memory_space<vmem>>
    %dma_wait3A_167 = tpu.memref_squeeze %dma_wait3A_166 : memref<1x128xi32, #tpu.memory_space<vmem>> -> memref<128xi32, #tpu.memory_space<vmem>>
    %dma_wait3A_168 = arith.constant 0 : i32
    %dma_wait3A_169 = tpu.memref_slice %arg7[%dma_wait3A_168] : memref<10240xf32, #tpu.memory_space<vmem_shared>> -> memref<10240xf32, #tpu.memory_space<vmem_shared>>
    %dma_wait3A_170 = tpu.memref_slice %arg9[%rem3A_165] : memref<4x!tpu.dma_semaphore, #tpu.memory_space<semaphore_mem>> -> memref<1x!tpu.dma_semaphore, #tpu.memory_space<semaphore_mem>>
    %dma_wait3A_171 = tpu.memref_squeeze %dma_wait3A_170 : memref<1x!tpu.dma_semaphore, #tpu.memory_space<semaphore_mem>> -> memref<!tpu.dma_semaphore, #tpu.memory_space<semaphore_mem>>
    tpu.wait_indirect_dma semaphore(%dma_wait3A_171 : memref<!tpu.dma_semaphore, #tpu.memory_space<semaphore_mem>>) src(%arg6 : memref<128xf32, #tpu.memory_space<vmem>>) dst(%dma_wait3A_169 : memref<10240xf32, #tpu.memory_space<vmem_shared>>)
    %sub3A_172 = arith.constant 1 : i32
    %sub3A_173 = arith.subi %sub3A_47, %sub3A_172 : i32
    %rem3A_174 = arith.constant 6 : i32
    %rem3A_175 = arith.remsi %sub3A_173, %rem3A_174 : i32
    %rem3A_176 = arith.constant 4 : i32
    %rem3A_177 = arith.remsi %sub3A_173, %rem3A_176 : i32
    %dma_wait3A_178 = arith.constant 0 : i32
    %dma_wait3A_179 = tpu.memref_slice %arg5[%rem3A_175, %dma_wait3A_178] : memref<6x128xi32, #tpu.memory_space<vmem>> -> memref<1x128xi32, #tpu.memory_space<vmem>>
    %dma_wait3A_180 = tpu.memref_squeeze %dma_wait3A_179 : memref<1x128xi32, #tpu.memory_space<vmem>> -> memref<128xi32, #tpu.memory_space<vmem>>
    %dma_wait3A_181 = arith.constant 0 : i32
    %dma_wait3A_182 = tpu.memref_slice %arg7[%dma_wait3A_181] : memref<10240xf32, #tpu.memory_space<vmem_shared>> -> memref<10240xf32, #tpu.memory_space<vmem_shared>>
    %dma_wait3A_183 = tpu.memref_slice %arg9[%rem3A_177] : memref<4x!tpu.dma_semaphore, #tpu.memory_space<semaphore_mem>> -> memref<1x!tpu.dma_semaphore, #tpu.memory_space<semaphore_mem>>
    %dma_wait3A_184 = tpu.memref_squeeze %dma_wait3A_183 : memref<1x!tpu.dma_semaphore, #tpu.memory_space<semaphore_mem>> -> memref<!tpu.dma_semaphore, #tpu.memory_space<semaphore_mem>>
    tpu.wait_indirect_dma semaphore(%dma_wait3A_184 : memref<!tpu.dma_semaphore, #tpu.memory_space<semaphore_mem>>) src(%arg6 : memref<128xf32, #tpu.memory_space<vmem>>) dst(%dma_wait3A_182 : memref<10240xf32, #tpu.memory_space<vmem_shared>>)
    %barrier3A_185 = arith.constant 0 : index
    tpu.barrier barrier_id(%barrier3A_185)
    %run_scoped3A = arith.constant 0 : i32
    "tpu.region"() ({
      %run_scoped3A_186 = tpu.sem_alloc : memref<!tpu.dma_semaphore, #tpu.memory_space<semaphore_mem>>
      %dma_start3A_187 = tpu.memref_slice %arg4[%arg0, %run_scoped3A, %mul3A_95] : memref<2x1x10240xf32, #tpu.memory_space<hbm>> -> memref<1x1x640xf32, #tpu.memory_space<hbm>>
      %dma_start3A_188 = tpu.memref_squeeze %dma_start3A_187 : memref<1x1x640xf32, #tpu.memory_space<hbm>> -> memref<640xf32, #tpu.memory_space<hbm>>
      %dma_start3A_189 = tpu.memref_slice %arg7[%mul3A_95] : memref<10240xf32, #tpu.memory_space<vmem_shared>> -> memref<640xf32, #tpu.memory_space<vmem_shared>>
      tpu.enqueue_dma source(%dma_start3A_189 : memref<640xf32, #tpu.memory_space<vmem_shared>>) target(%dma_start3A_188 : memref<640xf32, #tpu.memory_space<hbm>>) target_semaphore(%run_scoped3A_186 : memref<!tpu.dma_semaphore, #tpu.memory_space<semaphore_mem>>)
      %dma_wait3A_190 = tpu.memref_slice %arg4[%arg0, %run_scoped3A, %mul3A_95] : memref<2x1x10240xf32, #tpu.memory_space<hbm>> -> memref<1x1x640xf32, #tpu.memory_space<hbm>>
      %dma_wait3A_191 = tpu.memref_squeeze %dma_wait3A_190 : memref<1x1x640xf32, #tpu.memory_space<hbm>> -> memref<640xf32, #tpu.memory_space<hbm>>
      %dma_wait3A_192 = tpu.memref_slice %arg7[%mul3A_95] : memref<10240xf32, #tpu.memory_space<vmem_shared>> -> memref<640xf32, #tpu.memory_space<vmem_shared>>
      tpu.wait_dma2 semaphore(%run_scoped3A_186 : memref<!tpu.dma_semaphore, #tpu.memory_space<semaphore_mem>>) src(%dma_wait3A_192 : memref<640xf32, #tpu.memory_space<vmem_shared>>) dst(%dma_wait3A_191 : memref<640xf32, #tpu.memory_space<hbm>>)
      tpu.yield
    }) : () -> ()
    return
  }
}

module attributes {stable_mosaic.version = 14 : i64} {
  func.func @body(%arg0: i32, %arg1: memref<2000x128xf32, #tpu.memory_space<vmem>>, %arg2: memref<128x128xf32, #tpu.memory_space<vmem>>, %arg3: memref<2x2000x1xf32, #tpu.memory_space<vmem>>, %arg4: memref<2000x128xf32, #tpu.memory_space<vmem>>) attributes {dimension_semantics = [#tpu.dimension_semantics<arbitrary>], iteration_bounds = array<i64: 5>, scalar_prefetch = 0 : i64, scratch_operands = 0 : i64, tpu.core_type = #tpu.core_type<tc>, window_params = [{transform_indices = @transform_0, window_bounds = array<i64: 2000, 128>}, {pipeline_mode = #tpu.pipeline_mode<synchronous>, transform_indices = @transform_1, window_bounds = array<i64: 128, 128>}, {transform_indices = @transform_2, window_bounds = array<i64: 2, 2000, 1>}, {transform_indices = @transform_3, window_bounds = array<i64: 2000, 128>}]} {
    %get3A = arith.constant 0 : index
    %get3A_0 = arith.constant 0 : index
    %get3A_1 = arith.constant 0 : index
    %get3A_2 = vector.load %arg3[%get3A, %get3A_0, %get3A_1] : memref<2x2000x1xf32, #tpu.memory_space<vmem>>, vector<1x2000x1xf32>
    %get3A_3 = vector.shape_cast %get3A_2 : vector<1x2000x1xf32> to vector<2000x1xf32>
    %get3A_4 = arith.constant 1 : index
    %get3A_5 = arith.constant 0 : index
    %get3A_6 = arith.constant 0 : index
    %get3A_7 = vector.load %arg3[%get3A_4, %get3A_5, %get3A_6] : memref<2x2000x1xf32, #tpu.memory_space<vmem>>, vector<1x2000x1xf32>
    %get3A_8 = vector.shape_cast %get3A_7 : vector<1x2000x1xf32> to vector<2000x1xf32>
    %add3A = arith.addf %get3A_3, %get3A_8 : vector<2000x1xf32>
    %max3A = arith.constant 1.000000e+00 : f32
    %max3A_9 = vector.broadcast %max3A : f32 to vector<2000x1xf32>
    %max3A_10 = arith.maximumf %add3A, %max3A_9 : vector<2000x1xf32>
    %rsqrt3A = math.rsqrt %max3A_10 : vector<2000x1xf32>
    %get3A_11 = arith.constant 0 : index
    %get3A_12 = arith.constant 0 : index
    %get3A_13 = vector.load %arg1[%get3A_11, %get3A_12] : memref<2000x128xf32, #tpu.memory_space<vmem>>, vector<2000x128xf32>
    %get3A_14 = arith.constant 0 : index
    %get3A_15 = arith.constant 0 : index
    %get3A_16 = vector.load %arg2[%get3A_14, %get3A_15] : memref<128x128xf32, #tpu.memory_space<vmem>>, vector<128x128xf32>
    %dot_general3A = arith.constant dense<0.000000e+00> : vector<2000x128xf32>
    %dot_general3A_17 = tpu.matmul %get3A_13, %get3A_16, %dot_general3A {dimension_numbers = #tpu.dot_dimension_numbers<[1], [0], [0], [1], [0, 0, 1, 1], [], []>, transpose_lhs_hint = false} : vector<2000x128xf32>, vector<128x128xf32>, vector<2000x128xf32> -> vector<2000x128xf32>
    %mul3A = vector.broadcast %rsqrt3A : vector<2000x1xf32> to vector<2000x128xf32>
    %mul3A_18 = arith.mulf %dot_general3A_17, %mul3A : vector<2000x128xf32>
    %swap3A = arith.constant 0 : index
    %swap3A_19 = arith.constant 0 : index
    %swap3A_20 = vector.load %arg4[%swap3A, %swap3A_19] : memref<2000x128xf32, #tpu.memory_space<vmem>>, vector<2000x128xf32>
    tpu.vector_store %arg4[%swap3A, %swap3A_19], %mul3A_18 {strides = array<i32>} : memref<2000x128xf32, #tpu.memory_space<vmem>>, vector<2000x128xf32>,
    return
  }
  func.func @transform_0(%arg0: i32) -> (i32, i32) {
    %c0_i32 = arith.constant 0 : i32
    %c0_i32_0 = arith.constant 0 : i32
    return %arg0, %c0_i32 : i32, i32
  }
  func.func @transform_1(%arg0: i32) -> (i32, i32) {
    %c0_i32 = arith.constant 0 : i32
    %c0_i32_0 = arith.constant 0 : i32
    %c0_i32_1 = arith.constant 0 : i32
    return %c0_i32, %c0_i32_0 : i32, i32
  }
  func.func @transform_2(%arg0: i32) -> (i32, i32, i32) {
    %c0_i32 = arith.constant 0 : i32
    %c0_i32_0 = arith.constant 0 : i32
    %c0_i32_1 = arith.constant 0 : i32
    return %c0_i32, %arg0, %c0_i32_0 : i32, i32, i32
  }
  func.func @transform_3(%arg0: i32) -> (i32, i32) {
    %c0_i32 = arith.constant 0 : i32
    %c0_i32_0 = arith.constant 0 : i32
    return %arg0, %c0_i32 : i32, i32
  }
}

module attributes {stable_mosaic.version = 14 : i64} {
  func.func @body(%arg0: i32, %arg1: memref<2x2000x128xf32, #tpu.memory_space<vmem>>, %arg2: memref<2x2000x1xf32, #tpu.memory_space<vmem>>, %arg3: memref<1x128xf32, #tpu.memory_space<vmem>>, %arg4: memref<2000x128xf32, #tpu.memory_space<vmem>>, %arg5: memref<2000x128xf32, #tpu.memory_space<vmem>>) attributes {dimension_semantics = [#tpu.dimension_semantics<arbitrary>], iteration_bounds = array<i64: 5>, scalar_prefetch = 0 : i64, scratch_operands = 0 : i64, tpu.core_type = #tpu.core_type<tc>, window_params = [{transform_indices = @transform_0, window_bounds = array<i64: 2, 2000, 128>}, {transform_indices = @transform_1, window_bounds = array<i64: 2, 2000, 1>}, {pipeline_mode = #tpu.pipeline_mode<synchronous>, transform_indices = @transform_2, window_bounds = array<i64: 1, 128>}, {transform_indices = @transform_3, window_bounds = array<i64: 2000, 128>}, {transform_indices = @transform_4, window_bounds = array<i64: 2000, 128>}]} {
    %get3A = arith.constant 0 : index
    %get3A_0 = arith.constant 0 : index
    %get3A_1 = arith.constant 0 : index
    %get3A_2 = vector.load %arg1[%get3A, %get3A_0, %get3A_1] : memref<2x2000x128xf32, #tpu.memory_space<vmem>>, vector<1x2000x128xf32>
    %get3A_3 = vector.shape_cast %get3A_2 : vector<1x2000x128xf32> to vector<2000x128xf32>
    %get3A_4 = arith.constant 1 : index
    %get3A_5 = arith.constant 0 : index
    %get3A_6 = arith.constant 0 : index
    %get3A_7 = vector.load %arg1[%get3A_4, %get3A_5, %get3A_6] : memref<2x2000x128xf32, #tpu.memory_space<vmem>>, vector<1x2000x128xf32>
    %get3A_8 = vector.shape_cast %get3A_7 : vector<1x2000x128xf32> to vector<2000x128xf32>
    %add3A = arith.addf %get3A_3, %get3A_8 : vector<2000x128xf32>
    %get3A_9 = arith.constant 0 : index
    %get3A_10 = arith.constant 0 : index
    %get3A_11 = arith.constant 0 : index
    %get3A_12 = vector.load %arg2[%get3A_9, %get3A_10, %get3A_11] : memref<2x2000x1xf32, #tpu.memory_space<vmem>>, vector<1x2000x1xf32>
    %get3A_13 = vector.shape_cast %get3A_12 : vector<1x2000x1xf32> to vector<2000x1xf32>
    %get3A_14 = arith.constant 1 : index
    %get3A_15 = arith.constant 0 : index
    %get3A_16 = arith.constant 0 : index
    %get3A_17 = vector.load %arg2[%get3A_14, %get3A_15, %get3A_16] : memref<2x2000x1xf32, #tpu.memory_space<vmem>>, vector<1x2000x1xf32>
    %get3A_18 = vector.shape_cast %get3A_17 : vector<1x2000x1xf32> to vector<2000x1xf32>
    %add3A_19 = arith.addf %get3A_13, %get3A_18 : vector<2000x1xf32>
    %max3A = arith.constant 1.000000e+00 : f32
    %max3A_20 = vector.broadcast %max3A : f32 to vector<2000x1xf32>
    %max3A_21 = arith.maximumf %add3A_19, %max3A_20 : vector<2000x1xf32>
    %rsqrt3A = math.rsqrt %max3A_21 : vector<2000x1xf32>
    %mul3A = vector.broadcast %rsqrt3A : vector<2000x1xf32> to vector<2000x128xf32>
    %mul3A_22 = arith.mulf %add3A, %mul3A : vector<2000x128xf32>
    %get3A_23 = arith.constant 0 : index
    %get3A_24 = arith.constant 0 : index
    %get3A_25 = vector.load %arg3[%get3A_23, %get3A_24] : memref<1x128xf32, #tpu.memory_space<vmem>>, vector<1x128xf32>
    %add3A_26 = vector.broadcast %get3A_25 : vector<1x128xf32> to vector<2000x128xf32>
    %add3A_27 = arith.addf %mul3A_22, %add3A_26 : vector<2000x128xf32>
    %max3A_28 = arith.constant 0.000000e+00 : f32
    %max3A_29 = vector.broadcast %max3A_28 : f32 to vector<2000x128xf32>
    %max3A_30 = arith.maximumf %add3A_27, %max3A_29 : vector<2000x128xf32>
    %swap3A = arith.constant 0 : index
    %swap3A_31 = arith.constant 0 : index
    %swap3A_32 = vector.load %arg4[%swap3A, %swap3A_31] : memref<2000x128xf32, #tpu.memory_space<vmem>>, vector<2000x128xf32>
    tpu.vector_store %arg4[%swap3A, %swap3A_31], %max3A_30 {strides = array<i32>} : memref<2000x128xf32, #tpu.memory_space<vmem>>, vector<2000x128xf32>,
    %ge3A = arith.constant 5.000000e-01 : f32
    %ge3A_33 = vector.broadcast %ge3A : f32 to vector<2000x128xf32>
    %ge3A_34 = arith.cmpf oge, %max3A_30, %ge3A_33 : vector<2000x128xf32>
    %jit3A = arith.constant 1.000000e+00 : f32
    %jit3A_35 = arith.constant 0.000000e+00 : f32
    %broadcast_in_dim3A = vector.broadcast %jit3A : f32 to vector<2000x128xf32>
    %broadcast_in_dim3A_36 = vector.broadcast %jit3A_35 : f32 to vector<2000x128xf32>
    %select_n3A = arith.select %ge3A_34, %broadcast_in_dim3A, %broadcast_in_dim3A_36 : vector<2000x128xi1>, vector<2000x128xf32>
    %swap3A_37 = arith.constant 0 : index
    %swap3A_38 = arith.constant 0 : index
    %swap3A_39 = vector.load %arg5[%swap3A_37, %swap3A_38] : memref<2000x128xf32, #tpu.memory_space<vmem>>, vector<2000x128xf32>
    tpu.vector_store %arg5[%swap3A_37, %swap3A_38], %select_n3A {strides = array<i32>} : memref<2000x128xf32, #tpu.memory_space<vmem>>, vector<2000x128xf32>,
    return
  }
  func.func @transform_0(%arg0: i32) -> (i32, i32, i32) {
    %c0_i32 = arith.constant 0 : i32
    %c0_i32_0 = arith.constant 0 : i32
    %c0_i32_1 = arith.constant 0 : i32
    return %c0_i32, %arg0, %c0_i32_0 : i32, i32, i32
  }
  func.func @transform_1(%arg0: i32) -> (i32, i32, i32) {
    %c0_i32 = arith.constant 0 : i32
    %c0_i32_0 = arith.constant 0 : i32
    %c0_i32_1 = arith.constant 0 : i32
    return %c0_i32, %arg0, %c0_i32_0 : i32, i32, i32
  }
  func.func @transform_2(%arg0: i32) -> (i32, i32) {
    %c0_i32 = arith.constant 0 : i32
    %c0_i32_0 = arith.constant 0 : i32
    %c0_i32_1 = arith.constant 0 : i32
    return %c0_i32, %c0_i32_0 : i32, i32
  }
  func.func @transform_3(%arg0: i32) -> (i32, i32) {
    %c0_i32 = arith.constant 0 : i32
    %c0_i32_0 = arith.constant 0 : i32
    return %arg0, %c0_i32 : i32, i32
  }
  func.func @transform_4(%arg0: i32) -> (i32, i32) {
    %c0_i32 = arith.constant 0 : i32
    %c0_i32_0 = arith.constant 0 : i32
    return %arg0, %c0_i32 : i32, i32
  }
}

</mosaic_0001>

<sc_bundles>
// kernel: degrees0.3.cloned.1.call-start
scs
__scs_entry_jumppad:
0x0: {  	(pc) =	sbr.rel $0x88, $3  }
0x1: {  	(tag) =	ssettag $0x0;
	lr =	simm.s32 $0x1  }
0x2: {  	[smem:$0x3F9D] =	sst lr;
	_ =	strace $0xD0000000  }
0x3: {  	_ = 	snop  }
0x4: {  	_ = 	snop  }
0x5: {  	_ = 	snop  }
0x6: {  	_ = 	snop  }
0x7: {  	_ = 	snop  }
__scs_overlays_trampoline_lowered:
0x8: {  	[smem:$0x3FAC] =	sst s0  }
0x9: {  	[smem:$0x3FAD] =	sst s1  }
0xa: {  	[smem:$0x3FAE] =	sst s2  }
0xb: {  	[smem:$0x3FAF] =	sst s3  }
0xc: {  	[smem:$0x3FB0] =	sst s4  }
0xd: {  	[smem:$0x3FB1] =	sst s5  }
0xe: {  	[smem:$0x3FB2] =	sst s6  }
0xf: {  	[smem:$0x3FB3] =	sst s7  }
0x10: {  	[smem:$0x3FB4] =	sst s8  }
0x11: {  	[smem:$0x3FB5] =	sst s9;
	s0 =	simm.s32 @!p0 $0x0  }
0x12: {  	s1 =	sld [smem:$0x3F9B];
	s0 =	simm.s32 @p0 $0x1  }
0x13: {  	[smem:$0x3FB6] =	sst s0;
	s0 =	simm.s32 @!p1 $0x0  }
0x14: {  	s2 =	sld [smem:$0x3F9A];
	s0 =	simm.s32 @p1 $0x1  }
0x15: {  	[smem:$0x3FB7] =	sst s0;
	s0 =	simm.s32 @!p2 $0x0  }
0x16: {  	s3 =	sld [smem:$0x3FDB];
	s0 =	simm.s32 @p2 $0x1  }
0x17: {  	s4 =	simm.s32 $0x1BF5;
	[smem:$0x3FB9] =	sst s0  }
0x18: {  	s0 =	sld [smem:$0x3F9C];
	_ =	swait.ge [sflag:s4], $0x0  }
0x19: {  	s7 =	sld [smem:$0x3F9D]  }
0x1a: {  	s8 =	sadd.s32 $0xFFFFE003, lr  }
0x1b: {  	s9 =	sadd.s32 $0xFFFFFEF7, lr;
	s5 =	simm.s32 $0xFFFFFFFF;
	p2 =	slt.u32 s8, $0xFFFFF086  }
0x1c: {  	p1 =	slt.u32 s9, $0xF7A;
	s5 =	simm.s32 @!p2 $0x0  }
0x1d: {  	s5 =	simm.s32 @p1 $0x1;
	p0 =	seq.s32 s7, s2  }
0x1e: {  	s7 =	smul.u32 @!p0 $0xF7A, s2;
	p2 =	seq.s32 @!p0 s5, $0x0  }
0x1f: {  	s9 =	smul.u32 $0xF7A, s1;
	s8 =	simm.s32 @!p0 $0x1BF5;
	p2 =	por !p2, p0  }
0x20: {  	[sflag:s8] =	ssyncset.s32 @!p0 $0xFFFFF086;
	s6 =	sadd.s32 @!p0 s3, s7;
	s7 =	simm.s32 @!p0 $0x108  }
0x21: {  	s3 =	sadd.s32 s3, s9;
	s6 =	sadd.s32 @!p0 $0x88, s6;
	s7 =	simm.s32 @p2 $0x1082  }
0x22: {  	[simem:s7], [sflag:s8] =	dma.local @!p0 [hbm:s6], $0xF7A  }
0x23: {  	s9 =	sor.u32 $0xD0000000, s2;
	s6 =	simm.s32 $0x108;
	_ =	swait.ge @!p0 [sflag:s8], $0x0  }
0x24: {  	s3 =	sadd.s32 $0x88, s3;
	s6 =	simm.s32 @!p1 $0x1082;
	[sflag:s4] =	ssyncset.s32 $0xFFFFF086  }
0x25: {  	[simem:s6], [sflag:s4] =	dma.local [hbm:s3], $0xF7A  }
0x26: {  	[smem:$0x3F9D] =	sst s1;
	(tag) =	ssettag s2;
	_ =	strace s9  }
0x27: {  	s1 =	sld [smem:$0x3FAD]  }
0x28: {  	s2 =	sld [smem:$0x3FAE]  }
0x29: {  	s4 =	sld [smem:$0x3FB0]  }
0x2a: {  	p0 =	seq.s32 s5, $0x0;
	s5 =	sld [smem:$0x3FB1]  }
0x2b: {  	s6 =	sld [smem:$0x3FB2]  }
0x2c: {  	s7 =	sld [smem:$0x3FB3]  }
0x2d: {  	s3 =	simm.s32 $0x108;
	s8 =	sld [smem:$0x3FB4]  }
0x2e: {  	s3 =	simm.s32 @!p0 $0x1082;
	s9 =	sld [smem:$0x3FB5]  }
0x2f: {  	lr =	sadd.s32 s0, s3;
	s0 =	sld [smem:$0x3FAC]  }
0x30: {  	s3 =	sld [smem:$0x3FAF]  }
0x31: {  	[smem:$0x3FB8] =	sst s10  }
0x32: {  	s10 =	sld [smem:$0x3FB6];
	_ =	sdelay $0x3  }
0x33: {  	p0 =	seq.s32 s10, $0x1;
	s10 =	sld [smem:$0x3FB8];
	_ =	sdelay $0x3  }
0x34: {  	[smem:$0x3FB8] =	sst s10  }
0x35: {  	s10 =	sld [smem:$0x3FB7];
	_ =	sdelay $0x3  }
0x36: {  	p1 =	seq.s32 s10, $0x1;
	s10 =	sld [smem:$0x3FB8];
	_ =	sdelay $0x3  }
0x37: {  	[smem:$0x3FB8] =	sst s10  }
0x38: {  	s10 =	sld [smem:$0x3FB9]  }
0x39: {  	_ = 	snop;
	(pc) =	sbr.ind lr, $3  }
0x3a: {  	_ = 	snop  }
0x3b: {  	_ = 	snop  }
0x3c: {  	p2 =	seq.s32 s10, $0x1;
	s10 =	sld [smem:$0x3FB8]  }
0x3d: {  	_ =	shalt  }
0x3e: {  	_ =	shalt  }
0x3f: {  	_ =	shalt  }
0x40: {  	_ =	shalt  }
0x41: {  	_ =	shalt  }
0x42: {  	_ =	shalt  }
0x43: {  	_ =	shalt  }
0x44: {  	_ =	shalt  }
0x45: {  	_ =	shalt  }
0x46: {  	_ =	shalt  }
0x47: {  	_ =	shalt  }
0x48: {  	_ =	shalt  }
0x49: {  	_ =	shalt  }
0x4a: {  	_ =	shalt  }
0x4b: {  	_ =	shalt  }
0x4c: {  	_ =	shalt  }
0x4d: {  	_ =	shalt  }
0x4e: {  	_ =	shalt  }
0x4f: {  	_ =	shalt  }
0x50: {  	_ =	shalt  }
0x51: {  	_ =	shalt  }
0x52: {  	_ =	shalt  }
0x53: {  	_ =	shalt  }
0x54: {  	_ =	shalt  }
0x55: {  	_ =	shalt  }
0x56: {  	_ =	shalt  }
0x57: {  	_ =	shalt  }
0x58: {  	_ =	shalt  }
0x59: {  	_ =	shalt  }
0x5a: {  	_ =	shalt  }
0x5b: {  	_ =	shalt  }
0x5c: {  	_ =	shalt  }
0x5d: {  	_ =	shalt  }
0x5e: {  	_ =	shalt  }
0x5f: {  	_ =	shalt  }
0x60: {  	_ =	shalt  }
0x61: {  	_ =	shalt  }
0x62: {  	_ =	shalt  }
0x63: {  	_ =	shalt  }
0x64: {  	_ =	shalt  }
0x65: {  	_ =	shalt  }
0x66: {  	_ =	shalt  }
0x67: {  	_ =	shalt  }
0x68: {  	_ =	shalt  }
0x69: {  	_ =	shalt  }
0x6a: {  	_ =	shalt  }
0x6b: {  	_ =	shalt  }
0x6c: {  	_ =	shalt  }
0x6d: {  	_ =	shalt  }
0x6e: {  	_ =	shalt  }
0x6f: {  	_ =	shalt  }
0x70: {  	_ =	shalt  }
0x71: {  	_ =	shalt  }
0x72: {  	_ =	shalt  }
0x73: {  	_ =	shalt  }
0x74: {  	_ =	shalt  }
0x75: {  	_ =	shalt  }
0x76: {  	_ =	shalt  }
0x77: {  	_ =	shalt  }
0x78: {  	_ =	shalt  }
0x79: {  	_ =	shalt  }
0x7a: {  	_ =	shalt  }
0x7b: {  	_ =	shalt  }
0x7c: {  	_ =	shalt  }
0x7d: {  	_ =	shalt  }
0x7e: {  	_ =	shalt  }
0x7f: {  	_ =	shalt  }
0x80: {  	_ =	shalt  }
0x81: {  	_ =	shalt  }
0x82: {  	_ =	shalt  }
0x83: {  	_ =	shalt  }
0x84: {  	_ =	shalt  }
0x85: {  	_ =	shalt  }
0x86: {  	_ =	shalt  }
0x87: {  	_ =	shalt  }
.Lfunc_end0:
.L_simem_size_0:
called_computation_lowered:
.L_overlay_start_0:
0x88: {  	s2 =	sld [smem:$0x3FD9]  }
0x89: {  	s3 =	sld [smem:$0x3FFE];
	_ =	sdelay $0x1  }
0x8a: {  	s1 =	srdreg.scid  }
0x8b: {  	s0 =	sand.u32 $0x1, s1  }
0x8c: {  	s14 =	sshll.u32 s0, $0xA;
	s2 =	sadd.s32 s3, s2  }
0x8d: {  	s2 =	sadd.s32 s2, s14  }
0x8e: {  	[smem:$0x3FC4] =	sst s2  }
0x8f: {  	_ = 	snop  }
0x90: {  	s2 =	sld [smem:$0x3FD0];
	_ =	sdelay $0x2  }
0x91: {  	s15 =	simm.s32 $0xB;
	s4 =	simm.s32 $0x10  }
0x92: {  	[smem:s4], [sflag:s15] =	dma.local [hbm:s2], $0x1  }
0x93: {  	_ =	swait.eq [sflag:s15], $0x1  }
0x94: {  	[sflag:s15] =	ssyncset.done $0x0  }
0x95: {  	s16 =	sld [smem:$0x10];
	[sflag:s15] =	ssyncadd.s32 $0xFFFFFFFF  }
0x96: {  	s17 =	sld [smem:$0x11];
	(tm) =	ssettm $0x1  }
0x97: {  	s18 =	sld [smem:$0x3FFB];
	_ =	sdelay $0x3  }
0x98: {  	_ =	strace s18  }
0x99: {  	s4 =	sld [smem:$0x3FFC];
	_ =	sdelay $0x3  }
0x9a: {  	_ =	strace s4  }
0x9b: {  	s4 =	sld [smem:$0x3FFD];
	_ =	sdelay $0x3  }
0x9c: {  	_ =	strace s4  }
0x9d: {  	_ =	strace $0x8FFFFFFF  }
0x9e: {  	s19 =	sld [smem:$0x3FDB];
	_ =	sdelay $0x1  }
0x9f: {  	s5 =	simm.s32 $_scs_section_size  }
0xa0: {  	s6 =	simm.s32 $_size__tile_overlayer_lowered;
	s7 =	simm.s32 $_tile_overlayer_lowered  }
0xa1: {  	s22 =	simm.s32 $0x1BFF;
	s21 =	sshll.u32 s7, $0x1;
	s4 =	sadd.s32 s5, s19  }
0xa2: {  	s8 =	simm.s32 $0x0;
	s20 =	sshll.u32 s6, $0x1;
	s6 =	sadd.s32 s21, s4  }
0xa3: {  	[timem:s8], [sflag:s22] =	dma.local [hbm:s6], s20  }
0xa4: {  	_ =	swait.ge [sflag:s22], s20  }
0xa5: {  	s5 =	ssub.s32 $0x0, s20;
	[sflag:s22] =	ssyncset.done $0x0  }
0xa6: {  	[sflag:s22] =	ssyncadd.s32 s5;
	_ =	sdelay $0x1  }
0xa7: {  	s23 =	simm.s32 $0x1B8B  }
0xa8: {  	_ =	swait.ge [sflag:s23], $0x1  }
0xa9: {  	[sflag:s23] =	ssyncset.done $0x0  }
0xaa: {  	s25 =	simm.s32 $0x1B8E;
	s24 =	sld [smem:$0x3FFE];
	[sflag:s23] =	ssyncadd.s32 $0xFFFFFFFF  }
0xab: {  	s26 =	simm.s32 $execute0_lowered;
	[smem:$0x3FD2] =	sst s25  }
0xac: {  	s6 =	sshll.u32 s26, $0x1;
	_ =	strace $0x80000046;
	[dreg:$0x1] =	wrdreg $0xFFFFFFFF  }
0xad: {  	s28 =	simm.s32 $_size_execute0_lowered;
	s4 =	sadd.s32 s4, s6;
	[dreg:$0x0] =	wrdreg $0x0  }
0xae: {  	s6 =	sshll.u32 s28, $0x1;
	[dreg:$0x2] =	wrdreg s4  }
0xaf: {  	[dreg:$0x3] =	wrdreg s6  }
0xb0: {  	[dreg:$0x4] =	wrdreg $0xC0  }
0xb1: {  	_ =	task [dreg:s8], $0x5FFFF  }
0xb2: {  	[dreg:$0x1] =	wrdreg $0xFFFFFFFF  }
0xb3: {  	[dreg:$0x0] =	wrdreg $0x60  }
0xb4: {  	[dreg:$0x2] =	wrdreg s16  }
0xb5: {  	[dreg:$0x3] =	wrdreg s24  }
0xb6: {  	[dreg:$0x4] =	wrdreg s17  }
0xb7: {  	[dreg:$0x5] =	wrdreg $0x4800  }
0xb8: {  	[dreg:$0x6] =	wrdreg $0xA  }
0xb9: {  	_ =	task.clear_ibuf [dreg:s8], $0x7FFFF;
	_ =	strace $0x90000046  }
0xba: {  	s29 =	simm.s32 $0xA;
	_ =	strace $0x80000048  }
0xbb: {  	_ =	swait.ge [sflag:s29], $0x1  }
0xbc: {  	[sflag:s29] =	ssyncadd.s32 $0xFFFFFFFF  }
0xbd: {  	_ =	strace $0x90000048  }
0xbe: {  	_ =	sfence  }
0xbf: {  	s30 =	sld [smem:$0x0];
	_ =	sdelay $0x2  }
0xc0: {  	s31 =	sshll.u32 s1, $0xD;
	s1 =	sshrl.u32 s1, $0x2  }
0xc1: {  	s3 =	sand.u32 $0x4000, s31;
	s1 =	sadd.s32 s1, s30  }
0xc2: {  	s0 =	sor.u32 s3, s0;
	s1 =	sshll.u32 s1, $0x11  }
0xc3: {  	s0 =	sor.u32 s1, s0  }
0xc4: {  	s0 =	sadd.s32 $0x8F2B, s0  }
0xc5: {  	[sflag:s0] =	ssyncadd.remote.s32 $0x1  }
0xc6: {  	_ =	sfence.sel $0xFFFF  }
0xc7: {  	[dreg:$0x0] =	wrdreg $0xFFFFFFFF;
	(pc) =	sbr.abs _section_cstart, $3  }
0xc8: {  	[dreg:$0x1] =	wrdreg $0xFFFFFFFF  }
0xc9: {  	_ =	task.clear_ibuf [dreg:s8], $0x2FFFF;
	_ =	strace $0x9FFFFFFF  }
0xca: {  	(tm) =	ssettm $0x7FFFFFFF  }
0xcb: {  	_ =	shalt  }
tec
execute0_lowered:
.L_overlay_start_1:
0x0: {  	(tag) =	ssettag $0x1  }
0x1: {  	s14 =	rddreg [dreg:$0x0]  }
0x2: {  	s4 =	rddreg [dreg:$0x1]  }
0x3: {  	s12 =	rddreg [dreg:$0x2];
	s0 =	srdreg.scid  }
0x4: {  	s2 =	rddreg [dreg:$0x3];
	s31 =	stileid.u32  }
0x5: {  	s3 =	simm.s32 $0x0;
	s10 =	sand.u32 $0x1, s0;
	s11 =	smul.u32 $0x280, s31  }
0x6: {  	[smem:$0x7FF] =	sst s3;
	s20 =	sshll.u32 s31, $0x6;
	s25 =	smul.u32 $0x9C4, s31  }
0x7: {  	s5 =	sshll.u32 s10, $0x4;
	_ =	strace $0x80000047;
	s6 =	ssub.s32 $0x2, s10  }
0x8: {  	s24 =	smul.u32 $0xFFFF9C40, s10;
	s5 =	sor.u32 s31, s5;
	s16 =	sshrl.u32 s11, $0x3  }
0x9: {  	s17 =	sshrl.u32 s6, $0x1;
	s15 =	sadd.s32 s11, s2;
	s31 =	simm.s32 $0x400  }
0xa: {  	s7 =	smul.u32 $0x9C4, s5;
	s5 =	sadd.s32 s16, s4;
	s13 =	ssub.s32 s6, s17  }
0xb: {  	s6 =	sor.u32 $0x1C0B, s20;
	s20 =	smul.u32 $0x2800, s10;
	s15 =	sshrl.u32 s15, $0x3  }
0xc: {  	[dreg:$0x5] =	wrdreg s31;
	s1 =	sadd.s32 $0x1200, s5;
	s13 =	smax.u32 s13, $0x1  }
0xd: {  	s8 =	sadd.s32 $0x9C4, s7;
	s18 =	sshrl.u32 s7, $0x5;
	[dreg:$0x6] =	wrdreg s1  }
0xe: {  	s7 =	sshrl.u32 s7, $0x1;
	s29 =	sadd.s32 s11, s20;
	s19 =	sshrl.u32 s8, $0x5  }
0xf: {  	s7 =	sand.u32 $0xFFF0, s7;
	s30 =	sshrl.u32 s29, $0x3;
	s4 =	ssub.s32 s19, s18  }
0x10: {  	s7 =	sadd.s32 s14, s7;
	s16 =	sadd.s32 $0xFFFFFFFE, s4;
	s17 =	sadd.s32 $0xFFFFFFFF, s4  }
0x11: {  	s12 =	sadd.s32 s12, s30;
	s21 =	sshll.u32 s16, $0x10;
	s9 =	sshll.u32 s17, $0x10  }
0x12: {  	s22 =	sadd.s32 $0x10, s7;
	s8 =	sshra.s32 s21, $0x1F;
	s9 =	sshra.s32 s9, $0x1F  }
0x13: {  	p0 =	slt.s32 s4, $0x1;
	s18 =	sand.u32 $0x3, s8;
	s19 =	sand.u32 $0x3, s9  }
0x14: {  	[dreg:$0x7] =	wrdreg s22;
	s18 =	sadd.s32 s18, s16;
	s19 =	sadd.s32 s19, s17  }
0x15: {  	s9 =	sadd.s32 $0x20, s7;
	s18 =	sand.u32 $0xFFFC, s18;
	s23 =	sand.u32 $0xFFFC, s19  }
0x16: {  	s19 =	sand.u32 $0xFFC0, s24;
	s16 =	ssub.s32 s16, s18;
	s17 =	ssub.s32 s17, s23  }
.Ltmp0:
0x17: {  	s28 =	sadd.s32 s25, s19;
	s16 =	sshll.u32 s16, $0x10;
	(pc) =	sbr.rel .LBB2_1-.Ltmp0, $4  }
0x18: {  	s26 =	sshll.u32 s17, $0x10;
	s17 =	sshrl.u32 s28, $0x1;
	s16 =	sshra.s32 s16, $0x10  }
0x19: {  	s19 =	simm.s32 $0x0;
	s17 =	sand.u32 $0xFFF0, s17;
	s10 =	sadd.s32 $0x7, s16  }
0x1a: {  	s16 =	sshra.s32 s26, $0x10;
	s14 =	sadd.s32 s17, s14;
	s17 =	simm.s32 $0x80  }
0x1b: {  	v0 =	vimm.f32 $1.000000000e+00;
	s11 =	sadd.s32 $0x7, s16;
	s14 =	sadd.s32 $0x30, s14;
	s16 =	simm.s32 $0xB  }
.LBB2_4:
0x1c: {  	[spmem:s2] =	stream.indirect.scatter.add.f32 [tilespmem:s30], [sflag:s31], $0x1, s28, s17, $0xb8;
	[tilespmem:$0x700] =	vst v63  }
0x1d: {  	_ =	swait.ge @!p2 [sflag:s29], $0x80  }
0x1e: {  	[sflag:s29] =	ssyncset.done @!p2 $0x0  }
0x1f: {  	[sflag:s29] =	ssyncadd.s32 @!p2 $0xFFFFFF80  }
.LBB2_5:
0x20: {  	_ =	swait.ge [sflag:s10], $0x80  }
0x21: {  	[sflag:s10] =	ssyncset.done $0x0  }
0x22: {  	[sflag:s10] =	ssyncadd.s32 $0xFFFFFF80  }
0x23: {  	_ =	swait.ge [sflag:s11], $0x80  }
0x24: {  	s19 =	sadd.s32 $0x1, s19;
	[sflag:s11] =	ssyncset.done $0x0  }
0x25: {  	p1 =	sne.s32 s19, s13;
	[sflag:s11] =	ssyncadd.s32 $0xFFFFFF80  }
.Ltmp1:
0x26: {  	[bflag:$0x0] =	sbarrier.arrive $0xFFFF;
	(pc) =	sbr.rel @!p1 .LBB2_6-.Ltmp1, $4  }
0x27: {  	[hbm:s12], [sflag:s6] =	dma.local [spmem:s15], $0x50  }
0x28: {  	_ =	swait.ge [sflag:s16], $0x50  }
0x29: {  	[sflag:s16] =	ssyncset.done $0x0  }
0x2a: {  	[sflag:s16] =	ssyncadd.s32 $0xFFFFFFB0  }
.LBB2_1:
0x2b: {  	[tilespmem:$0x400] =	vst v0  }
0x2c: {  	[tilespmem:$0x410] =	vst v0  }
0x2d: {  	[tilespmem:$0x420] =	vst v0  }
0x2e: {  	[tilespmem:$0x430] =	vst v0  }
0x2f: {  	[tilespmem:$0x440] =	vst v0  }
0x30: {  	[tilespmem:$0x450] =	vst v0  }
0x31: {  	[tilespmem:$0x460] =	vst v0  }
0x32: {  	[tilespmem:$0x470] =	vst v0;
	s0 =	rddreg [dreg:$0x6]  }
0x33: {  	[spmem:s15], [sflag:s6] =	dma.local [hbm:s0], $0x50  }
0x34: {  	_ =	swait.ge [sflag:s16], $0x50  }
0x35: {  	[sflag:s16] =	ssyncset.done $0x0  }
0x36: {  	[sflag:s16] =	ssyncadd.s32 $0xFFFFFFB0  }
0x37: {  	[bflag:$0x0] =	sbarrier.arrive $0xFFFF  }
0x38: {  	[tilespmem:s3], [sflag:$0x1] =	stream.linear.gather [hbm4b:s7+s3], $0x80, $0x38;
	[tilespmem:$0x700] =	vst v63  }
.Ltmp2:
0x39: {  	_ = 	snop;
	(pc) =	sbr.rel @p0 .LBB2_5-.Ltmp2, $4  }
0x3a: {  	s30 =	rddreg [dreg:$0x7]  }
0x3b: {  	[tilespmem:s17], [sflag:$0x2] =	stream.linear.gather [hbm4b:s30+s3], $0x80, $0x38;
	[tilespmem:$0x700] =	vst v63  }
0x3c: {  	s31 =	simm.s32 $0x100  }
0x3d: {  	[tilespmem:s31], [sflag:$0x3] =	stream.linear.gather [hbm4b:s9+s3], $0x80, $0x38;
	[tilespmem:$0x700] =	vst v63  }
0x3e: {  	s21 =	smulhi.u32 $0xAAAAAAAB, s3  }
0x3f: {  	s20 =	simm.s32 $0x3  }
0x40: {  	s20 =	smulhi.u32 $0xAAAAAAAB, s20;
	s24 =	sshrl.u32 s21, $0x2  }
0x41: {  	s25 =	smul.u32 $0xFFFFF400, s24  }
0x42: {  	s22 =	sshrl.u32 s20, $0x2;
	s24 =	smul.u32 $0xFFFFFFE8, s24  }
0x43: {  	p1 =	sgt.s32 s4, $0x1;
	p2 =	sle.s32 s4, $0x3;
	s23 =	smul.u32 $0xFFFFFFE8, s22  }
0x44: {  	s28 =	simm.s32 @!p2 $0x0;
	s21 =	simm.s32 $0x80;
	s18 =	smul.u32 $0xFFFFF400, s22  }
0x45: {  	s20 =	simm.s32 $0x1;
	s22 =	simm.s32 $0x2;
	s23 =	sshra.s32 s23, $0x2  }
0x46: {  	s24 =	sshra.s32 s24, $0x2;
	s26 =	sadd.s32 $0x4, s23;
	s23 =	sshra.s32 s18, $0x2  }
0x47: {  	s25 =	sshra.s32 s25, $0x2;
	s29 =	sadd.s32 $0x1, s24;
	s30 =	sadd.s32 $0x180, s23  }
0x48: {  	[tilespmem:s30], [sflag:s26] =	stream.linear.gather @!p2 [hbm4b:s14+s28], $0x80, $0x38;
	[tilespmem:$0x700] =	vst v63  }
.Ltmp3:
0x49: {  	s24 =	sadd.s32 $0x10, s14;
	s23 =	simm.s32 $0x200;
	(pc) =	sbr.rel @!p1 .LBB2_4-.Ltmp3, $4  }
0x4a: {  	s26 =	sand.u32 $0x3, s3;
	p2 =	por $0x1, $0x1;
	s28 =	sadd.s32 $0x0, s25  }
0x4b: {  	_ =	swait.ge [sflag:s29], $0x80;
	s31 =	sadd.s32 $0x7, s26;
	s25 =	sxor.u32 @!p2 $0x2, s26  }
0x4c: {  	s26 =	simm.s32 $0x4;
	[sflag:s29] =	ssyncset.done $0x0;
	s30 =	rddreg [dreg:$0x5]  }
0x4d: {  	[sflag:s29] =	ssyncadd.s32 $0xFFFFFF80;
	s29 =	sadd.s32 @!p2 $0x7, s25;
	s25 =	simm.s32 $0x5  }
.LBB2_3:
0x4e: {  	[spmem:s2] =	stream.indirect.scatter.add.f32 [tilespmem:s30], [sflag:s31], $0x1, s28, s17, $0xb8;
	[tilespmem:$0x700] =	vst v63  }
0x4f: {  	s28 =	smov.u32 s20;
	s30 =	smulhi.u32 $0xAAAAAAAB, s26  }
0x50: {  	s20 =	sadd.s32 $0x1, s20;
	s0 =	smov.u32 s22;
	s1 =	smov.u32 s24  }
0x51: {  	s22 =	sadd.s32 $0x1, s22;
	s31 =	smulhi.u32 $0xAAAAAAAB, s28;
	s30 =	sshrl.u32 s30, $0x2  }
0x52: {  	s24 =	sadd.s32 $0x10, s24;
	s26 =	sadd.s32 $0x1, s26;
	s18 =	smul.u32 $0xFFFFFFE8, s30  }
0x53: {  	_ =	swait.ge @!p2 [sflag:s29], $0x80;
	s31 =	sshrl.u32 s31, $0x2;
	s30 =	smul.u32 $0xFFFFF400, s30  }
0x54: {  	p1 =	slt.s32 s20, s4;
	[sflag:s29] =	ssyncset.done @!p2 $0x0;
	s5 =	smul.u32 $0xFFFFF400, s31  }
0x55: {  	s8 =	sadd.s32 $0x3, s28;
	[sflag:s29] =	ssyncadd.s32 @!p2 $0xFFFFFF80;
	s31 =	smul.u32 $0xFFFFFFE8, s31  }
0x56: {  	s29 =	smov.u32 s21;
	p2 =	sge.s32 s8, s4;
	s18 =	sshra.s32 s18, $0x2  }
0x57: {  	s30 =	sshra.s32 s30, $0x2;
	s18 =	sadd.s32 s18, s25;
	s8 =	sshra.s32 s31, $0x2  }
0x58: {  	s31 =	simm.s32 @!p2 $0x0;
	s0 =	sadd.s32 s8, s0;
	s8 =	sadd.s32 s30, s23  }
0x59: {  	[tilespmem:s8], [sflag:s18] =	stream.linear.gather @!p2 [hbm4b:s1+s31], $0x80, $0x38;
	[tilespmem:$0x700] =	vst v63  }
.Ltmp4:
0x5a: {  	s21 =	sadd.s32 $0x80, s21;
	s5 =	sshra.s32 s5, $0x2;
	(pc) =	sbr.rel @p1 .LBB2_3-.Ltmp4, $4  }
0x5b: {  	s25 =	sadd.s32 $0x1, s25;
	s23 =	sadd.s32 $0x80, s23;
	_ =	swait.ge [sflag:s0], $0x80  }
0x5c: {  	s1 =	sand.u32 $0x3, s28;
	p2 =	slt.u32 s28, $0x2;
	[sflag:s0] =	ssyncset.done $0x0  }
0x5d: {  	s28 =	sadd.s32 s5, s29;
	[sflag:s0] =	ssyncadd.s32 $0xFFFFFF80;
	s0 =	sxor.u32 @!p2 $0x2, s1  }
0x5e: {  	s31 =	sadd.s32 $0x7, s1;
	s30 =	rddreg [dreg:$0x5];
	s29 =	sadd.s32 @!p2 $0x7, s0  }
.Ltmp5:
0x5f: {  	_ = 	snop;
	(pc) =	sbr.rel .LBB2_4-.Ltmp5, $1  }
0x60: {  	_ =	sdelay $0x3  }
.LBB2_6:
0x61: {  	_ =	sfence.sel $0x180000  }
0x62: {  	[bflag:$0x0] =	sbarrier.arrive $0xFFFF  }
0x63: {  	_ =	strace $0x90000047  }
0x64: {  	s0 =	stileid.u32;
	[bflag:$0x2] =	sbarrier.arrive $0xFFFF  }
0x65: {  	p0 =	sne.s32 s0, $0x0;
	s0 =	rddreg [dreg:$0x4]  }
0x66: {  	s0 =	sadd.s32 @!p0 $0x100000, s0  }
0x67: {  	[sflag:s0] =	ssyncadd.tile.s32 @!p0 $0x1;
	_ =	shalt  }
.Lfunc_end2:
_tile_overlayer_lowered:
.L_overlay_start_2:
0x68: {  	(tag) =	ssettag $0x2  }
0x69: {  	s0 =	rddreg [dreg:$0x0];
	s2 =	stileid.u32  }
0x6a: {  	s1 =	rddreg [dreg:$0x1];
	p0 =	sne.s32 s2, $0x0  }
0x6b: {  	s3 =	rddreg [dreg:$0x2];
	[bflag:$0x3] =	sbarrier.arrive $0xFFFF;
	s2 =	simm.s32 @!p0 $0x1C0B  }
0x6c: {  	[timem:s3], [sflag:s2] =	dma.local @!p0 [hbm:s0], s1  }
0x6d: {  	s0 =	simm.s32 @!p0 $0xB  }
0x6e: {  	_ =	swait.ge @!p0 [sflag:s0], s1  }
0x6f: {  	s1 =	ssub.s32 @!p0 $0x0, s1;
	[sflag:s0] =	ssyncset.done @!p0 $0x0  }
0x70: {  	[sflag:s0] =	ssyncadd.s32 @!p0 s1  }
0x71: {  	[bflag:$0x3] =	sbarrier.arrive $0xFFFF  }
0x72: {  	_ =	shalt  }

// kernel: degrees1.3.cloned.1.call-start
scs
__scs_entry_jumppad:
0x0: {  	(pc) =	sbr.rel $0x88, $3  }
0x1: {  	(tag) =	ssettag $0x0;
	lr =	simm.s32 $0x1  }
0x2: {  	[smem:$0x3F9D] =	sst lr;
	_ =	strace $0xD0000000  }
0x3: {  	_ = 	snop  }
0x4: {  	_ = 	snop  }
0x5: {  	_ = 	snop  }
0x6: {  	_ = 	snop  }
0x7: {  	_ = 	snop  }
__scs_overlays_trampoline_lowered:
0x8: {  	[smem:$0x3FAC] =	sst s0  }
0x9: {  	[smem:$0x3FAD] =	sst s1  }
0xa: {  	[smem:$0x3FAE] =	sst s2  }
0xb: {  	[smem:$0x3FAF] =	sst s3  }
0xc: {  	[smem:$0x3FB0] =	sst s4  }
0xd: {  	[smem:$0x3FB1] =	sst s5  }
0xe: {  	[smem:$0x3FB2] =	sst s6  }
0xf: {  	[smem:$0x3FB3] =	sst s7  }
0x10: {  	[smem:$0x3FB4] =	sst s8  }
0x11: {  	[smem:$0x3FB5] =	sst s9;
	s0 =	simm.s32 @!p0 $0x0  }
0x12: {  	s1 =	sld [smem:$0x3F9B];
	s0 =	simm.s32 @p0 $0x1  }
0x13: {  	[smem:$0x3FB6] =	sst s0;
	s0 =	simm.s32 @!p1 $0x0  }
0x14: {  	s2 =	sld [smem:$0x3F9A];
	s0 =	simm.s32 @p1 $0x1  }
0x15: {  	[smem:$0x3FB7] =	sst s0;
	s0 =	simm.s32 @!p2 $0x0  }
0x16: {  	s3 =	sld [smem:$0x3FDB];
	s0 =	simm.s32 @p2 $0x1  }
0x17: {  	s4 =	simm.s32 $0x1BF5;
	[smem:$0x3FB9] =	sst s0  }
0x18: {  	s0 =	sld [smem:$0x3F9C];
	_ =	swait.ge [sflag:s4], $0x0  }
0x19: {  	s7 =	sld [smem:$0x3F9D]  }
0x1a: {  	s8 =	sadd.s32 $0xFFFFE003, lr  }
0x1b: {  	s9 =	sadd.s32 $0xFFFFFEF7, lr;
	s5 =	simm.s32 $0xFFFFFFFF;
	p2 =	slt.u32 s8, $0xFFFFF086  }
0x1c: {  	p1 =	slt.u32 s9, $0xF7A;
	s5 =	simm.s32 @!p2 $0x0  }
0x1d: {  	s5 =	simm.s32 @p1 $0x1;
	p0 =	seq.s32 s7, s2  }
0x1e: {  	s7 =	smul.u32 @!p0 $0xF7A, s2;
	p2 =	seq.s32 @!p0 s5, $0x0  }
0x1f: {  	s9 =	smul.u32 $0xF7A, s1;
	s8 =	simm.s32 @!p0 $0x1BF5;
	p2 =	por !p2, p0  }
0x20: {  	[sflag:s8] =	ssyncset.s32 @!p0 $0xFFFFF086;
	s6 =	sadd.s32 @!p0 s3, s7;
	s7 =	simm.s32 @!p0 $0x108  }
0x21: {  	s3 =	sadd.s32 s3, s9;
	s6 =	sadd.s32 @!p0 $0x88, s6;
	s7 =	simm.s32 @p2 $0x1082  }
0x22: {  	[simem:s7], [sflag:s8] =	dma.local @!p0 [hbm:s6], $0xF7A  }
0x23: {  	s9 =	sor.u32 $0xD0000000, s2;
	s6 =	simm.s32 $0x108;
	_ =	swait.ge @!p0 [sflag:s8], $0x0  }
0x24: {  	s3 =	sadd.s32 $0x88, s3;
	s6 =	simm.s32 @!p1 $0x1082;
	[sflag:s4] =	ssyncset.s32 $0xFFFFF086  }
0x25: {  	[simem:s6], [sflag:s4] =	dma.local [hbm:s3], $0xF7A  }
0x26: {  	[smem:$0x3F9D] =	sst s1;
	(tag) =	ssettag s2;
	_ =	strace s9  }
0x27: {  	s1 =	sld [smem:$0x3FAD]  }
0x28: {  	s2 =	sld [smem:$0x3FAE]  }
0x29: {  	s4 =	sld [smem:$0x3FB0]  }
0x2a: {  	p0 =	seq.s32 s5, $0x0;
	s5 =	sld [smem:$0x3FB1]  }
0x2b: {  	s6 =	sld [smem:$0x3FB2]  }
0x2c: {  	s7 =	sld [smem:$0x3FB3]  }
0x2d: {  	s3 =	simm.s32 $0x108;
	s8 =	sld [smem:$0x3FB4]  }
0x2e: {  	s3 =	simm.s32 @!p0 $0x1082;
	s9 =	sld [smem:$0x3FB5]  }
0x2f: {  	lr =	sadd.s32 s0, s3;
	s0 =	sld [smem:$0x3FAC]  }
0x30: {  	s3 =	sld [smem:$0x3FAF]  }
0x31: {  	[smem:$0x3FB8] =	sst s10  }
0x32: {  	s10 =	sld [smem:$0x3FB6];
	_ =	sdelay $0x3  }
0x33: {  	p0 =	seq.s32 s10, $0x1;
	s10 =	sld [smem:$0x3FB8];
	_ =	sdelay $0x3  }
0x34: {  	[smem:$0x3FB8] =	sst s10  }
0x35: {  	s10 =	sld [smem:$0x3FB7];
	_ =	sdelay $0x3  }
0x36: {  	p1 =	seq.s32 s10, $0x1;
	s10 =	sld [smem:$0x3FB8];
	_ =	sdelay $0x3  }
0x37: {  	[smem:$0x3FB8] =	sst s10  }
0x38: {  	s10 =	sld [smem:$0x3FB9]  }
0x39: {  	_ = 	snop;
	(pc) =	sbr.ind lr, $3  }
0x3a: {  	_ = 	snop  }
0x3b: {  	_ = 	snop  }
0x3c: {  	p2 =	seq.s32 s10, $0x1;
	s10 =	sld [smem:$0x3FB8]  }
0x3d: {  	_ =	shalt  }
0x3e: {  	_ =	shalt  }
0x3f: {  	_ =	shalt  }
0x40: {  	_ =	shalt  }
0x41: {  	_ =	shalt  }
0x42: {  	_ =	shalt  }
0x43: {  	_ =	shalt  }
0x44: {  	_ =	shalt  }
0x45: {  	_ =	shalt  }
0x46: {  	_ =	shalt  }
0x47: {  	_ =	shalt  }
0x48: {  	_ =	shalt  }
0x49: {  	_ =	shalt  }
0x4a: {  	_ =	shalt  }
0x4b: {  	_ =	shalt  }
0x4c: {  	_ =	shalt  }
0x4d: {  	_ =	shalt  }
0x4e: {  	_ =	shalt  }
0x4f: {  	_ =	shalt  }
0x50: {  	_ =	shalt  }
0x51: {  	_ =	shalt  }
0x52: {  	_ =	shalt  }
0x53: {  	_ =	shalt  }
0x54: {  	_ =	shalt  }
0x55: {  	_ =	shalt  }
0x56: {  	_ =	shalt  }
0x57: {  	_ =	shalt  }
0x58: {  	_ =	shalt  }
0x59: {  	_ =	shalt  }
0x5a: {  	_ =	shalt  }
0x5b: {  	_ =	shalt  }
0x5c: {  	_ =	shalt  }
0x5d: {  	_ =	shalt  }
0x5e: {  	_ =	shalt  }
0x5f: {  	_ =	shalt  }
0x60: {  	_ =	shalt  }
0x61: {  	_ =	shalt  }
0x62: {  	_ =	shalt  }
0x63: {  	_ =	shalt  }
0x64: {  	_ =	shalt  }
0x65: {  	_ =	shalt  }
0x66: {  	_ =	shalt  }
0x67: {  	_ =	shalt  }
0x68: {  	_ =	shalt  }
0x69: {  	_ =	shalt  }
0x6a: {  	_ =	shalt  }
0x6b: {  	_ =	shalt  }
0x6c: {  	_ =	shalt  }
0x6d: {  	_ =	shalt  }
0x6e: {  	_ =	shalt  }
0x6f: {  	_ =	shalt  }
0x70: {  	_ =	shalt  }
0x71: {  	_ =	shalt  }
0x72: {  	_ =	shalt  }
0x73: {  	_ =	shalt  }
0x74: {  	_ =	shalt  }
0x75: {  	_ =	shalt  }
0x76: {  	_ =	shalt  }
0x77: {  	_ =	shalt  }
0x78: {  	_ =	shalt  }
0x79: {  	_ =	shalt  }
0x7a: {  	_ =	shalt  }
0x7b: {  	_ =	shalt  }
0x7c: {  	_ =	shalt  }
0x7d: {  	_ =	shalt  }
0x7e: {  	_ =	shalt  }
0x7f: {  	_ =	shalt  }
0x80: {  	_ =	shalt  }
0x81: {  	_ =	shalt  }
0x82: {  	_ =	shalt  }
0x83: {  	_ =	shalt  }
0x84: {  	_ =	shalt  }
0x85: {  	_ =	shalt  }
0x86: {  	_ =	shalt  }
0x87: {  	_ =	shalt  }
.Lfunc_end0:
.L_simem_size_0:
called_computation.1_lowered:
.L_overlay_start_0:
0x88: {  	s2 =	sld [smem:$0x3FD9]  }
0x89: {  	s3 =	sld [smem:$0x3FFE];
	_ =	sdelay $0x1  }
0x8a: {  	s1 =	srdreg.scid  }
0x8b: {  	s0 =	sand.u32 $0x1, s1  }
0x8c: {  	s15 =	sshll.u32 s0, $0xA;
	s2 =	sadd.s32 s3, s2  }
0x8d: {  	s2 =	sadd.s32 s2, s15  }
0x8e: {  	[smem:$0x3FC4] =	sst s2  }
0x8f: {  	_ = 	snop  }
0x90: {  	s2 =	sld [smem:$0x3FD0];
	_ =	sdelay $0x2  }
0x91: {  	s16 =	simm.s32 $0xB;
	s4 =	simm.s32 $0x10  }
0x92: {  	[smem:s4], [sflag:s16] =	dma.local [hbm:s2], $0x1  }
0x93: {  	_ =	swait.eq [sflag:s16], $0x1  }
0x94: {  	[sflag:s16] =	ssyncset.done $0x0  }
0x95: {  	[sflag:s16] =	ssyncadd.s32 $0xFFFFFFFF  }
0x96: {  	s17 =	sld [smem:$0x10];
	(tm) =	ssettm $0x1  }
0x97: {  	s18 =	sld [smem:$0x3FFB];
	_ =	sdelay $0x3  }
0x98: {  	_ =	strace s18  }
0x99: {  	s2 =	sld [smem:$0x3FFC];
	_ =	sdelay $0x3  }
0x9a: {  	_ =	strace s2  }
0x9b: {  	s2 =	sld [smem:$0x3FFD];
	_ =	sdelay $0x3  }
0x9c: {  	_ =	strace s2  }
0x9d: {  	_ =	strace $0x8FFFFFFF  }
0x9e: {  	s19 =	sld [smem:$0x3FDB];
	_ =	sdelay $0x1  }
0x9f: {  	s20 =	simm.s32 $_scs_section_size  }
0xa0: {  	s5 =	simm.s32 $_size__tile_overlayer_lowered;
	s6 =	simm.s32 $_tile_overlayer_lowered  }
0xa1: {  	s7 =	simm.s32 $0x1BFF;
	s21 =	sshll.u32 s6, $0x1;
	s4 =	sadd.s32 s20, s19  }
0xa2: {  	s22 =	simm.s32 $0x0;
	s5 =	sshll.u32 s5, $0x1;
	s6 =	sadd.s32 s21, s4  }
0xa3: {  	[timem:s22], [sflag:s7] =	dma.local [hbm:s6], s5  }
0xa4: {  	_ =	swait.ge [sflag:s7], s5  }
0xa5: {  	s5 =	ssub.s32 $0x0, s5;
	[sflag:s7] =	ssyncset.done $0x0  }
0xa6: {  	[sflag:s7] =	ssyncadd.s32 s5;
	_ =	sdelay $0x1  }
0xa7: {  	s23 =	simm.s32 $0x1B8B  }
0xa8: {  	_ =	swait.ge [sflag:s23], $0x1  }
0xa9: {  	[sflag:s23] =	ssyncset.done $0x0  }
0xaa: {  	[sflag:s23] =	ssyncadd.s32 $0xFFFFFFFF  }
0xab: {  	s5 =	sld [smem:$0x0]  }
0xac: {  	s6 =	sand.u32 $0xFFFFFFFE, s1  }
0xad: {  	p0 =	sne.s32 s1, s6  }
0xae: {  	s6 =	sshll.u32 @p0 s6, $0xE  }
0xaf: {  	s6 =	sadd.s32 @p0 $0x11B8D, s6;
	s7 =	sshll.u32 @p0 s5, $0x11  }
0xb0: {  	s6 =	sor.u32 @p0 s7, s6  }
0xb1: {  	[sflag:s6] =	ssyncadd.remote.s32 @p0 $0x1;
	_ =	sdelay $0x1  }
0xb2: {  	s6 =	simm.s32 @p0 $0x1B8D  }
0xb3: {  	_ =	swait.eq @p0 [sflag:s6], $0x1  }
0xb4: {  	[sflag:s6] =	ssyncadd.s32 @p0 $0xFFFFFFFF  }
0xb5: {  	s7 =	sshll.u32 @!p0 s1, $0xE  }
0xb6: {  	s7 =	sor.u32 @!p0 $0x4000, s7;
	s6 =	simm.s32 @!p0 $0x1B8D  }
0xb7: {  	s5 =	sshll.u32 @!p0 s5, $0x11;
	s7 =	sadd.s32 @!p0 $0x11B8D, s7;
	_ =	swait.eq @!p0 [sflag:s6], $0x1  }
0xb8: {  	s5 =	sor.u32 @!p0 s5, s7;
	[sflag:s6] =	ssyncadd.s32 @!p0 $0xFFFFFFFF  }
0xb9: {  	s25 =	simm.s32 $0x1B8E;
	s24 =	sld [smem:$0x3FFE];
	[sflag:s5] =	ssyncadd.remote.s32 @!p0 $0x1  }
0xba: {  	s26 =	simm.s32 $execute0_lowered;
	[smem:$0x3FD2] =	sst s25  }
0xbb: {  	s6 =	sshll.u32 s26, $0x1;
	_ =	strace $0x80000049;
	[dreg:$0x1] =	wrdreg $0xFFFFFFFF  }
0xbc: {  	s28 =	simm.s32 $_size_execute0_lowered;
	s4 =	sadd.s32 s4, s6;
	[dreg:$0x0] =	wrdreg $0x0  }
0xbd: {  	s6 =	sshll.u32 s28, $0x1;
	[dreg:$0x2] =	wrdreg s4  }
0xbe: {  	[dreg:$0x3] =	wrdreg s6  }
0xbf: {  	[dreg:$0x4] =	wrdreg $0xC0  }
0xc0: {  	_ =	task [dreg:s22], $0x5FFFF  }
0xc1: {  	[dreg:$0x1] =	wrdreg $0xFFFFFFFF  }
0xc2: {  	[dreg:$0x0] =	wrdreg $0x60  }
0xc3: {  	[dreg:$0x2] =	wrdreg s17  }
0xc4: {  	[dreg:$0x3] =	wrdreg s24  }
0xc5: {  	[dreg:$0x4] =	wrdreg $0x4800  }
0xc6: {  	[dreg:$0x5] =	wrdreg $0x9  }
0xc7: {  	_ =	task.clear_ibuf [dreg:s22], $0x6FFFF;
	_ =	strace $0x90000049  }
0xc8: {  	s29 =	simm.s32 $0x9;
	_ =	strace $0x8000004B  }
0xc9: {  	_ =	swait.ge [sflag:s29], $0x1  }
0xca: {  	[sflag:s29] =	ssyncadd.s32 $0xFFFFFFFF  }
0xcb: {  	_ =	strace $0x9000004B  }
0xcc: {  	_ =	sfence  }
0xcd: {  	s30 =	sld [smem:$0x0];
	_ =	sdelay $0x2  }
0xce: {  	s31 =	sshll.u32 s1, $0xD;
	s1 =	sshrl.u32 s1, $0x2  }
0xcf: {  	s4 =	sand.u32 $0x4000, s31;
	s1 =	sadd.s32 s1, s30  }
0xd0: {  	s0 =	sor.u32 s4, s0;
	s1 =	sshll.u32 s1, $0x11  }
0xd1: {  	s0 =	sor.u32 s1, s0  }
0xd2: {  	s0 =	sadd.s32 $0x8F2B, s0  }
0xd3: {  	[sflag:s0] =	ssyncadd.remote.s32 $0x1  }
0xd4: {  	_ =	sfence.sel $0xFFFF  }
0xd5: {  	[dreg:$0x0] =	wrdreg $0xFFFFFFFF;
	(pc) =	sbr.abs _section_cstart, $3  }
0xd6: {  	[dreg:$0x1] =	wrdreg $0xFFFFFFFF  }
0xd7: {  	_ =	task.clear_ibuf [dreg:s22], $0x2FFFF;
	_ =	strace $0x9FFFFFFF  }
0xd8: {  	(tm) =	ssettm $0x7FFFFFFF  }
0xd9: {  	_ =	shalt  }
tec
execute0_lowered:
.L_overlay_start_1:
0x0: {  	(tag) =	ssettag $0x1  }
0x1: {  	s14 =	rddreg [dreg:$0x0]  }
0x2: {  	s4 =	rddreg [dreg:$0x1]  }
0x3: {  	s2 =	rddreg [dreg:$0x2]  }
0x4: {  	s0 =	stileid.u32;
	s5 =	srdreg.scid  }
0x5: {  	s3 =	simm.s32 $0x0;
	s31 =	simm.s32 $0x400;
	s6 =	smul.u32 $0x280, s0  }
0x6: {  	s10 =	sand.u32 $0x1, s5;
	[smem:$0x7FF] =	sst s3;
	s19 =	smul.u32 $0x9C4, s0  }
0x7: {  	s26 =	sshll.u32 s0, $0x6;
	s5 =	smul.u32 $0x2800, s10;
	s7 =	sshll.u32 s10, $0x4  }
0x8: {  	_ =	strace $0x8000004A;
	s9 =	ssub.s32 $0x2, s10;
	s10 =	smul.u32 $0xFFFF9C40, s10  }
0x9: {  	[dreg:$0x4] =	wrdreg s31;
	s7 =	sor.u32 s0, s7;
	s8 =	sshrl.u32 s6, $0x3  }
0xa: {  	s23 =	sshrl.u32 s9, $0x1;
	s15 =	sadd.s32 s6, s2;
	s5 =	sadd.s32 s6, s5  }
0xb: {  	s7 =	smul.u32 $0x9C4, s7;
	s8 =	sadd.s32 s8, s4;
	s13 =	ssub.s32 s9, s23  }
0xc: {  	s6 =	sor.u32 $0x1C0B, s26;
	s10 =	sand.u32 $0xFFC0, s10;
	s15 =	sshrl.u32 s15, $0x3  }
0xd: {  	s5 =	sshrl.u32 s5, $0x3;
	s1 =	sadd.s32 $0x1200, s8;
	s10 =	sadd.s32 s19, s10  }
0xe: {  	s13 =	smax.u32 s13, $0x1;
	s19 =	simm.s32 $0x0;
	s12 =	sadd.s32 s5, s4  }
0xf: {  	s24 =	sadd.s32 $0x9C4, s7;
	s7 =	sshrl.u32 s7, $0x5;
	s29 =	sshrl.u32 s10, $0x1  }
0x10: {  	[dreg:$0x5] =	wrdreg s1;
	s25 =	sshrl.u32 s24, $0x5;
	s30 =	sand.u32 $0xFFF0, s29  }
0x11: {  	s12 =	sadd.s32 $0x1800, s12;
	s4 =	ssub.s32 s25, s7;
	s7 =	sshll.u32 s7, $0x4  }
0x12: {  	s28 =	sadd.s32 s14, s7;
	s11 =	sadd.s32 $0xFFFFFFFE, s4;
	s16 =	sadd.s32 $0xFFFFFFFF, s4  }
0x13: {  	s14 =	sadd.s32 s30, s14;
	s17 =	sshll.u32 s11, $0x10;
	s18 =	sshll.u32 s16, $0x10  }
0x14: {  	p0 =	slt.s32 s4, $0x1;
	s17 =	sshra.s32 s17, $0x1F;
	s18 =	sshra.s32 s18, $0x1F  }
0x15: {  	s7 =	sadd.s32 $0x9C40, s28;
	s17 =	sand.u32 $0x3, s17;
	s18 =	sand.u32 $0x3, s18  }
0x16: {  	s8 =	sadd.s32 $0x9C50, s28;
	s17 =	sadd.s32 s17, s11;
	s18 =	sadd.s32 s18, s16  }
.Ltmp0:
0x17: {  	s17 =	sand.u32 $0xFFFC, s17;
	s18 =	sand.u32 $0xFFFC, s18;
	(pc) =	sbr.rel .LBB2_1-.Ltmp0, $4  }
0x18: {  	s9 =	sadd.s32 $0x9C60, s28;
	s11 =	ssub.s32 s11, s17;
	s16 =	ssub.s32 s16, s18  }
0x19: {  	s14 =	sadd.s32 $0x9C70, s14;
	s11 =	sshll.u32 s11, $0x10;
	s16 =	sshll.u32 s16, $0x10  }
0x1a: {  	s17 =	simm.s32 $0x80;
	s11 =	sshra.s32 s11, $0x10;
	s16 =	sshra.s32 s16, $0x10  }
0x1b: {  	v0 =	vimm.f32 $1.000000000e+00;
	s10 =	sadd.s32 $0x7, s11;
	s11 =	sadd.s32 $0x7, s16;
	s16 =	simm.s32 $0xB  }
.LBB2_4:
0x1c: {  	[spmem:s2] =	stream.indirect.scatter.add.f32 [tilespmem:s30], [sflag:s31], $0x1, s28, s17, $0xb8;
	[tilespmem:$0x700] =	vst v63  }
0x1d: {  	_ =	swait.ge @!p2 [sflag:s29], $0x80  }
0x1e: {  	[sflag:s29] =	ssyncset.done @!p2 $0x0  }
0x1f: {  	[sflag:s29] =	ssyncadd.s32 @!p2 $0xFFFFFF80  }
.LBB2_5:
0x20: {  	_ =	swait.ge [sflag:s10], $0x80  }
0x21: {  	[sflag:s10] =	ssyncset.done $0x0  }
0x22: {  	[sflag:s10] =	ssyncadd.s32 $0xFFFFFF80  }
0x23: {  	_ =	swait.ge [sflag:s11], $0x80  }
0x24: {  	s19 =	sadd.s32 $0x1, s19;
	[sflag:s11] =	ssyncset.done $0x0  }
0x25: {  	p1 =	sne.s32 s19, s13;
	[sflag:s11] =	ssyncadd.s32 $0xFFFFFF80  }
.Ltmp1:
0x26: {  	[bflag:$0x0] =	sbarrier.arrive $0xFFFF;
	(pc) =	sbr.rel @!p1 .LBB2_6-.Ltmp1, $4  }
0x27: {  	[hbm:s12], [sflag:s6] =	dma.local [spmem:s15], $0x50  }
0x28: {  	_ =	swait.ge [sflag:s16], $0x50  }
0x29: {  	[sflag:s16] =	ssyncset.done $0x0  }
0x2a: {  	[sflag:s16] =	ssyncadd.s32 $0xFFFFFFB0  }
.LBB2_1:
0x2b: {  	[tilespmem:$0x400] =	vst v0  }
0x2c: {  	[tilespmem:$0x410] =	vst v0  }
0x2d: {  	[tilespmem:$0x420] =	vst v0  }
0x2e: {  	[tilespmem:$0x430] =	vst v0  }
0x2f: {  	[tilespmem:$0x440] =	vst v0  }
0x30: {  	[tilespmem:$0x450] =	vst v0  }
0x31: {  	[tilespmem:$0x460] =	vst v0  }
0x32: {  	[tilespmem:$0x470] =	vst v0;
	s0 =	rddreg [dreg:$0x5]  }
0x33: {  	[spmem:s15], [sflag:s6] =	dma.local [hbm:s0], $0x50  }
0x34: {  	_ =	swait.ge [sflag:s16], $0x50  }
0x35: {  	[sflag:s16] =	ssyncset.done $0x0  }
0x36: {  	[sflag:s16] =	ssyncadd.s32 $0xFFFFFFB0  }
0x37: {  	[bflag:$0x0] =	sbarrier.arrive $0xFFFF  }
0x38: {  	[tilespmem:s3], [sflag:$0x1] =	stream.linear.gather [hbm4b:s7+s3], $0x80, $0x38;
	[tilespmem:$0x700] =	vst v63  }
.Ltmp2:
0x39: {  	_ = 	snop;
	(pc) =	sbr.rel @p0 .LBB2_5-.Ltmp2, $4  }
0x3a: {  	_ = 	snop  }
0x3b: {  	[tilespmem:s17], [sflag:$0x2] =	stream.linear.gather [hbm4b:s8+s3], $0x80, $0x38;
	[tilespmem:$0x700] =	vst v63  }
0x3c: {  	s31 =	simm.s32 $0x100  }
0x3d: {  	[tilespmem:s31], [sflag:$0x3] =	stream.linear.gather [hbm4b:s9+s3], $0x80, $0x38;
	[tilespmem:$0x700] =	vst v63  }
0x3e: {  	s21 =	smulhi.u32 $0xAAAAAAAB, s3  }
0x3f: {  	s20 =	simm.s32 $0x3  }
0x40: {  	s20 =	smulhi.u32 $0xAAAAAAAB, s20;
	s24 =	sshrl.u32 s21, $0x2  }
0x41: {  	s25 =	smul.u32 $0xFFFFF400, s24  }
0x42: {  	s22 =	sshrl.u32 s20, $0x2;
	s24 =	smul.u32 $0xFFFFFFE8, s24  }
0x43: {  	p1 =	sgt.s32 s4, $0x1;
	p2 =	sle.s32 s4, $0x3;
	s23 =	smul.u32 $0xFFFFFFE8, s22  }
0x44: {  	s28 =	simm.s32 @!p2 $0x0;
	s21 =	simm.s32 $0x80;
	s18 =	smul.u32 $0xFFFFF400, s22  }
0x45: {  	s20 =	simm.s32 $0x1;
	s22 =	simm.s32 $0x2;
	s23 =	sshra.s32 s23, $0x2  }
0x46: {  	s24 =	sshra.s32 s24, $0x2;
	s26 =	sadd.s32 $0x4, s23;
	s23 =	sshra.s32 s18, $0x2  }
0x47: {  	s25 =	sshra.s32 s25, $0x2;
	s29 =	sadd.s32 $0x1, s24;
	s30 =	sadd.s32 $0x180, s23  }
0x48: {  	[tilespmem:s30], [sflag:s26] =	stream.linear.gather @!p2 [hbm4b:s14+s28], $0x80, $0x38;
	[tilespmem:$0x700] =	vst v63  }
.Ltmp3:
0x49: {  	s24 =	simm.s32 $0x200;
	s23 =	simm.s32 $0x4;
	(pc) =	sbr.rel @!p1 .LBB2_4-.Ltmp3, $4  }
0x4a: {  	s26 =	sand.u32 $0x3, s3;
	p2 =	por $0x1, $0x1;
	s28 =	sadd.s32 $0x0, s25  }
0x4b: {  	_ =	swait.ge [sflag:s29], $0x80;
	s31 =	sadd.s32 $0x7, s26;
	s25 =	sxor.u32 @!p2 $0x2, s26  }
0x4c: {  	s26 =	simm.s32 $0x5;
	[sflag:s29] =	ssyncset.done $0x0;
	s30 =	rddreg [dreg:$0x4]  }
0x4d: {  	[sflag:s29] =	ssyncadd.s32 $0xFFFFFF80;
	s29 =	sadd.s32 @!p2 $0x7, s25;
	s25 =	sadd.s32 $0x10, s14  }
.LBB2_3:
0x4e: {  	[spmem:s2] =	stream.indirect.scatter.add.f32 [tilespmem:s30], [sflag:s31], $0x1, s28, s17, $0xb8;
	[tilespmem:$0x700] =	vst v63  }
0x4f: {  	s30 =	smulhi.u32 $0xAAAAAAAB, s23  }
0x50: {  	s28 =	smov.u32 s20;
	s20 =	sadd.s32 $0x1, s20;
	s0 =	smov.u32 s22  }
0x51: {  	s22 =	sadd.s32 $0x1, s22;
	s31 =	smulhi.u32 $0xAAAAAAAB, s28;
	s30 =	sshrl.u32 s30, $0x2  }
0x52: {  	s23 =	sadd.s32 $0x1, s23;
	_ =	swait.ge @!p2 [sflag:s29], $0x80;
	s1 =	smul.u32 $0xFFFFFFE8, s30  }
0x53: {  	p1 =	slt.s32 s20, s4;
	s31 =	sshrl.u32 s31, $0x2;
	s30 =	smul.u32 $0xFFFFF400, s30  }
0x54: {  	s5 =	sadd.s32 $0x3, s28;
	[sflag:s29] =	ssyncset.done @!p2 $0x0;
	s18 =	smul.u32 $0xFFFFF400, s31  }
0x55: {  	[sflag:s29] =	ssyncadd.s32 @!p2 $0xFFFFFF80;
	s29 =	smov.u32 s21;
	s31 =	smul.u32 $0xFFFFFFE8, s31  }
0x56: {  	p2 =	sge.s32 s5, s4;
	s1 =	sshra.s32 s1, $0x2;
	s30 =	sshra.s32 s30, $0x2  }
0x57: {  	s1 =	sadd.s32 s1, s26;
	s5 =	sshra.s32 s31, $0x2;
	s31 =	simm.s32 @!p2 $0x0  }
0x58: {  	s0 =	sadd.s32 s5, s0;
	s5 =	sshra.s32 s18, $0x2;
	s18 =	sadd.s32 s30, s24  }
0x59: {  	[tilespmem:s18], [sflag:s1] =	stream.linear.gather @!p2 [hbm4b:s25+s31], $0x80, $0x38;
	[tilespmem:$0x700] =	vst v63  }
.Ltmp4:
0x5a: {  	s21 =	sadd.s32 $0x80, s21;
	s26 =	sadd.s32 $0x1, s26;
	(pc) =	sbr.rel @p1 .LBB2_3-.Ltmp4, $4  }
0x5b: {  	s24 =	sadd.s32 $0x80, s24;
	s1 =	sand.u32 $0x3, s28;
	_ =	swait.ge [sflag:s0], $0x80  }
0x5c: {  	p2 =	slt.u32 s28, $0x2;
	s28 =	sadd.s32 s5, s29;
	[sflag:s0] =	ssyncset.done $0x0  }
0x5d: {  	s25 =	sadd.s32 $0x10, s25;
	[sflag:s0] =	ssyncadd.s32 $0xFFFFFF80;
	s0 =	sxor.u32 @!p2 $0x2, s1  }
0x5e: {  	s31 =	sadd.s32 $0x7, s1;
	s30 =	rddreg [dreg:$0x4];
	s29 =	sadd.s32 @!p2 $0x7, s0  }
.Ltmp5:
0x5f: {  	_ = 	snop;
	(pc) =	sbr.rel .LBB2_4-.Ltmp5, $1  }
0x60: {  	_ =	sdelay $0x3  }
.LBB2_6:
0x61: {  	_ =	sfence.sel $0x180000  }
0x62: {  	[bflag:$0x0] =	sbarrier.arrive $0xFFFF  }
0x63: {  	_ =	strace $0x9000004A  }
0x64: {  	s0 =	stileid.u32;
	[bflag:$0x2] =	sbarrier.arrive $0xFFFF  }
0x65: {  	p0 =	sne.s32 s0, $0x0;
	s0 =	rddreg [dreg:$0x3]  }
0x66: {  	s0 =	sadd.s32 @!p0 $0x100000, s0  }
0x67: {  	[sflag:s0] =	ssyncadd.tile.s32 @!p0 $0x1;
	_ =	shalt  }
.Lfunc_end2:
_tile_overlayer_lowered:
.L_overlay_start_2:
0x68: {  	(tag) =	ssettag $0x2  }
0x69: {  	s0 =	rddreg [dreg:$0x0];
	s2 =	stileid.u32  }
0x6a: {  	s1 =	rddreg [dreg:$0x1];
	p0 =	sne.s32 s2, $0x0  }
0x6b: {  	s3 =	rddreg [dreg:$0x2];
	[bflag:$0x3] =	sbarrier.arrive $0xFFFF;
	s2 =	simm.s32 @!p0 $0x1C0B  }
0x6c: {  	[timem:s3], [sflag:s2] =	dma.local @!p0 [hbm:s0], s1  }
0x6d: {  	s0 =	simm.s32 @!p0 $0xB  }
0x6e: {  	_ =	swait.ge @!p0 [sflag:s0], s1  }
0x6f: {  	s1 =	ssub.s32 @!p0 $0x0, s1;
	[sflag:s0] =	ssyncset.done @!p0 $0x0  }
0x70: {  	[sflag:s0] =	ssyncadd.s32 @!p0 s1  }
0x71: {  	[bflag:$0x3] =	sbarrier.arrive $0xFFFF  }
0x72: {  	_ =	shalt  }

// kernel: kernel.5.cloned.1.call-start
scs
__scs_entry_jumppad:
0x0: {  	(pc) =	sbr.rel $0x88, $3  }
0x1: {  	(tag) =	ssettag $0x0;
	lr =	simm.s32 $0x1  }
0x2: {  	[smem:$0x3F9D] =	sst lr;
	_ =	strace $0xD0000000  }
0x3: {  	_ = 	snop  }
0x4: {  	_ = 	snop  }
0x5: {  	_ = 	snop  }
0x6: {  	_ = 	snop  }
0x7: {  	_ = 	snop  }
__scs_overlays_trampoline_lowered:
0x8: {  	[smem:$0x3FAC] =	sst s0  }
0x9: {  	[smem:$0x3FAD] =	sst s1  }
0xa: {  	[smem:$0x3FAE] =	sst s2  }
0xb: {  	[smem:$0x3FAF] =	sst s3  }
0xc: {  	[smem:$0x3FB0] =	sst s4  }
0xd: {  	[smem:$0x3FB1] =	sst s5  }
0xe: {  	[smem:$0x3FB2] =	sst s6  }
0xf: {  	[smem:$0x3FB3] =	sst s7  }
0x10: {  	[smem:$0x3FB4] =	sst s8  }
0x11: {  	[smem:$0x3FB5] =	sst s9;
	s0 =	simm.s32 @!p0 $0x0  }
0x12: {  	s1 =	sld [smem:$0x3F9B];
	s0 =	simm.s32 @p0 $0x1  }
0x13: {  	[smem:$0x3FB6] =	sst s0;
	s0 =	simm.s32 @!p1 $0x0  }
0x14: {  	s2 =	sld [smem:$0x3F9A];
	s0 =	simm.s32 @p1 $0x1  }
0x15: {  	[smem:$0x3FB7] =	sst s0;
	s0 =	simm.s32 @!p2 $0x0  }
0x16: {  	s3 =	sld [smem:$0x3FDB];
	s0 =	simm.s32 @p2 $0x1  }
0x17: {  	s4 =	simm.s32 $0x1BF5;
	[smem:$0x3FB9] =	sst s0  }
0x18: {  	s0 =	sld [smem:$0x3F9C];
	_ =	swait.ge [sflag:s4], $0x0  }
0x19: {  	s7 =	sld [smem:$0x3F9D]  }
0x1a: {  	s8 =	sadd.s32 $0xFFFFE003, lr  }
0x1b: {  	s9 =	sadd.s32 $0xFFFFFEF7, lr;
	s5 =	simm.s32 $0xFFFFFFFF;
	p2 =	slt.u32 s8, $0xFFFFF086  }
0x1c: {  	p1 =	slt.u32 s9, $0xF7A;
	s5 =	simm.s32 @!p2 $0x0  }
0x1d: {  	s5 =	simm.s32 @p1 $0x1;
	p0 =	seq.s32 s7, s2  }
0x1e: {  	s7 =	smul.u32 @!p0 $0xF7A, s2;
	p2 =	seq.s32 @!p0 s5, $0x0  }
0x1f: {  	s9 =	smul.u32 $0xF7A, s1;
	s8 =	simm.s32 @!p0 $0x1BF5;
	p2 =	por !p2, p0  }
0x20: {  	[sflag:s8] =	ssyncset.s32 @!p0 $0xFFFFF086;
	s6 =	sadd.s32 @!p0 s3, s7;
	s7 =	simm.s32 @!p0 $0x108  }
0x21: {  	s3 =	sadd.s32 s3, s9;
	s6 =	sadd.s32 @!p0 $0x88, s6;
	s7 =	simm.s32 @p2 $0x1082  }
0x22: {  	[simem:s7], [sflag:s8] =	dma.local @!p0 [hbm:s6], $0xF7A  }
0x23: {  	s9 =	sor.u32 $0xD0000000, s2;
	s6 =	simm.s32 $0x108;
	_ =	swait.ge @!p0 [sflag:s8], $0x0  }
0x24: {  	s3 =	sadd.s32 $0x88, s3;
	s6 =	simm.s32 @!p1 $0x1082;
	[sflag:s4] =	ssyncset.s32 $0xFFFFF086  }
0x25: {  	[simem:s6], [sflag:s4] =	dma.local [hbm:s3], $0xF7A  }
0x26: {  	[smem:$0x3F9D] =	sst s1;
	(tag) =	ssettag s2;
	_ =	strace s9  }
0x27: {  	s1 =	sld [smem:$0x3FAD]  }
0x28: {  	s2 =	sld [smem:$0x3FAE]  }
0x29: {  	s4 =	sld [smem:$0x3FB0]  }
0x2a: {  	p0 =	seq.s32 s5, $0x0;
	s5 =	sld [smem:$0x3FB1]  }
0x2b: {  	s6 =	sld [smem:$0x3FB2]  }
0x2c: {  	s7 =	sld [smem:$0x3FB3]  }
0x2d: {  	s3 =	simm.s32 $0x108;
	s8 =	sld [smem:$0x3FB4]  }
0x2e: {  	s3 =	simm.s32 @!p0 $0x1082;
	s9 =	sld [smem:$0x3FB5]  }
0x2f: {  	lr =	sadd.s32 s0, s3;
	s0 =	sld [smem:$0x3FAC]  }
0x30: {  	s3 =	sld [smem:$0x3FAF]  }
0x31: {  	[smem:$0x3FB8] =	sst s10  }
0x32: {  	s10 =	sld [smem:$0x3FB6];
	_ =	sdelay $0x3  }
0x33: {  	p0 =	seq.s32 s10, $0x1;
	s10 =	sld [smem:$0x3FB8];
	_ =	sdelay $0x3  }
0x34: {  	[smem:$0x3FB8] =	sst s10  }
0x35: {  	s10 =	sld [smem:$0x3FB7];
	_ =	sdelay $0x3  }
0x36: {  	p1 =	seq.s32 s10, $0x1;
	s10 =	sld [smem:$0x3FB8];
	_ =	sdelay $0x3  }
0x37: {  	[smem:$0x3FB8] =	sst s10  }
0x38: {  	s10 =	sld [smem:$0x3FB9]  }
0x39: {  	_ = 	snop;
	(pc) =	sbr.ind lr, $3  }
0x3a: {  	_ = 	snop  }
0x3b: {  	_ = 	snop  }
0x3c: {  	p2 =	seq.s32 s10, $0x1;
	s10 =	sld [smem:$0x3FB8]  }
0x3d: {  	_ =	shalt  }
0x3e: {  	_ =	shalt  }
0x3f: {  	_ =	shalt  }
0x40: {  	_ =	shalt  }
0x41: {  	_ =	shalt  }
0x42: {  	_ =	shalt  }
0x43: {  	_ =	shalt  }
0x44: {  	_ =	shalt  }
0x45: {  	_ =	shalt  }
0x46: {  	_ =	shalt  }
0x47: {  	_ =	shalt  }
0x48: {  	_ =	shalt  }
0x49: {  	_ =	shalt  }
0x4a: {  	_ =	shalt  }
0x4b: {  	_ =	shalt  }
0x4c: {  	_ =	shalt  }
0x4d: {  	_ =	shalt  }
0x4e: {  	_ =	shalt  }
0x4f: {  	_ =	shalt  }
0x50: {  	_ =	shalt  }
0x51: {  	_ =	shalt  }
0x52: {  	_ =	shalt  }
0x53: {  	_ =	shalt  }
0x54: {  	_ =	shalt  }
0x55: {  	_ =	shalt  }
0x56: {  	_ =	shalt  }
0x57: {  	_ =	shalt  }
0x58: {  	_ =	shalt  }
0x59: {  	_ =	shalt  }
0x5a: {  	_ =	shalt  }
0x5b: {  	_ =	shalt  }
0x5c: {  	_ =	shalt  }
0x5d: {  	_ =	shalt  }
0x5e: {  	_ =	shalt  }
0x5f: {  	_ =	shalt  }
0x60: {  	_ =	shalt  }
0x61: {  	_ =	shalt  }
0x62: {  	_ =	shalt  }
0x63: {  	_ =	shalt  }
0x64: {  	_ =	shalt  }
0x65: {  	_ =	shalt  }
0x66: {  	_ =	shalt  }
0x67: {  	_ =	shalt  }
0x68: {  	_ =	shalt  }
0x69: {  	_ =	shalt  }
0x6a: {  	_ =	shalt  }
0x6b: {  	_ =	shalt  }
0x6c: {  	_ =	shalt  }
0x6d: {  	_ =	shalt  }
0x6e: {  	_ =	shalt  }
0x6f: {  	_ =	shalt  }
0x70: {  	_ =	shalt  }
0x71: {  	_ =	shalt  }
0x72: {  	_ =	shalt  }
0x73: {  	_ =	shalt  }
0x74: {  	_ =	shalt  }
0x75: {  	_ =	shalt  }
0x76: {  	_ =	shalt  }
0x77: {  	_ =	shalt  }
0x78: {  	_ =	shalt  }
0x79: {  	_ =	shalt  }
0x7a: {  	_ =	shalt  }
0x7b: {  	_ =	shalt  }
0x7c: {  	_ =	shalt  }
0x7d: {  	_ =	shalt  }
0x7e: {  	_ =	shalt  }
0x7f: {  	_ =	shalt  }
0x80: {  	_ =	shalt  }
0x81: {  	_ =	shalt  }
0x82: {  	_ =	shalt  }
0x83: {  	_ =	shalt  }
0x84: {  	_ =	shalt  }
0x85: {  	_ =	shalt  }
0x86: {  	_ =	shalt  }
0x87: {  	_ =	shalt  }
.Lfunc_end0:
.L_simem_size_0:
called_computation.2_lowered:
.L_overlay_start_0:
0x88: {  	s2 =	sld [smem:$0x3FD9]  }
0x89: {  	s3 =	sld [smem:$0x3FFE];
	_ =	sdelay $0x1  }
0x8a: {  	s1 =	srdreg.scid  }
0x8b: {  	s0 =	sand.u32 $0x1, s1  }
0x8c: {  	s15 =	sshll.u32 s0, $0xA;
	s2 =	sadd.s32 s3, s2  }
0x8d: {  	s2 =	sadd.s32 s2, s15  }
0x8e: {  	[smem:$0x3FC4] =	sst s2  }
0x8f: {  	_ = 	snop  }
0x90: {  	s2 =	sld [smem:$0x3FD0];
	_ =	sdelay $0x2  }
0x91: {  	s4 =	simm.s32 $0xB;
	s16 =	simm.s32 $0x10  }
0x92: {  	[smem:s16], [sflag:s4] =	dma.local [hbm:s2], $0x1  }
0x93: {  	_ =	swait.eq [sflag:s4], $0x1  }
0x94: {  	[sflag:s4] =	ssyncset.done $0x0  }
0x95: {  	s17 =	sld [smem:$0x10];
	[sflag:s4] =	ssyncadd.s32 $0xFFFFFFFF  }
0x96: {  	s18 =	sld [smem:$0x11];
	(tm) =	ssettm $0x1  }
0x97: {  	s19 =	sld [smem:$0x3FFB];
	_ =	sdelay $0x3  }
0x98: {  	_ =	strace s19  }
0x99: {  	s2 =	sld [smem:$0x3FFC];
	_ =	sdelay $0x3  }
0x9a: {  	_ =	strace s2  }
0x9b: {  	s2 =	sld [smem:$0x3FFD];
	_ =	sdelay $0x3  }
0x9c: {  	_ =	strace s2  }
0x9d: {  	_ =	strace $0x8FFFFFFF  }
0x9e: {  	s20 =	sld [smem:$0x3FDB];
	_ =	sdelay $0x1  }
0x9f: {  	s5 =	simm.s32 $_scs_section_size  }
0xa0: {  	s6 =	simm.s32 $_size__tile_overlayer_lowered;
	s7 =	simm.s32 $_tile_overlayer_lowered  }
0xa1: {  	s8 =	simm.s32 $0x1BFF;
	s21 =	sshll.u32 s7, $0x1;
	s5 =	sadd.s32 s5, s20  }
0xa2: {  	s22 =	simm.s32 $0x0;
	s6 =	sshll.u32 s6, $0x1;
	s7 =	sadd.s32 s21, s5  }
0xa3: {  	[timem:s22], [sflag:s8] =	dma.local [hbm:s7], s6  }
0xa4: {  	_ =	swait.ge [sflag:s8], s6  }
0xa5: {  	s6 =	ssub.s32 $0x0, s6;
	[sflag:s8] =	ssyncset.done $0x0  }
0xa6: {  	[sflag:s8] =	ssyncadd.s32 s6;
	_ =	sdelay $0x1  }
0xa7: {  	s23 =	simm.s32 $0x1B8B  }
0xa8: {  	_ =	swait.ge [sflag:s23], $0x1  }
0xa9: {  	[sflag:s23] =	ssyncset.done $0x0  }
0xaa: {  	[sflag:s23] =	ssyncadd.s32 $0xFFFFFFFF  }
0xab: {  	s6 =	sld [smem:$0x0]  }
0xac: {  	s7 =	sand.u32 $0xFFFFFFFE, s1  }
0xad: {  	p0 =	sne.s32 s1, s7  }
0xae: {  	s7 =	sshll.u32 @p0 s7, $0xE  }
0xaf: {  	s7 =	sadd.s32 @p0 $0x11B8D, s7;
	s8 =	sshll.u32 @p0 s6, $0x11  }
0xb0: {  	s7 =	sor.u32 @p0 s8, s7  }
0xb1: {  	[sflag:s7] =	ssyncadd.remote.s32 @p0 $0x1;
	_ =	sdelay $0x1  }
0xb2: {  	s7 =	simm.s32 @p0 $0x1B8D  }
0xb3: {  	_ =	swait.eq @p0 [sflag:s7], $0x1  }
0xb4: {  	[sflag:s7] =	ssyncadd.s32 @p0 $0xFFFFFFFF  }
0xb5: {  	s8 =	sshll.u32 @!p0 s1, $0xE  }
0xb6: {  	s8 =	sor.u32 @!p0 $0x4000, s8;
	s7 =	simm.s32 @!p0 $0x1B8D  }
0xb7: {  	s6 =	sshll.u32 @!p0 s6, $0x11;
	s8 =	sadd.s32 @!p0 $0x11B8D, s8;
	_ =	swait.eq @!p0 [sflag:s7], $0x1  }
0xb8: {  	s6 =	sor.u32 @!p0 s6, s8;
	[sflag:s7] =	ssyncadd.s32 @!p0 $0xFFFFFFFF  }
0xb9: {  	s25 =	simm.s32 $0x1B8E;
	s24 =	sld [smem:$0x3FFE];
	[sflag:s6] =	ssyncadd.remote.s32 @!p0 $0x1  }
0xba: {  	s26 =	simm.s32 $execute0_lowered;
	[smem:$0x3FD2] =	sst s25  }
0xbb: {  	s7 =	sshll.u32 s26, $0x1;
	_ =	strace $0x8000004C;
	[dreg:$0x1] =	wrdreg $0xFFFFFFFF  }
0xbc: {  	s28 =	simm.s32 $_size_execute0_lowered;
	s5 =	sadd.s32 s5, s7;
	[dreg:$0x0] =	wrdreg $0x0  }
0xbd: {  	s7 =	sshll.u32 s28, $0x1;
	[dreg:$0x2] =	wrdreg s5  }
0xbe: {  	[dreg:$0x3] =	wrdreg s7  }
0xbf: {  	[dreg:$0x4] =	wrdreg $0xC0  }
0xc0: {  	_ =	task [dreg:s22], $0x5FFFF  }
0xc1: {  	[dreg:$0x1] =	wrdreg $0xFFFFFFFF  }
0xc2: {  	[dreg:$0x0] =	wrdreg $0x60  }
0xc3: {  	[dreg:$0x2] =	wrdreg s17  }
0xc4: {  	[dreg:$0x3] =	wrdreg s18  }
0xc5: {  	[dreg:$0x4] =	wrdreg s24  }
0xc6: {  	[dreg:$0x5] =	wrdreg $0x88000  }
0xc7: {  	[dreg:$0x6] =	wrdreg $0xA  }
0xc8: {  	_ =	task.clear_ibuf [dreg:s22], $0x7FFFF;
	_ =	strace $0x9000004C  }
0xc9: {  	s29 =	simm.s32 $0xA;
	_ =	strace $0x8000004E  }
0xca: {  	_ =	swait.ge [sflag:s29], $0x1  }
0xcb: {  	[sflag:s29] =	ssyncadd.s32 $0xFFFFFFFF  }
0xcc: {  	_ =	strace $0x9000004E  }
0xcd: {  	_ =	sfence  }
0xce: {  	s30 =	sld [smem:$0x0];
	_ =	sdelay $0x2  }
0xcf: {  	s31 =	sshll.u32 s1, $0xD;
	s1 =	sshrl.u32 s1, $0x2  }
0xd0: {  	s4 =	sand.u32 $0x4000, s31;
	s1 =	sadd.s32 s1, s30  }
0xd1: {  	s0 =	sor.u32 s4, s0;
	s1 =	sshll.u32 s1, $0x11  }
0xd2: {  	s0 =	sor.u32 s1, s0  }
0xd3: {  	s0 =	sadd.s32 $0x8F2B, s0  }
0xd4: {  	[sflag:s0] =	ssyncadd.remote.s32 $0x1  }
0xd5: {  	_ =	sfence.sel $0xFFFF  }
0xd6: {  	[dreg:$0x0] =	wrdreg $0xFFFFFFFF;
	(pc) =	sbr.abs _section_cstart, $3  }
0xd7: {  	[dreg:$0x1] =	wrdreg $0xFFFFFFFF  }
0xd8: {  	_ =	task.clear_ibuf [dreg:s22], $0x2FFFF;
	_ =	strace $0x9FFFFFFF  }
0xd9: {  	(tm) =	ssettm $0x7FFFFFFF  }
tec
execute0_lowered:
.L_overlay_start_1:
0x0: {  	(tag) =	ssettag $0x1  }
0x1: {  	s0 =	rddreg [dreg:$0x0]  }
0x2: {  	s3 =	rddreg [dreg:$0x1]  }
0x3: {  	s1 =	rddreg [dreg:$0x2];
	s2 =	srdreg.scid  }
0x4: {  	s4 =	rddreg [dreg:$0x3];
	s13 =	stileid.u32;
	s5 =	simm.s32 $0x0  }
0x5: {  	s28 =	simm.s32 $0x7;
	s30 =	simm.s32 $0x2;
	s31 =	simm.s32 $0x8  }
0x6: {  	s2 =	sand.u32 $0x1, s2;
	s6 =	smul.u32 $0x14000, s13;
	[smem:$0x7FF] =	sst s5  }
0x7: {  	s11 =	smul.u32 $0x50000, s13;
	s25 =	sshll.u32 s13, $0x6;
	s7 =	sshll.u32 s2, $0x4  }
0x8: {  	s8 =	smul.u32 $0x140000, s2;
	_ =	strace $0x8000004D;
	s2 =	ssub.s32 $0x2, s2  }
0x9: {  	s7 =	sor.u32 s13, s7;
	s18 =	sshrl.u32 s6, $0x3;
	s20 =	sshrl.u32 s2, $0x1  }
0xa: {  	s21 =	sshrl.u32 s11, $0x2;
	s9 =	smul.u32 $0x9C4, s7;
	s10 =	sadd.s32 s18, s1  }
0xb: {  	s6 =	sadd.s32 s6, s8;
	s2 =	ssub.s32 s2, s20;
	s20 =	simm.s32 $0x11  }
0xc: {  	s8 =	sshrl.u32 s6, $0x3;
	s23 =	sadd.s32 $0x2200, s10;
	s19 =	sadd.s32 $0x9C4, s9  }
0xd: {  	s10 =	sor.u32 $0x1C11, s25;
	s6 =	sshrl.u32 s9, $0x5;
	s7 =	sshrl.u32 s19, $0x5  }
0xe: {  	s18 =	smax.u32 s2, $0x1;
	s2 =	simm.s32 $0x0;
	s7 =	ssub.s32 s7, s6  }
0xf: {  	s1 =	sadd.s32 s8, s1;
	s9 =	sshrl.u32 s9, $0x1;
	s12 =	sadd.s32 $0xFFFFFFFF, s7  }
0x10: {  	[dreg:$0x5] =	wrdreg s23;
	s19 =	sadd.s32 s21, s4;
	s22 =	sand.u32 $0x8000, s12  }
0x11: {  	s9 =	sand.u32 $0xFFF0, s9;
	s17 =	sadd.s32 $0x2A200, s1;
	s11 =	sshrl.u32 s22, $0xF  }
0x12: {  	s9 =	sadd.s32 s0, s9;
	s19 =	sshrl.u32 s19, $0x3;
	s24 =	sadd.s32 s11, s12  }
.Ltmp0:
0x13: {  	s29 =	sadd.s32 $0x9C40, s9;
	s26 =	sand.u32 $0xFFFE, s24;
	(pc) =	sbr.rel .LBB2_1-.Ltmp0, $4  }
0x14: {  	s13 =	sadd.s32 $0x9C50, s9;
	s15 =	sadd.s32 $0x9C60, s9;
	s14 =	ssub.s32 s12, s26  }
0x15: {  	p0 =	slt.s32 s7, $0x1;
	[dreg:$0x6] =	wrdreg s29;
	s16 =	sshll.u32 s14, $0x10  }
0x16: {  	s22 =	simm.s32 $0x80;
	s12 =	sadd.s32 $0x10, s9;
	s16 =	sshra.s32 s16, $0x10  }
0x17: {  	s26 =	simm.s32 $0x1;
	s14 =	sadd.s32 $0x20, s9;
	s16 =	sadd.s32 $0xF, s16  }
.LBB2_3:
0x18: {  	_ =	swait.ge [sflag:s16], $0x4000  }
0x19: {  	s2 =	sadd.s32 $0x1, s2;
	[sflag:s16] =	ssyncset.done $0x0  }
0x1a: {  	p1 =	sne.s32 s2, s18;
	[sflag:s16] =	ssyncadd.s32 $0xFFFFC000  }
.Ltmp1:
0x1b: {  	[bflag:$0x0] =	sbarrier.arrive $0xFFFF;
	(pc) =	sbr.rel @!p1 .LBB2_4-.Ltmp1, $4  }
0x1c: {  	[hbm:s17], [sflag:s10] =	dma.local [spmem:s19], $0x2800  }
0x1d: {  	_ =	swait.ge [sflag:s20], $0x2800  }
0x1e: {  	[sflag:s20] =	ssyncset.done $0x0  }
0x1f: {  	[sflag:s20] =	ssyncadd.s32 $0xFFFFD800  }
.LBB2_1:
0x20: {  	s1 =	rddreg [dreg:$0x5]  }
0x21: {  	[spmem:s19], [sflag:s10] =	dma.local [hbm:s1], $0x2800  }
0x22: {  	_ =	swait.ge [sflag:s20], $0x2800  }
0x23: {  	[sflag:s20] =	ssyncset.done $0x0  }
0x24: {  	[sflag:s20] =	ssyncadd.s32 $0xFFFFD800  }
0x25: {  	[bflag:$0x0] =	sbarrier.arrive $0xFFFF  }
0x26: {  	[tilespmem:s5], [sflag:$0x1] =	stream.linear.gather [hbm4b:s9+s5], $0x80, $0x38;
	[tilespmem:$0x1C800] =	vst v63  }
0x27: {  	s8 =	simm.s32 $0x400;
	s11 =	rddreg [dreg:$0x6]  }
0x28: {  	[tilespmem:s8], [sflag:$0x7] =	stream.linear.gather [hbm4b:s11+s5], $0x80, $0x38;
	[tilespmem:$0x1C800] =	vst v63  }
0x29: {  	_ = 	snop  }
0x2a: {  	[tilespmem:s22], [sflag:$0x2] =	stream.linear.gather [hbm4b:s12+s5], $0x80, $0x38;
	[tilespmem:$0x1C800] =	vst v63  }
0x2b: {  	s21 =	simm.s32 $0x480  }
0x2c: {  	[tilespmem:s21], [sflag:$0x8] =	stream.linear.gather [hbm4b:s13+s5], $0x80, $0x38;
	[tilespmem:$0x1C800] =	vst v63  }
0x2d: {  	s23 =	simm.s32 $0x100  }
0x2e: {  	[tilespmem:s23], [sflag:$0x3] =	stream.linear.gather [hbm4b:s14+s5], $0x80, $0x38;
	[tilespmem:$0x1C800] =	vst v63  }
0x2f: {  	s24 =	simm.s32 $0x500  }
0x30: {  	[tilespmem:s24], [sflag:$0x9] =	stream.linear.gather [hbm4b:s15+s5], $0x80, $0x38;
	[tilespmem:$0x1C800] =	vst v63  }
0x31: {  	_ =	swait.ge [sflag:s26], $0x80  }
0x32: {  	[sflag:s26] =	ssyncset.done $0x0  }
0x33: {  	[sflag:s26] =	ssyncadd.s32 $0xFFFFFF80  }
0x34: {  	_ =	swait.ge [sflag:s28], $0x80  }
0x35: {  	[sflag:s28] =	ssyncset.done $0x0  }
0x36: {  	s25 =	simm.s32 $0x800;
	[sflag:s28] =	ssyncadd.s32 $0xFFFFFF80  }
0x37: {  	[tilespmem:s25], [sflag:$0xD] =	stream.indirect.gather [hbm4b:s3+s22], $0x80, s5, s22, $0xb8;
	[tilespmem:$0x1C800] =	vst v63  }
0x38: {  	_ =	swait.ge [sflag:s30], $0x80  }
0x39: {  	[sflag:s30] =	ssyncset.done $0x0  }
.Ltmp2:
0x3a: {  	[sflag:s30] =	ssyncadd.s32 $0xFFFFFF80;
	(pc) =	sbr.rel @p0 .LBB2_3-.Ltmp2, $4  }
0x3b: {  	_ =	swait.ge [sflag:s31], $0x80  }
0x3c: {  	[sflag:s31] =	ssyncset.done $0x0  }
0x3d: {  	s29 =	simm.s32 $0x4800;
	s21 =	simm.s32 $0x0;
	[sflag:s31] =	ssyncadd.s32 $0xFFFFFF80  }
0x3e: {  	[tilespmem:s29], [sflag:$0xE] =	stream.indirect.gather [hbm4b:s3+s22], $0x80, s22, s22, $0xb8;
	[tilespmem:$0x1C800] =	vst v63  }
.LBB2_2:
0x3f: {  	s23 =	sadd.s32 $0x3, s21  }
0x40: {  	p1 =	sge.s32 s23, s7  }
0x41: {  	s24 =	smulhi.u32 @!p1 $0xAAAAAAAB, s23;
	_ =	sdelay $0x1  }
0x42: {  	s25 =	smulhi.u32 $0xAAAAAAAB, s21;
	s24 =	sshrl.u32 @!p1 s24, $0x2  }
0x43: {  	s24 =	smul.u32 @!p1 $0x6, s24;
	_ =	sdelay $0x1  }
0x44: {  	s25 =	sshrl.u32 s25, $0x2;
	s24 =	ssub.s32 @!p1 s23, s24;
	s23 =	sadd.s32 @!p1 s6, s23  }
0x45: {  	s11 =	simm.s32 @!p1 $0x0;
	s25 =	smul.u32 $0x6, s25;
	s23 =	sshll.u32 @!p1 s23, $0x4  }
0x46: {  	s29 =	sshll.u32 @!p1 s24, $0x7;
	s1 =	sadd.s32 @!p1 $0x1, s24;
	s8 =	sadd.s32 @!p1 s0, s23  }
0x47: {  	[tilespmem:s29], [sflag:s1] =	stream.linear.gather @!p1 [hbm4b:s8+s11], $0x80, $0x38;
	[tilespmem:$0x1C800] =	vst v63  }
0x48: {  	s1 =	sand.u32 @!p1 $0x1FFFFFF0, s23  }
0x49: {  	s24 =	sadd.s32 @!p1 $0x7, s24;
	s8 =	ssub.s32 s21, s25;
	s1 =	sadd.s32 @!p1 s0, s1  }
0x4a: {  	s23 =	sand.u32 $0x1, s21;
	s25 =	sor.u32 @!p1 $0x400, s29;
	s1 =	sadd.s32 @!p1 $0x9C40, s1  }
0x4b: {  	[tilespmem:s25], [sflag:s24] =	stream.linear.gather @!p1 [hbm4b:s1+s11], $0x80, $0x38;
	[tilespmem:$0x1C800] =	vst v63  }
0x4c: {  	s8 =	sshll.u32 s8, $0x7;
	s29 =	sadd.s32 $0xF, s23;
	p1 =	seq.s32 s21, $0x0  }
0x4d: {  	s8 =	sand.u32 $0x3FFFFF80, s8;
	s25 =	sadd.s32 $0xD, s23;
	s21 =	sadd.s32 @!p1 $0x1, s21  }
0x4e: {  	s24 =	sshll.u32 s23, $0xE;
	_ =	swait.ge [sflag:s25], $0x4000;
	p2 =	sge.s32 @!p1 s21, s7  }
0x4f: {  	s8 =	sadd.s32 $0x400, s8;
	[sflag:s25] =	ssyncset.done $0x0;
	p2 =	por p2, p1  }
0x50: {  	s1 =	sor.u32 $0x800, s24;
	[sflag:s25] =	ssyncadd.s32 $0xFFFFC000;
	s24 =	smulhi.u32 @!p2 $0xAAAAAAAB, s21  }
0x51: {  	[spmem:s4] =	stream.indirect.scatter.add.f32 [tilespmem:s1], [sflag:s29], $0x80, s8, s22, $0xb8;
	[tilespmem:$0x1C800] =	vst v63  }
0x52: {  	s1 =	sxor.u32 @!p1 $0x1, s23;
	s8 =	sshrl.u32 @!p2 s24, $0x2  }
0x53: {  	s11 =	sadd.s32 @!p1 $0xF, s1;
	s8 =	smul.u32 @!p2 $0x6, s8  }
0x54: {  	_ =	swait.ge @!p1 [sflag:s11], $0x4000  }
0x55: {  	[sflag:s11] =	ssyncset.done @!p1 $0x0;
	s8 =	ssub.s32 @!p2 s21, s8  }
0x56: {  	[sflag:s11] =	ssyncadd.s32 @!p1 $0xFFFFC000;
	s11 =	sadd.s32 @!p2 $0x1, s8  }
0x57: {  	s21 =	simm.s32 @p1 $0x1;
	_ =	swait.ge @!p2 [sflag:s11], $0x80  }
0x58: {  	p1 =	slt.s32 s21, s7;
	[sflag:s11] =	ssyncset.done @!p2 $0x0  }
.Ltmp3:
0x59: {  	[sflag:s11] =	ssyncadd.s32 @!p2 $0xFFFFFF80;
	s11 =	sadd.s32 @!p2 $0x7, s8;
	(pc) =	sbr.rel @p1 .LBB2_2-.Ltmp3, $4  }
0x5a: {  	s23 =	sshll.u32 @!p2 s1, $0xE;
	_ =	swait.ge @!p2 [sflag:s11], $0x80  }
0x5b: {  	s1 =	sadd.s32 @!p2 $0xD, s1;
	s23 =	sor.u32 @!p2 $0x800, s23;
	[sflag:s11] =	ssyncset.done @!p2 $0x0  }
0x5c: {  	s8 =	sshll.u32 @!p2 s8, $0x7;
	[sflag:s11] =	ssyncadd.s32 @!p2 $0xFFFFFF80;
	s11 =	simm.s32 @!p2 $0x80  }
0x5d: {  	[tilespmem:s23], [sflag:s1] =	stream.indirect.gather @!p2 [hbm4b:s3+s11], $0x80, s8, s11, $0xb8;
	[tilespmem:$0x1C800] =	vst v63  }
.Ltmp4:
0x5e: {  	_ = 	snop;
	(pc) =	sbr.rel .LBB2_3-.Ltmp4, $1  }
0x5f: {  	_ =	sdelay $0x3  }
.LBB2_4:
0x60: {  	_ =	sfence.sel $0x180000  }
0x61: {  	[bflag:$0x0] =	sbarrier.arrive $0xFFFF  }
0x62: {  	_ =	strace $0x9000004D  }
0x63: {  	s0 =	stileid.u32;
	[bflag:$0x2] =	sbarrier.arrive $0xFFFF  }
0x64: {  	p0 =	sne.s32 s0, $0x0;
	s0 =	rddreg [dreg:$0x4]  }
0x65: {  	s0 =	sadd.s32 @!p0 $0x100000, s0  }
0x66: {  	[sflag:s0] =	ssyncadd.tile.s32 @!p0 $0x1;
	_ =	shalt  }
.Lfunc_end2:
_tile_overlayer_lowered:
.L_overlay_start_2:
0x67: {  	(tag) =	ssettag $0x2  }
0x68: {  	s0 =	rddreg [dreg:$0x0];
	s2 =	stileid.u32  }
0x69: {  	s1 =	rddreg [dreg:$0x1];
	p0 =	sne.s32 s2, $0x0  }
0x6a: {  	s3 =	rddreg [dreg:$0x2];
	[bflag:$0x3] =	sbarrier.arrive $0xFFFF;
	s2 =	simm.s32 @!p0 $0x1C11  }
0x6b: {  	[timem:s3], [sflag:s2] =	dma.local @!p0 [hbm:s0], s1  }
0x6c: {  	s0 =	simm.s32 @!p0 $0x11  }
0x6d: {  	_ =	swait.ge @!p0 [sflag:s0], s1  }
0x6e: {  	s1 =	ssub.s32 @!p0 $0x0, s1;
	[sflag:s0] =	ssyncset.done @!p0 $0x0  }
0x6f: {  	[sflag:s0] =	ssyncadd.s32 @!p0 s1  }
0x70: {  	[bflag:$0x3] =	sbarrier.arrive $0xFFFF  }
0x71: {  	_ =	shalt  }

</sc_bundles>
